<compile_context>
chip_gen: v7x
topology: tpu7x:2x2x1
jax: 0.10.2.dev20260603
libtpu: 0.0.44.dev20260713+nightly
codegen_flags: <defaults>
</compile_context>

<pallas_src>
import jax
import jax.numpy as jnp
from jax import lax
from jax.experimental import pallas as pl
from jax.experimental.pallas import tpu as pltpu
from jax.experimental.pallas import tpu_sc as plsc

_N = 10000
_E = 320000
_D = 128

_NC = 2
_NS = 16
_NW = _NC * _NS
_K = 112
_EPT = -(-_E // (_NW * _K)) * _K
_E_PAD = _EPT * _NW
_CHUNKS = _EPT // _K
_C0 = 114
_C1 = 66
_CMX = max(_C0, _C1)
_NP = 10112
_ZR = _NP // _NS
_BM = 1000
_QH = 80
_BE = 4000


def _make_sc_agg():
    mesh = plsc.VectorSubcoreMesh(core_axis_name="c", subcore_axis_name="s")
    out_type = jax.ShapeDtypeStruct((_NC, _NP, _D), jnp.float32)
    scratch = [
        pltpu.VMEM((1, _K), jnp.int32),
        pltpu.VMEM((1, _K), jnp.int32),
        pltpu.VMEM((_CMX, _K), jnp.int32),
        pltpu.VMEM((_K, _D), jnp.float32),
        pltpu.VMEM((_K, _D), jnp.float32),
        pltpu.VMEM_SHARED((_NP, _D), jnp.float32),
        pltpu.SemaphoreType.DMA,
        pltpu.SemaphoreType.DMA,
        pltpu.SemaphoreType.DMA,
    ]

    def body(x_hbm, src_hbm, dst_hbm, out_p, sb0, sb1, didx, rows0, rows1,
             acc, gsem, ssem, isem):
        cid = lax.axis_index("c")
        sid = lax.axis_index("s")
        wid = sid * _NC + cid

        z16 = jnp.zeros((16,), jnp.float32)

        def zrow(i, carry):
            for j in range(_D // 16):
                rows0[i, pl.ds(j * 16, 16)] = z16
            return carry

        lax.fori_loop(0, _K, zrow, 0)
        for b in range(_ZR // _K):
            pltpu.sync_copy(rows0, acc.at[pl.ds(sid * _ZR + b * _K, _K)])
        rem = _ZR % _K
        pltpu.sync_copy(rows0.at[pl.ds(0, rem)],
                        acc.at[pl.ds(sid * _ZR + (_ZR // _K) * _K, rem)])
        wid2 = cid * _NS + sid
        nck = jnp.where(cid == 0, _C0, _C1)
        pltpu.sync_copy(dst_hbm.at[wid2], didx)
        pltpu.sync_copy(src_hbm.at[wid2, pl.ds(0, 1)], sb0)
        pltpu.async_copy(src_hbm.at[wid2, pl.ds(1, 1)], sb1, isem)
        pltpu.async_copy(x_hbm.at[sb0.at[0]], rows0, gsem)
        plsc.subcore_barrier()

        def step(c, buf, obuf, sb, osb, first, last, pf=True):
            if not first:
                pltpu.make_async_copy(obuf, acc.at[didx.at[c - 1]],
                                      ssem).wait()
            pltpu.make_async_copy(x_hbm.at[sb.at[0]], buf, gsem).wait()
            if not last:
                pltpu.make_async_copy(src_hbm.at[wid2, pl.ds(c + 1, 1)], osb,
                                      isem).wait()
                if pf:
                    pltpu.async_copy(src_hbm.at[wid2, pl.ds(c + 2, 1)], sb,
                                     isem)
                pltpu.async_copy(x_hbm.at[osb.at[0]], obuf, gsem)
            pltpu.async_copy(buf, acc.at[didx.at[c]], ssem, add=True)

        step(0, rows0, rows1, sb0, sb1, first=True, last=False)

        def pair(t, carry):
            c = 1 + 2 * t
            step(c, rows1, rows0, sb1, sb0, first=False, last=False)
            step(c + 1, rows0, rows1, sb0, sb1, first=False, last=False)
            return carry

        lax.fori_loop(0, (nck - 4) // 2, pair, 0)
        step(nck - 3, rows1, rows0, sb1, sb0, first=False, last=False)
        step(nck - 2, rows0, rows1, sb0, sb1, first=False, last=False,
             pf=False)
        step(nck - 1, rows1, rows0, sb1, sb0, first=False, last=True)
        pltpu.make_async_copy(rows1, acc.at[didx.at[nck - 1]],
                              ssem).wait()

        plsc.subcore_barrier()
        for b in range(_ZR // _K):
            r0 = sid * _ZR + b * _K
            pltpu.sync_copy(acc.at[pl.ds(r0, _K)], out_p.at[cid, pl.ds(r0, _K)])
        r0 = sid * _ZR + (_ZR // _K) * _K
        pltpu.sync_copy(acc.at[pl.ds(r0, rem)], out_p.at[cid, pl.ds(r0, rem)])

    return pl.kernel(body, out_type=out_type, mesh=mesh,
                     scratch_types=scratch)


_sc_agg = _make_sc_agg()


_DB = 8 * _D


def _make_tc_deg():
    def body(d_ref, o_ref):
        s = d_ref[...]
        r = lax.broadcasted_iota(jnp.int32, (_DB, 8), 0)
        q = lax.broadcasted_iota(jnp.int32, (_DB, 8), 1)
        sel = (q == r // _D).astype(jnp.float32)
        drow = lax.dot_general(sel, s, (((1,), (0,)), ((), ())),
                               preferred_element_type=jnp.float32)
        jj = lax.broadcasted_iota(jnp.int32, (_DB, _D), 0)
        ll = lax.broadcasted_iota(jnp.int32, (_DB, _D), 1)
        dsel = jnp.where(ll == jj % _D, drow, 0.0)
        o_ref[...] = jnp.sum(dsel, axis=1, keepdims=True)

    return pl.pallas_call(
        body,
        grid=(_QH // 8,),
        in_specs=[pl.BlockSpec((8, _D), lambda j: (j, 0))],
        out_specs=pl.BlockSpec((_DB, 1), lambda j: (j, 0)),
        out_shape=jax.ShapeDtypeStruct((_QH * _D, 1), jnp.float32),
    )


def _make_tc_layer(relu: bool):
    def body(p_ref, d_ref, x_ref, wl_ref, bl_ref, wr_ref, o_ref):
        agg = p_ref[0] + p_ref[1]
        mean = agg / jnp.maximum(d_ref[...], 1.0)
        h = lax.dot_general(mean, wl_ref[...], (((1,), (1,)), ((), ())),
                            preferred_element_type=jnp.float32)
        h = h + bl_ref[...]
        h = h + lax.dot_general(x_ref[...], wr_ref[...],
                                (((1,), (1,)), ((), ())),
                                preferred_element_type=jnp.float32)
        if relu:
            h = jnp.maximum(h, 0.0)
        o_ref[...] = h

    return pl.pallas_call(
        body,
        grid=(_N // _BM,),
        in_specs=[
            pl.BlockSpec((2, _BM, _D), lambda i: (0, i, 0)),
            pl.BlockSpec((_BM, 1), lambda i: (i, 0)),
            pl.BlockSpec((_BM, _D), lambda i: (i, 0)),
            pl.BlockSpec((_D, _D), lambda i: (0, 0)),
            pl.BlockSpec((1, _D), lambda i: (0, 0)),
            pl.BlockSpec((_D, _D), lambda i: (0, 0)),
        ],
        out_specs=pl.BlockSpec((_BM, _D), lambda i: (i, 0)),
        out_shape=jax.ShapeDtypeStruct((_N, _D), jnp.float32),
    )


def _make_tc_hist():
    def body(d_ref, o_ref):
        d = d_ref[...]
        q = d // _D
        l = d % _D
        iq = lax.broadcasted_iota(jnp.int32, (_BE, _QH), 1)
        il = lax.broadcasted_iota(jnp.int32, (_BE, _D), 1)
        oq = (iq == q).astype(jnp.float32)
        ol = (il == l).astype(jnp.float32)
        part = lax.dot_general(oq, ol, (((0,), (0,)), ((), ())),
                               preferred_element_type=jnp.float32)

        @pl.when(pl.program_id(0) == 0)
        def _():
            o_ref[...] = jnp.zeros_like(o_ref)

        o_ref[...] += part

    return pl.pallas_call(
        body,
        grid=(_E // _BE,),
        in_specs=[pl.BlockSpec((_BE, 1), lambda i: (i, 0))],
        out_specs=pl.BlockSpec((_QH, _D), lambda i: (0, 0)),
        out_shape=jax.ShapeDtypeStruct((_QH, _D), jnp.float32),
    )



_tc_hist = _make_tc_hist()
_tc_deg = _make_tc_deg()
_tc_relu = _make_tc_layer(relu=True)
_tc_lin = _make_tc_layer(relu=False)


def kernel(x, edge_index, W_l1, b_l1, W_r1, W_l2, b_l2, W_r2):
    src = edge_index[0]
    dst = edge_index[1]
    pad = _E_PAD - _E
    src_r = jnp.concatenate([src, jnp.zeros((pad,), jnp.int32)])
    dst_r = jnp.concatenate([dst, jnp.full((pad,), _N, jnp.int32)])
    def _to_tiles(a):
        flat = a.reshape(_NS * (_C0 + _C1), _K)
        t0 = flat[:_NS * _C0].reshape(_NS, _C0, _K)
        t0 = jnp.pad(t0, ((0, 0), (0, _CMX - _C0), (0, 0)))
        t1 = flat[_NS * _C0:].reshape(_NS, _C1, _K)
        t1 = jnp.pad(t1, ((0, 0), (0, _CMX - _C1), (0, 0)))
        return jnp.concatenate([t0, t1])
    src_r = _to_tiles(src_r)
    dst_r = _to_tiles(dst_r)

    dcol = _tc_deg(_tc_hist(dst.reshape(_E, 1)))
    p1 = _sc_agg(x, src_r, dst_r)
    h = _tc_relu(p1, dcol, x, W_l1, b_l1.reshape(1, _D), W_r1)
    p2 = _sc_agg(h, src_r, dst_r)
    out = _tc_lin(p2, dcol, h, W_l2, b_l2.reshape(1, _D), W_r2)
    return out

# --- scband reference (transcript-rebuilt; emitter-appended) ---
"""Pipeline reference for scband-graph-sage-5626407158206 (READ-ONLY COPY).

The authoritative reference and input builder live on the scoring server;
editing this copy changes nothing except your own understanding.
"""

import jax, jax.numpy as jnp
import numpy as np

N = 10000
E = 320000
D_IN = 128
D_HID = 128
D_OUT = 128


def setup_inputs(seed: int = 0) -> dict:
    key = jax.random.key(seed)
    ks = jax.random.split(key, 10)
    x = jax.random.normal(ks[0], (N, D_IN), dtype=jnp.float32)
    edge_index = jax.random.randint(ks[1], (2, E), 0, N, dtype=jnp.int32)
    s1 = 1.0 / np.sqrt(D_IN)
    s2 = 1.0 / np.sqrt(D_HID)
    W_l1 = jax.random.uniform(ks[2], (D_HID, D_IN), jnp.float32, -s1, s1)
    b_l1 = jax.random.uniform(ks[3], (D_HID,), jnp.float32, -s1, s1)
    W_r1 = jax.random.uniform(ks[4], (D_HID, D_IN), jnp.float32, -s1, s1)
    W_l2 = jax.random.uniform(ks[5], (D_OUT, D_HID), jnp.float32, -s2, s2)
    b_l2 = jax.random.uniform(ks[6], (D_OUT,), jnp.float32, -s2, s2)
    W_r2 = jax.random.uniform(ks[7], (D_OUT, D_HID), jnp.float32, -s2, s2)
    return {"x": x, "edge_index": edge_index, "W_l1": W_l1, "b_l1": b_l1,
            "W_r1": W_r1, "W_l2": W_l2, "b_l2": b_l2, "W_r2": W_r2}


def _sage_conv(x, src, dst, W_l, b_l, W_r, n_nodes):
    # PyG SAGEConv: out = lin_l(mean_{j in N(i)} x_j) + lin_r(x_i)
    msgs = jnp.take(x, src, axis=0)                      # gather (SparseCore)
    agg = jax.ops.segment_sum(msgs, dst, num_segments=n_nodes)  # scatter-add
    deg = jax.ops.segment_sum(jnp.ones((src.shape[0],), dtype=x.dtype), dst,
                              num_segments=n_nodes)
    agg = agg / jnp.maximum(deg, 1.0)[:, None]           # mean aggregation
    return agg @ W_l.T + b_l + x @ W_r.T


def reference(x, edge_index, W_l1, b_l1, W_r1, W_l2, b_l2, W_r2):
    src = edge_index[0]
    dst = edge_index[1]
    h = _sage_conv(x, src, dst, W_l1, b_l1, W_r1, N)
    h = jax.nn.relu(h)
    # dropout p=0.0 -> identity
    h = _sage_conv(h, src, dst, W_l2, b_l2, W_r2, N)
    return h

if __name__ == "__main__":
    import jax
    _d = setup_inputs()
    print(jax.jit(kernel)(*tuple(_d.values())))

</pallas_src>

<mosaic_0001>
#map = affine_map<(d0, d1) -> (0, 0)>
#map1 = affine_map<(d0, d1) -> (0, 0, 0)>
module attributes {stable_mosaic.version = 14 : i64} {
  func.func @body(%arg0: i32, %arg1: i32, %arg2: memref<10000x128xf32, #tpu.memory_space<hbm>>, %arg3: memref<32x114x112xi32, #tpu.memory_space<hbm>>, %arg4: memref<32x114x112xi32, #tpu.memory_space<hbm>>, %arg5: memref<2x10112x128xf32, #tpu.memory_space<hbm>>, %arg6: memref<1x112xi32, #tpu.memory_space<vmem>>, %arg7: memref<1x112xi32, #tpu.memory_space<vmem>>, %arg8: memref<114x112xi32, #tpu.memory_space<vmem>>, %arg9: memref<112x128xf32, #tpu.memory_space<vmem>>, %arg10: memref<112x128xf32, #tpu.memory_space<vmem>>, %arg11: memref<10112x128xf32, #tpu.memory_space<vmem_shared>>, %arg12: memref<!tpu.dma_semaphore, #tpu.memory_space<semaphore_mem>>, %arg13: memref<!tpu.dma_semaphore, #tpu.memory_space<semaphore_mem>>, %arg14: memref<!tpu.dma_semaphore, #tpu.memory_space<semaphore_mem>>) attributes {dimension_semantics = [#tpu.dimension_semantics<core_parallel>, #tpu.dimension_semantics<subcore_parallel>], iteration_bounds = array<i64: 2, 16>, scalar_prefetch = 0 : i64, scratch_operands = 9 : i64, tpu.core_type = #tpu.core_type<sc_vector_subcore>, window_params = [{transform_indices = #map}, {transform_indices = #map1}, {transform_indices = #map1}, {transform_indices = #map1}]} {
    %mul3A = arith.constant 2 : i32
    %mul3A_0 = arith.muli %arg1, %mul3A : i32
    %add3A = arith.addi %mul3A_0, %arg0 : i32
    %broadcast_in_dim3A = arith.constant 0.000000e+00 : f32
    %broadcast_in_dim3A_1 = vector.broadcast %broadcast_in_dim3A : f32 to vector<16xf32>
    %scan3A = arith.constant 0 : i32
    %scan3A_2 = arith.constant 0 : i32
    %scan3A_3 = arith.constant 112 : i32
    %scan3A_4 = arith.addi %scan3A_2, %scan3A_3 : i32
    %scan3A_5 = arith.constant 1 : i32
    scf.for %scan3A_255 = %scan3A_2 to %scan3A_4 step %scan3A_5  : i32 {
      %swap3A = arith.index_cast %scan3A_255 : i32 to index
      %swap3A_256 = arith.constant 0 : index
      %swap3A_257 = tpu.vector_load %arg9[%swap3A, %swap3A_256] {strides = array<i32>} : memref<112x128xf32, #tpu.memory_space<vmem>>, vector<1x16xf32>,
      %swap3A_258 = vector.shape_cast %swap3A_257 : vector<1x16xf32> to vector<16xf32>
      %swap3A_259 = vector.shape_cast %broadcast_in_dim3A_1 : vector<16xf32> to vector<1x16xf32>
      tpu.vector_store %arg9[%swap3A, %swap3A_256], %swap3A_259 {strides = array<i32>} : memref<112x128xf32, #tpu.memory_space<vmem>>, vector<1x16xf32>,
      %swap3A_260 = arith.index_cast %scan3A_255 : i32 to index
      %swap3A_261 = arith.constant 16 : index
      %swap3A_262 = tpu.vector_load %arg9[%swap3A_260, %swap3A_261] {strides = array<i32>} : memref<112x128xf32, #tpu.memory_space<vmem>>, vector<1x16xf32>,
      %swap3A_263 = vector.shape_cast %swap3A_262 : vector<1x16xf32> to vector<16xf32>
      %swap3A_264 = vector.shape_cast %broadcast_in_dim3A_1 : vector<16xf32> to vector<1x16xf32>
      tpu.vector_store %arg9[%swap3A_260, %swap3A_261], %swap3A_264 {strides = array<i32>} : memref<112x128xf32, #tpu.memory_space<vmem>>, vector<1x16xf32>,
      %swap3A_265 = arith.index_cast %scan3A_255 : i32 to index
      %swap3A_266 = arith.constant 32 : index
      %swap3A_267 = tpu.vector_load %arg9[%swap3A_265, %swap3A_266] {strides = array<i32>} : memref<112x128xf32, #tpu.memory_space<vmem>>, vector<1x16xf32>,
      %swap3A_268 = vector.shape_cast %swap3A_267 : vector<1x16xf32> to vector<16xf32>
      %swap3A_269 = vector.shape_cast %broadcast_in_dim3A_1 : vector<16xf32> to vector<1x16xf32>
      tpu.vector_store %arg9[%swap3A_265, %swap3A_266], %swap3A_269 {strides = array<i32>} : memref<112x128xf32, #tpu.memory_space<vmem>>, vector<1x16xf32>,
      %swap3A_270 = arith.index_cast %scan3A_255 : i32 to index
      %swap3A_271 = arith.constant 48 : index
      %swap3A_272 = tpu.vector_load %arg9[%swap3A_270, %swap3A_271] {strides = array<i32>} : memref<112x128xf32, #tpu.memory_space<vmem>>, vector<1x16xf32>,
      %swap3A_273 = vector.shape_cast %swap3A_272 : vector<1x16xf32> to vector<16xf32>
      %swap3A_274 = vector.shape_cast %broadcast_in_dim3A_1 : vector<16xf32> to vector<1x16xf32>
      tpu.vector_store %arg9[%swap3A_270, %swap3A_271], %swap3A_274 {strides = array<i32>} : memref<112x128xf32, #tpu.memory_space<vmem>>, vector<1x16xf32>,
      %swap3A_275 = arith.index_cast %scan3A_255 : i32 to index
      %swap3A_276 = arith.constant 64 : index
      %swap3A_277 = tpu.vector_load %arg9[%swap3A_275, %swap3A_276] {strides = array<i32>} : memref<112x128xf32, #tpu.memory_space<vmem>>, vector<1x16xf32>,
      %swap3A_278 = vector.shape_cast %swap3A_277 : vector<1x16xf32> to vector<16xf32>
      %swap3A_279 = vector.shape_cast %broadcast_in_dim3A_1 : vector<16xf32> to vector<1x16xf32>
      tpu.vector_store %arg9[%swap3A_275, %swap3A_276], %swap3A_279 {strides = array<i32>} : memref<112x128xf32, #tpu.memory_space<vmem>>, vector<1x16xf32>,
      %swap3A_280 = arith.index_cast %scan3A_255 : i32 to index
      %swap3A_281 = arith.constant 80 : index
      %swap3A_282 = tpu.vector_load %arg9[%swap3A_280, %swap3A_281] {strides = array<i32>} : memref<112x128xf32, #tpu.memory_space<vmem>>, vector<1x16xf32>,
      %swap3A_283 = vector.shape_cast %swap3A_282 : vector<1x16xf32> to vector<16xf32>
      %swap3A_284 = vector.shape_cast %broadcast_in_dim3A_1 : vector<16xf32> to vector<1x16xf32>
      tpu.vector_store %arg9[%swap3A_280, %swap3A_281], %swap3A_284 {strides = array<i32>} : memref<112x128xf32, #tpu.memory_space<vmem>>, vector<1x16xf32>,
      %swap3A_285 = arith.index_cast %scan3A_255 : i32 to index
      %swap3A_286 = arith.constant 96 : index
      %swap3A_287 = tpu.vector_load %arg9[%swap3A_285, %swap3A_286] {strides = array<i32>} : memref<112x128xf32, #tpu.memory_space<vmem>>, vector<1x16xf32>,
      %swap3A_288 = vector.shape_cast %swap3A_287 : vector<1x16xf32> to vector<16xf32>
      %swap3A_289 = vector.shape_cast %broadcast_in_dim3A_1 : vector<16xf32> to vector<1x16xf32>
      tpu.vector_store %arg9[%swap3A_285, %swap3A_286], %swap3A_289 {strides = array<i32>} : memref<112x128xf32, #tpu.memory_space<vmem>>, vector<1x16xf32>,
      %swap3A_290 = arith.index_cast %scan3A_255 : i32 to index
      %swap3A_291 = arith.constant 112 : index
      %swap3A_292 = tpu.vector_load %arg9[%swap3A_290, %swap3A_291] {strides = array<i32>} : memref<112x128xf32, #tpu.memory_space<vmem>>, vector<1x16xf32>,
      %swap3A_293 = vector.shape_cast %swap3A_292 : vector<1x16xf32> to vector<16xf32>
      %swap3A_294 = vector.shape_cast %broadcast_in_dim3A_1 : vector<16xf32> to vector<1x16xf32>
      tpu.vector_store %arg9[%swap3A_290, %swap3A_291], %swap3A_294 {strides = array<i32>} : memref<112x128xf32, #tpu.memory_space<vmem>>, vector<1x16xf32>,
    }
    %scan3A_6 = arith.constant 112 : i32
    %mul3A_7 = arith.constant 632 : i32
    %mul3A_8 = arith.muli %arg1, %mul3A_7 : i32
    %add3A_9 = arith.constant 0 : i32
    %add3A_10 = arith.addi %mul3A_8, %add3A_9 : i32
    "tpu.region"() ({
      %run_scoped3A = tpu.sem_alloc : memref<!tpu.dma_semaphore, #tpu.memory_space<semaphore_mem>>
      %dma_start3A_255 = arith.constant 0 : i32
      %dma_start3A_256 = tpu.memref_slice %arg11[%add3A_10, %dma_start3A_255] : memref<10112x128xf32, #tpu.memory_space<vmem_shared>> -> memref<112x128xf32, #tpu.memory_space<vmem_shared>>
      %dma_start3A_257 = arith.constant 0 : i32
      %dma_start3A_258 = tpu.memref_slice %arg11[%add3A_10, %dma_start3A_257] : memref<10112x128xf32, #tpu.memory_space<vmem_shared>> -> memref<112x128xf32, #tpu.memory_space<vmem_shared>>
      tpu.enqueue_dma source(%arg9 : memref<112x128xf32, #tpu.memory_space<vmem>>) target(%dma_start3A_258 : memref<112x128xf32, #tpu.memory_space<vmem_shared>>) target_semaphore(%run_scoped3A : memref<!tpu.dma_semaphore, #tpu.memory_space<semaphore_mem>>)
      %dma_wait3A_259 = arith.constant 0 : i32
      %dma_wait3A_260 = tpu.memref_slice %arg11[%add3A_10, %dma_wait3A_259] : memref<10112x128xf32, #tpu.memory_space<vmem_shared>> -> memref<112x128xf32, #tpu.memory_space<vmem_shared>>
      %dma_wait3A_261 = arith.constant 0 : i32
      %dma_wait3A_262 = tpu.memref_slice %arg11[%add3A_10, %dma_wait3A_261] : memref<10112x128xf32, #tpu.memory_space<vmem_shared>> -> memref<112x128xf32, #tpu.memory_space<vmem_shared>>
      tpu.wait_dma2 semaphore(%run_scoped3A : memref<!tpu.dma_semaphore, #tpu.memory_space<semaphore_mem>>) src(%arg9 : memref<112x128xf32, #tpu.memory_space<vmem>>) dst(%dma_wait3A_262 : memref<112x128xf32, #tpu.memory_space<vmem_shared>>)
      tpu.yield
    }) : () -> ()
    %mul3A_11 = arith.constant 632 : i32
    %mul3A_12 = arith.muli %arg1, %mul3A_11 : i32
    %add3A_13 = arith.constant 112 : i32
    %add3A_14 = arith.addi %mul3A_12, %add3A_13 : i32
    "tpu.region"() ({
      %run_scoped3A = tpu.sem_alloc : memref<!tpu.dma_semaphore, #tpu.memory_space<semaphore_mem>>
      %dma_start3A_255 = arith.constant 0 : i32
      %dma_start3A_256 = tpu.memref_slice %arg11[%add3A_14, %dma_start3A_255] : memref<10112x128xf32, #tpu.memory_space<vmem_shared>> -> memref<112x128xf32, #tpu.memory_space<vmem_shared>>
      %dma_start3A_257 = arith.constant 0 : i32
      %dma_start3A_258 = tpu.memref_slice %arg11[%add3A_14, %dma_start3A_257] : memref<10112x128xf32, #tpu.memory_space<vmem_shared>> -> memref<112x128xf32, #tpu.memory_space<vmem_shared>>
      tpu.enqueue_dma source(%arg9 : memref<112x128xf32, #tpu.memory_space<vmem>>) target(%dma_start3A_258 : memref<112x128xf32, #tpu.memory_space<vmem_shared>>) target_semaphore(%run_scoped3A : memref<!tpu.dma_semaphore, #tpu.memory_space<semaphore_mem>>)
      %dma_wait3A_259 = arith.constant 0 : i32
      %dma_wait3A_260 = tpu.memref_slice %arg11[%add3A_14, %dma_wait3A_259] : memref<10112x128xf32, #tpu.memory_space<vmem_shared>> -> memref<112x128xf32, #tpu.memory_space<vmem_shared>>
      %dma_wait3A_261 = arith.constant 0 : i32
      %dma_wait3A_262 = tpu.memref_slice %arg11[%add3A_14, %dma_wait3A_261] : memref<10112x128xf32, #tpu.memory_space<vmem_shared>> -> memref<112x128xf32, #tpu.memory_space<vmem_shared>>
      tpu.wait_dma2 semaphore(%run_scoped3A : memref<!tpu.dma_semaphore, #tpu.memory_space<semaphore_mem>>) src(%arg9 : memref<112x128xf32, #tpu.memory_space<vmem>>) dst(%dma_wait3A_262 : memref<112x128xf32, #tpu.memory_space<vmem_shared>>)
      tpu.yield
    }) : () -> ()
    %mul3A_15 = arith.constant 632 : i32
    %mul3A_16 = arith.muli %arg1, %mul3A_15 : i32
    %add3A_17 = arith.constant 224 : i32
    %add3A_18 = arith.addi %mul3A_16, %add3A_17 : i32
    "tpu.region"() ({
      %run_scoped3A = tpu.sem_alloc : memref<!tpu.dma_semaphore, #tpu.memory_space<semaphore_mem>>
      %dma_start3A_255 = arith.constant 0 : i32
      %dma_start3A_256 = tpu.memref_slice %arg11[%add3A_18, %dma_start3A_255] : memref<10112x128xf32, #tpu.memory_space<vmem_shared>> -> memref<112x128xf32, #tpu.memory_space<vmem_shared>>
      %dma_start3A_257 = arith.constant 0 : i32
      %dma_start3A_258 = tpu.memref_slice %arg11[%add3A_18, %dma_start3A_257] : memref<10112x128xf32, #tpu.memory_space<vmem_shared>> -> memref<112x128xf32, #tpu.memory_space<vmem_shared>>
      tpu.enqueue_dma source(%arg9 : memref<112x128xf32, #tpu.memory_space<vmem>>) target(%dma_start3A_258 : memref<112x128xf32, #tpu.memory_space<vmem_shared>>) target_semaphore(%run_scoped3A : memref<!tpu.dma_semaphore, #tpu.memory_space<semaphore_mem>>)
      %dma_wait3A_259 = arith.constant 0 : i32
      %dma_wait3A_260 = tpu.memref_slice %arg11[%add3A_18, %dma_wait3A_259] : memref<10112x128xf32, #tpu.memory_space<vmem_shared>> -> memref<112x128xf32, #tpu.memory_space<vmem_shared>>
      %dma_wait3A_261 = arith.constant 0 : i32
      %dma_wait3A_262 = tpu.memref_slice %arg11[%add3A_18, %dma_wait3A_261] : memref<10112x128xf32, #tpu.memory_space<vmem_shared>> -> memref<112x128xf32, #tpu.memory_space<vmem_shared>>
      tpu.wait_dma2 semaphore(%run_scoped3A : memref<!tpu.dma_semaphore, #tpu.memory_space<semaphore_mem>>) src(%arg9 : memref<112x128xf32, #tpu.memory_space<vmem>>) dst(%dma_wait3A_262 : memref<112x128xf32, #tpu.memory_space<vmem_shared>>)
      tpu.yield
    }) : () -> ()
    %mul3A_19 = arith.constant 632 : i32
    %mul3A_20 = arith.muli %arg1, %mul3A_19 : i32
    %add3A_21 = arith.constant 336 : i32
    %add3A_22 = arith.addi %mul3A_20, %add3A_21 : i32
    "tpu.region"() ({
      %run_scoped3A = tpu.sem_alloc : memref<!tpu.dma_semaphore, #tpu.memory_space<semaphore_mem>>
      %dma_start3A_255 = arith.constant 0 : i32
      %dma_start3A_256 = tpu.memref_slice %arg11[%add3A_22, %dma_start3A_255] : memref<10112x128xf32, #tpu.memory_space<vmem_shared>> -> memref<112x128xf32, #tpu.memory_space<vmem_shared>>
      %dma_start3A_257 = arith.constant 0 : i32
      %dma_start3A_258 = tpu.memref_slice %arg11[%add3A_22, %dma_start3A_257] : memref<10112x128xf32, #tpu.memory_space<vmem_shared>> -> memref<112x128xf32, #tpu.memory_space<vmem_shared>>
      tpu.enqueue_dma source(%arg9 : memref<112x128xf32, #tpu.memory_space<vmem>>) target(%dma_start3A_258 : memref<112x128xf32, #tpu.memory_space<vmem_shared>>) target_semaphore(%run_scoped3A : memref<!tpu.dma_semaphore, #tpu.memory_space<semaphore_mem>>)
      %dma_wait3A_259 = arith.constant 0 : i32
      %dma_wait3A_260 = tpu.memref_slice %arg11[%add3A_22, %dma_wait3A_259] : memref<10112x128xf32, #tpu.memory_space<vmem_shared>> -> memref<112x128xf32, #tpu.memory_space<vmem_shared>>
      %dma_wait3A_261 = arith.constant 0 : i32
      %dma_wait3A_262 = tpu.memref_slice %arg11[%add3A_22, %dma_wait3A_261] : memref<10112x128xf32, #tpu.memory_space<vmem_shared>> -> memref<112x128xf32, #tpu.memory_space<vmem_shared>>
      tpu.wait_dma2 semaphore(%run_scoped3A : memref<!tpu.dma_semaphore, #tpu.memory_space<semaphore_mem>>) src(%arg9 : memref<112x128xf32, #tpu.memory_space<vmem>>) dst(%dma_wait3A_262 : memref<112x128xf32, #tpu.memory_space<vmem_shared>>)
      tpu.yield
    }) : () -> ()
    %mul3A_23 = arith.constant 632 : i32
    %mul3A_24 = arith.muli %arg1, %mul3A_23 : i32
    %add3A_25 = arith.constant 448 : i32
    %add3A_26 = arith.addi %mul3A_24, %add3A_25 : i32
    "tpu.region"() ({
      %run_scoped3A = tpu.sem_alloc : memref<!tpu.dma_semaphore, #tpu.memory_space<semaphore_mem>>
      %dma_start3A_255 = arith.constant 0 : i32
      %dma_start3A_256 = tpu.memref_slice %arg11[%add3A_26, %dma_start3A_255] : memref<10112x128xf32, #tpu.memory_space<vmem_shared>> -> memref<112x128xf32, #tpu.memory_space<vmem_shared>>
      %dma_start3A_257 = arith.constant 0 : i32
      %dma_start3A_258 = tpu.memref_slice %arg11[%add3A_26, %dma_start3A_257] : memref<10112x128xf32, #tpu.memory_space<vmem_shared>> -> memref<112x128xf32, #tpu.memory_space<vmem_shared>>
      tpu.enqueue_dma source(%arg9 : memref<112x128xf32, #tpu.memory_space<vmem>>) target(%dma_start3A_258 : memref<112x128xf32, #tpu.memory_space<vmem_shared>>) target_semaphore(%run_scoped3A : memref<!tpu.dma_semaphore, #tpu.memory_space<semaphore_mem>>)
      %dma_wait3A_259 = arith.constant 0 : i32
      %dma_wait3A_260 = tpu.memref_slice %arg11[%add3A_26, %dma_wait3A_259] : memref<10112x128xf32, #tpu.memory_space<vmem_shared>> -> memref<112x128xf32, #tpu.memory_space<vmem_shared>>
      %dma_wait3A_261 = arith.constant 0 : i32
      %dma_wait3A_262 = tpu.memref_slice %arg11[%add3A_26, %dma_wait3A_261] : memref<10112x128xf32, #tpu.memory_space<vmem_shared>> -> memref<112x128xf32, #tpu.memory_space<vmem_shared>>
      tpu.wait_dma2 semaphore(%run_scoped3A : memref<!tpu.dma_semaphore, #tpu.memory_space<semaphore_mem>>) src(%arg9 : memref<112x128xf32, #tpu.memory_space<vmem>>) dst(%dma_wait3A_262 : memref<112x128xf32, #tpu.memory_space<vmem_shared>>)
      tpu.yield
    }) : () -> ()
    %mul3A_27 = arith.constant 632 : i32
    %mul3A_28 = arith.muli %arg1, %mul3A_27 : i32
    %add3A_29 = arith.constant 560 : i32
    %add3A_30 = arith.addi %mul3A_28, %add3A_29 : i32
    "tpu.region"() ({
      %run_scoped3A = tpu.sem_alloc : memref<!tpu.dma_semaphore, #tpu.memory_space<semaphore_mem>>
      %dma_start3A_255 = arith.constant 0 : i32
      %dma_start3A_256 = arith.constant 0 : i32
      %dma_start3A_257 = tpu.memref_slice %arg9[%dma_start3A_255, %dma_start3A_256] : memref<112x128xf32, #tpu.memory_space<vmem>> -> memref<72x128xf32, #tpu.memory_space<vmem>>
      %dma_start3A_258 = arith.constant 0 : i32
      %dma_start3A_259 = tpu.memref_slice %arg11[%add3A_30, %dma_start3A_258] : memref<10112x128xf32, #tpu.memory_space<vmem_shared>> -> memref<72x128xf32, #tpu.memory_space<vmem_shared>>
      %dma_start3A_260 = arith.constant 0 : i32
      %dma_start3A_261 = tpu.memref_slice %arg11[%add3A_30, %dma_start3A_260] : memref<10112x128xf32, #tpu.memory_space<vmem_shared>> -> memref<72x128xf32, #tpu.memory_space<vmem_shared>>
      %dma_start3A_262 = arith.constant 0 : i32
      %dma_start3A_263 = arith.constant 0 : i32
      %dma_start3A_264 = tpu.memref_slice %arg9[%dma_start3A_262, %dma_start3A_263] : memref<112x128xf32, #tpu.memory_space<vmem>> -> memref<72x128xf32, #tpu.memory_space<vmem>>
      tpu.enqueue_dma source(%dma_start3A_264 : memref<72x128xf32, #tpu.memory_space<vmem>>) target(%dma_start3A_261 : memref<72x128xf32, #tpu.memory_space<vmem_shared>>) target_semaphore(%run_scoped3A : memref<!tpu.dma_semaphore, #tpu.memory_space<semaphore_mem>>)
      %dma_wait3A_265 = arith.constant 0 : i32
      %dma_wait3A_266 = arith.constant 0 : i32
      %dma_wait3A_267 = tpu.memref_slice %arg9[%dma_wait3A_265, %dma_wait3A_266] : memref<112x128xf32, #tpu.memory_space<vmem>> -> memref<72x128xf32, #tpu.memory_space<vmem>>
      %dma_wait3A_268 = arith.constant 0 : i32
      %dma_wait3A_269 = tpu.memref_slice %arg11[%add3A_30, %dma_wait3A_268] : memref<10112x128xf32, #tpu.memory_space<vmem_shared>> -> memref<72x128xf32, #tpu.memory_space<vmem_shared>>
      %dma_wait3A_270 = arith.constant 0 : i32
      %dma_wait3A_271 = tpu.memref_slice %arg11[%add3A_30, %dma_wait3A_270] : memref<10112x128xf32, #tpu.memory_space<vmem_shared>> -> memref<72x128xf32, #tpu.memory_space<vmem_shared>>
      %dma_wait3A_272 = arith.constant 0 : i32
      %dma_wait3A_273 = arith.constant 0 : i32
      %dma_wait3A_274 = tpu.memref_slice %arg9[%dma_wait3A_272, %dma_wait3A_273] : memref<112x128xf32, #tpu.memory_space<vmem>> -> memref<72x128xf32, #tpu.memory_space<vmem>>
      tpu.wait_dma2 semaphore(%run_scoped3A : memref<!tpu.dma_semaphore, #tpu.memory_space<semaphore_mem>>) src(%dma_wait3A_274 : memref<72x128xf32, #tpu.memory_space<vmem>>) dst(%dma_wait3A_271 : memref<72x128xf32, #tpu.memory_space<vmem_shared>>)
      tpu.yield
    }) : () -> ()
    %mul3A_31 = arith.constant 16 : i32
    %mul3A_32 = arith.muli %arg0, %mul3A_31 : i32
    %add3A_33 = arith.addi %mul3A_32, %arg1 : i32
    %eq3A = arith.constant 0 : i32
    %eq3A_34 = arith.cmpi eq, %arg0, %eq3A : i32
    %jit3A = arith.constant 114 : i32
    %jit3A_35 = arith.constant 66 : i32
    %select_n3A = arith.select %eq3A_34, %jit3A, %jit3A_35 : i32
    "tpu.region"() ({
      %run_scoped3A = tpu.sem_alloc : memref<!tpu.dma_semaphore, #tpu.memory_space<semaphore_mem>>
      %dma_start3A_255 = arith.constant 0 : i32
      %dma_start3A_256 = arith.constant 0 : i32
      %dma_start3A_257 = tpu.memref_slice %arg4[%add3A_33, %dma_start3A_255, %dma_start3A_256] : memref<32x114x112xi32, #tpu.memory_space<hbm>> -> memref<1x114x112xi32, #tpu.memory_space<hbm>>
      %dma_start3A_258 = tpu.memref_squeeze %dma_start3A_257 : memref<1x114x112xi32, #tpu.memory_space<hbm>> -> memref<114x112xi32, #tpu.memory_space<hbm>>
      %dma_start3A_259 = arith.constant 0 : i32
      %dma_start3A_260 = arith.constant 0 : i32
      %dma_start3A_261 = tpu.memref_slice %arg4[%add3A_33, %dma_start3A_259, %dma_start3A_260] : memref<32x114x112xi32, #tpu.memory_space<hbm>> -> memref<1x114x112xi32, #tpu.memory_space<hbm>>
      %dma_start3A_262 = tpu.memref_squeeze %dma_start3A_261 : memref<1x114x112xi32, #tpu.memory_space<hbm>> -> memref<114x112xi32, #tpu.memory_space<hbm>>
      tpu.enqueue_dma source(%dma_start3A_262 : memref<114x112xi32, #tpu.memory_space<hbm>>) target(%arg8 : memref<114x112xi32, #tpu.memory_space<vmem>>) target_semaphore(%run_scoped3A : memref<!tpu.dma_semaphore, #tpu.memory_space<semaphore_mem>>)
      %dma_wait3A_263 = arith.constant 0 : i32
      %dma_wait3A_264 = arith.constant 0 : i32
      %dma_wait3A_265 = tpu.memref_slice %arg4[%add3A_33, %dma_wait3A_263, %dma_wait3A_264] : memref<32x114x112xi32, #tpu.memory_space<hbm>> -> memref<1x114x112xi32, #tpu.memory_space<hbm>>
      %dma_wait3A_266 = tpu.memref_squeeze %dma_wait3A_265 : memref<1x114x112xi32, #tpu.memory_space<hbm>> -> memref<114x112xi32, #tpu.memory_space<hbm>>
      %dma_wait3A_267 = arith.constant 0 : i32
      %dma_wait3A_268 = arith.constant 0 : i32
      %dma_wait3A_269 = tpu.memref_slice %arg4[%add3A_33, %dma_wait3A_267, %dma_wait3A_268] : memref<32x114x112xi32, #tpu.memory_space<hbm>> -> memref<1x114x112xi32, #tpu.memory_space<hbm>>
      %dma_wait3A_270 = tpu.memref_squeeze %dma_wait3A_269 : memref<1x114x112xi32, #tpu.memory_space<hbm>> -> memref<114x112xi32, #tpu.memory_space<hbm>>
      tpu.wait_dma2 semaphore(%run_scoped3A : memref<!tpu.dma_semaphore, #tpu.memory_space<semaphore_mem>>) src(%dma_wait3A_270 : memref<114x112xi32, #tpu.memory_space<hbm>>) dst(%arg8 : memref<114x112xi32, #tpu.memory_space<vmem>>)
      tpu.yield
    }) : () -> ()
    "tpu.region"() ({
      %run_scoped3A = tpu.sem_alloc : memref<!tpu.dma_semaphore, #tpu.memory_space<semaphore_mem>>
      %dma_start3A_255 = arith.constant 0 : i32
      %dma_start3A_256 = arith.constant 0 : i32
      %dma_start3A_257 = tpu.memref_slice %arg3[%add3A_33, %dma_start3A_255, %dma_start3A_256] : memref<32x114x112xi32, #tpu.memory_space<hbm>> -> memref<1x1x112xi32, #tpu.memory_space<hbm>>
      %dma_start3A_258 = tpu.memref_squeeze %dma_start3A_257 : memref<1x1x112xi32, #tpu.memory_space<hbm>> -> memref<1x112xi32, #tpu.memory_space<hbm>>
      %dma_start3A_259 = arith.constant 0 : i32
      %dma_start3A_260 = arith.constant 0 : i32
      %dma_start3A_261 = tpu.memref_slice %arg3[%add3A_33, %dma_start3A_259, %dma_start3A_260] : memref<32x114x112xi32, #tpu.memory_space<hbm>> -> memref<1x1x112xi32, #tpu.memory_space<hbm>>
      %dma_start3A_262 = tpu.memref_squeeze %dma_start3A_261 : memref<1x1x112xi32, #tpu.memory_space<hbm>> -> memref<1x112xi32, #tpu.memory_space<hbm>>
      tpu.enqueue_dma source(%dma_start3A_262 : memref<1x112xi32, #tpu.memory_space<hbm>>) target(%arg6 : memref<1x112xi32, #tpu.memory_space<vmem>>) target_semaphore(%run_scoped3A : memref<!tpu.dma_semaphore, #tpu.memory_space<semaphore_mem>>)
      %dma_wait3A_263 = arith.constant 0 : i32
      %dma_wait3A_264 = arith.constant 0 : i32
      %dma_wait3A_265 = tpu.memref_slice %arg3[%add3A_33, %dma_wait3A_263, %dma_wait3A_264] : memref<32x114x112xi32, #tpu.memory_space<hbm>> -> memref<1x1x112xi32, #tpu.memory_space<hbm>>
      %dma_wait3A_266 = tpu.memref_squeeze %dma_wait3A_265 : memref<1x1x112xi32, #tpu.memory_space<hbm>> -> memref<1x112xi32, #tpu.memory_space<hbm>>
      %dma_wait3A_267 = arith.constant 0 : i32
      %dma_wait3A_268 = arith.constant 0 : i32
      %dma_wait3A_269 = tpu.memref_slice %arg3[%add3A_33, %dma_wait3A_267, %dma_wait3A_268] : memref<32x114x112xi32, #tpu.memory_space<hbm>> -> memref<1x1x112xi32, #tpu.memory_space<hbm>>
      %dma_wait3A_270 = tpu.memref_squeeze %dma_wait3A_269 : memref<1x1x112xi32, #tpu.memory_space<hbm>> -> memref<1x112xi32, #tpu.memory_space<hbm>>
      tpu.wait_dma2 semaphore(%run_scoped3A : memref<!tpu.dma_semaphore, #tpu.memory_space<semaphore_mem>>) src(%dma_wait3A_270 : memref<1x112xi32, #tpu.memory_space<hbm>>) dst(%arg6 : memref<1x112xi32, #tpu.memory_space<vmem>>)
      tpu.yield
    }) : () -> ()
    %dma_start3A = arith.constant 1 : i32
    %dma_start3A_36 = arith.constant 0 : i32
    %dma_start3A_37 = tpu.memref_slice %arg3[%add3A_33, %dma_start3A, %dma_start3A_36] : memref<32x114x112xi32, #tpu.memory_space<hbm>> -> memref<1x1x112xi32, #tpu.memory_space<hbm>>
    %dma_start3A_38 = tpu.memref_squeeze %dma_start3A_37 : memref<1x1x112xi32, #tpu.memory_space<hbm>> -> memref<1x112xi32, #tpu.memory_space<hbm>>
    %dma_start3A_39 = arith.constant 1 : i32
    %dma_start3A_40 = arith.constant 0 : i32
    %dma_start3A_41 = tpu.memref_slice %arg3[%add3A_33, %dma_start3A_39, %dma_start3A_40] : memref<32x114x112xi32, #tpu.memory_space<hbm>> -> memref<1x1x112xi32, #tpu.memory_space<hbm>>
    %dma_start3A_42 = tpu.memref_squeeze %dma_start3A_41 : memref<1x1x112xi32, #tpu.memory_space<hbm>> -> memref<1x112xi32, #tpu.memory_space<hbm>>
    tpu.enqueue_dma source(%dma_start3A_42 : memref<1x112xi32, #tpu.memory_space<hbm>>) target(%arg7 : memref<1x112xi32, #tpu.memory_space<vmem>>) target_semaphore(%arg14 : memref<!tpu.dma_semaphore, #tpu.memory_space<semaphore_mem>>)
    %dma_start3A_43 = arith.constant 0 : i32
    %dma_start3A_44 = arith.constant 0 : i32
    %dma_start3A_45 = tpu.memref_slice %arg6[%dma_start3A_43, %dma_start3A_44] : memref<1x112xi32, #tpu.memory_space<vmem>> -> memref<1x112xi32, #tpu.memory_space<vmem>>
    %dma_start3A_46 = tpu.memref_squeeze %dma_start3A_45 : memref<1x112xi32, #tpu.memory_space<vmem>> -> memref<112xi32, #tpu.memory_space<vmem>>
    %dma_start3A_47 = arith.constant 0 : i32
    %dma_start3A_48 = arith.constant 0 : i32
    %dma_start3A_49 = tpu.memref_slice %arg2[%dma_start3A_47, %dma_start3A_48] : memref<10000x128xf32, #tpu.memory_space<hbm>> -> memref<10000x128xf32, #tpu.memory_space<hbm>>
    tpu.enqueue_indirect_dma source(%dma_start3A_49 : memref<10000x128xf32, #tpu.memory_space<hbm>>) target(%arg9 : memref<112x128xf32, #tpu.memory_space<vmem>>) offsets(%dma_start3A_46 : memref<112xi32, #tpu.memory_space<vmem>>) semaphore(%arg12 : memref<!tpu.dma_semaphore, #tpu.memory_space<semaphore_mem>>)
    %barrier3A = arith.constant 0 : index
    tpu.barrier barrier_id(%barrier3A)
    %dma_wait3A = arith.constant 0 : i32
    %dma_wait3A_50 = arith.constant 0 : i32
    %dma_wait3A_51 = tpu.memref_slice %arg6[%dma_wait3A, %dma_wait3A_50] : memref<1x112xi32, #tpu.memory_space<vmem>> -> memref<1x112xi32, #tpu.memory_space<vmem>>
    %dma_wait3A_52 = tpu.memref_squeeze %dma_wait3A_51 : memref<1x112xi32, #tpu.memory_space<vmem>> -> memref<112xi32, #tpu.memory_space<vmem>>
    %dma_wait3A_53 = arith.constant 0 : i32
    %dma_wait3A_54 = arith.constant 0 : i32
    %dma_wait3A_55 = tpu.memref_slice %arg2[%dma_wait3A_53, %dma_wait3A_54] : memref<10000x128xf32, #tpu.memory_space<hbm>> -> memref<10000x128xf32, #tpu.memory_space<hbm>>
    tpu.wait_indirect_dma semaphore(%arg12 : memref<!tpu.dma_semaphore, #tpu.memory_space<semaphore_mem>>) src(%dma_wait3A_55 : memref<10000x128xf32, #tpu.memory_space<hbm>>) dst(%arg9 : memref<112x128xf32, #tpu.memory_space<vmem>>)
    %dma_wait3A_56 = arith.constant 1 : i32
    %dma_wait3A_57 = arith.constant 0 : i32
    %dma_wait3A_58 = tpu.memref_slice %arg3[%add3A_33, %dma_wait3A_56, %dma_wait3A_57] : memref<32x114x112xi32, #tpu.memory_space<hbm>> -> memref<1x1x112xi32, #tpu.memory_space<hbm>>
    %dma_wait3A_59 = tpu.memref_squeeze %dma_wait3A_58 : memref<1x1x112xi32, #tpu.memory_space<hbm>> -> memref<1x112xi32, #tpu.memory_space<hbm>>
    %dma_wait3A_60 = arith.constant 1 : i32
    %dma_wait3A_61 = arith.constant 0 : i32
    %dma_wait3A_62 = tpu.memref_slice %arg3[%add3A_33, %dma_wait3A_60, %dma_wait3A_61] : memref<32x114x112xi32, #tpu.memory_space<hbm>> -> memref<1x1x112xi32, #tpu.memory_space<hbm>>
    %dma_wait3A_63 = tpu.memref_squeeze %dma_wait3A_62 : memref<1x1x112xi32, #tpu.memory_space<hbm>> -> memref<1x112xi32, #tpu.memory_space<hbm>>
    tpu.wait_dma2 semaphore(%arg14 : memref<!tpu.dma_semaphore, #tpu.memory_space<semaphore_mem>>) src(%dma_wait3A_63 : memref<1x112xi32, #tpu.memory_space<hbm>>) dst(%arg7 : memref<1x112xi32, #tpu.memory_space<vmem>>)
    %dma_start3A_64 = arith.constant 2 : i32
    %dma_start3A_65 = arith.constant 0 : i32
    %dma_start3A_66 = tpu.memref_slice %arg3[%add3A_33, %dma_start3A_64, %dma_start3A_65] : memref<32x114x112xi32, #tpu.memory_space<hbm>> -> memref<1x1x112xi32, #tpu.memory_space<hbm>>
    %dma_start3A_67 = tpu.memref_squeeze %dma_start3A_66 : memref<1x1x112xi32, #tpu.memory_space<hbm>> -> memref<1x112xi32, #tpu.memory_space<hbm>>
    %dma_start3A_68 = arith.constant 2 : i32
    %dma_start3A_69 = arith.constant 0 : i32
    %dma_start3A_70 = tpu.memref_slice %arg3[%add3A_33, %dma_start3A_68, %dma_start3A_69] : memref<32x114x112xi32, #tpu.memory_space<hbm>> -> memref<1x1x112xi32, #tpu.memory_space<hbm>>
    %dma_start3A_71 = tpu.memref_squeeze %dma_start3A_70 : memref<1x1x112xi32, #tpu.memory_space<hbm>> -> memref<1x112xi32, #tpu.memory_space<hbm>>
    tpu.enqueue_dma source(%dma_start3A_71 : memref<1x112xi32, #tpu.memory_space<hbm>>) target(%arg6 : memref<1x112xi32, #tpu.memory_space<vmem>>) target_semaphore(%arg14 : memref<!tpu.dma_semaphore, #tpu.memory_space<semaphore_mem>>)
    %dma_start3A_72 = arith.constant 0 : i32
    %dma_start3A_73 = arith.constant 0 : i32
    %dma_start3A_74 = tpu.memref_slice %arg7[%dma_start3A_72, %dma_start3A_73] : memref<1x112xi32, #tpu.memory_space<vmem>> -> memref<1x112xi32, #tpu.memory_space<vmem>>
    %dma_start3A_75 = tpu.memref_squeeze %dma_start3A_74 : memref<1x112xi32, #tpu.memory_space<vmem>> -> memref<112xi32, #tpu.memory_space<vmem>>
    %dma_start3A_76 = arith.constant 0 : i32
    %dma_start3A_77 = arith.constant 0 : i32
    %dma_start3A_78 = tpu.memref_slice %arg2[%dma_start3A_76, %dma_start3A_77] : memref<10000x128xf32, #tpu.memory_space<hbm>> -> memref<10000x128xf32, #tpu.memory_space<hbm>>
    tpu.enqueue_indirect_dma source(%dma_start3A_78 : memref<10000x128xf32, #tpu.memory_space<hbm>>) target(%arg10 : memref<112x128xf32, #tpu.memory_space<vmem>>) offsets(%dma_start3A_75 : memref<112xi32, #tpu.memory_space<vmem>>) semaphore(%arg12 : memref<!tpu.dma_semaphore, #tpu.memory_space<semaphore_mem>>)
    %dma_start3A_79 = arith.constant 0 : i32
    %dma_start3A_80 = arith.constant 0 : i32
    %dma_start3A_81 = tpu.memref_slice %arg8[%dma_start3A_79, %dma_start3A_80] : memref<114x112xi32, #tpu.memory_space<vmem>> -> memref<1x112xi32, #tpu.memory_space<vmem>>
    %dma_start3A_82 = tpu.memref_squeeze %dma_start3A_81 : memref<1x112xi32, #tpu.memory_space<vmem>> -> memref<112xi32, #tpu.memory_space<vmem>>
    %dma_start3A_83 = arith.constant 0 : i32
    %dma_start3A_84 = arith.constant 0 : i32
    %dma_start3A_85 = tpu.memref_slice %arg11[%dma_start3A_83, %dma_start3A_84] : memref<10112x128xf32, #tpu.memory_space<vmem_shared>> -> memref<10112x128xf32, #tpu.memory_space<vmem_shared>>
    tpu.enqueue_indirect_dma source(%arg9 : memref<112x128xf32, #tpu.memory_space<vmem>>) target(%dma_start3A_85 : memref<10112x128xf32, #tpu.memory_space<vmem_shared>>) offsets(%dma_start3A_82 : memref<112xi32, #tpu.memory_space<vmem>>) semaphore(%arg13 : memref<!tpu.dma_semaphore, #tpu.memory_space<semaphore_mem>>) {add = true}
    %sub3A = arith.constant 4 : i32
    %sub3A_86 = arith.subi %select_n3A, %sub3A : i32
    %jit3A_87 = arith.constant 2 : i32
    %div3A = arith.divsi %sub3A_86, %jit3A_87 : i32
    %sign3A = arith.constant 0 : i32
    %sign3A_88 = arith.cmpi sgt, %sub3A_86, %sign3A : i32
    %sign3A_89 = arith.extui %sign3A_88 : i1 to i32
    %sign3A_90 = arith.constant 0 : i32
    %sign3A_91 = arith.cmpi slt, %sub3A_86, %sign3A_90 : i32
    %sign3A_92 = arith.extui %sign3A_91 : i1 to i32
    %sign3A_93 = arith.subi %sign3A_89, %sign3A_92 : i32
    %sign3A_94 = arith.constant 0 : i32
    %sign3A_95 = arith.cmpi sgt, %jit3A_87, %sign3A_94 : i32
    %sign3A_96 = arith.extui %sign3A_95 : i1 to i32
    %sign3A_97 = arith.constant 0 : i32
    %sign3A_98 = arith.cmpi slt, %jit3A_87, %sign3A_97 : i32
    %sign3A_99 = arith.extui %sign3A_98 : i1 to i32
    %sign3A_100 = arith.subi %sign3A_96, %sign3A_99 : i32
    %ne3A = arith.cmpi ne, %sign3A_93, %sign3A_100 : i32
    %rem3A = arith.remsi %sub3A_86, %jit3A_87 : i32
    %ne3A_101 = arith.constant 0 : i32
    %ne3A_102 = arith.cmpi ne, %rem3A, %ne3A_101 : i32
    %and3A = arith.andi %ne3A, %ne3A_102 : i1
    %sub3A_103 = arith.constant 1 : i32
    %sub3A_104 = arith.subi %div3A, %sub3A_103 : i32
    %select_n3A_105 = arith.select %and3A, %sub3A_104, %div3A : i32
    %while3A = arith.constant 0 : i32
    %while3A_106 = arith.constant 0 : i32
    %while3A_107 = arith.subi %select_n3A_105, %while3A_106 : i32
    %while3A_108 = arith.addi %while3A_106, %while3A_107 : i32
    %while3A_109 = arith.constant 1 : i32
    %while3A_110 = arith.divsi %while3A_107, %while3A_109 : i32
    %while3A_111 = arith.muli %while3A_110, %while3A_109 : i32
    %while3A_112 = arith.addi %while3A_106, %while3A_111 : i32
    %while3A_113 = arith.constant 1 : i32
    scf.for %while3A_255 = %while3A_106 to %while3A_112 step %while3A_113  : i32 {
      %mul3A_256 = arith.constant 2 : i32
      %mul3A_257 = arith.muli %mul3A_256, %while3A_255 : i32
      %add3A_258 = arith.constant 1 : i32
      %add3A_259 = arith.addi %add3A_258, %mul3A_257 : i32
      %sub3A_260 = arith.constant 1 : i32
      %sub3A_261 = arith.subi %add3A_259, %sub3A_260 : i32
      %dma_wait3A_262 = arith.constant 0 : i32
      %dma_wait3A_263 = tpu.memref_slice %arg8[%sub3A_261, %dma_wait3A_262] : memref<114x112xi32, #tpu.memory_space<vmem>> -> memref<1x112xi32, #tpu.memory_space<vmem>>
      %dma_wait3A_264 = tpu.memref_squeeze %dma_wait3A_263 : memref<1x112xi32, #tpu.memory_space<vmem>> -> memref<112xi32, #tpu.memory_space<vmem>>
      %dma_wait3A_265 = arith.constant 0 : i32
      %dma_wait3A_266 = arith.constant 0 : i32
      %dma_wait3A_267 = tpu.memref_slice %arg11[%dma_wait3A_265, %dma_wait3A_266] : memref<10112x128xf32, #tpu.memory_space<vmem_shared>> -> memref<10112x128xf32, #tpu.memory_space<vmem_shared>>
      tpu.wait_indirect_dma semaphore(%arg13 : memref<!tpu.dma_semaphore, #tpu.memory_space<semaphore_mem>>) src(%arg9 : memref<112x128xf32, #tpu.memory_space<vmem>>) dst(%dma_wait3A_267 : memref<10112x128xf32, #tpu.memory_space<vmem_shared>>)
      %dma_wait3A_268 = arith.constant 0 : i32
      %dma_wait3A_269 = arith.constant 0 : i32
      %dma_wait3A_270 = tpu.memref_slice %arg7[%dma_wait3A_268, %dma_wait3A_269] : memref<1x112xi32, #tpu.memory_space<vmem>> -> memref<1x112xi32, #tpu.memory_space<vmem>>
      %dma_wait3A_271 = tpu.memref_squeeze %dma_wait3A_270 : memref<1x112xi32, #tpu.memory_space<vmem>> -> memref<112xi32, #tpu.memory_space<vmem>>
      %dma_wait3A_272 = arith.constant 0 : i32
      %dma_wait3A_273 = arith.constant 0 : i32
      %dma_wait3A_274 = tpu.memref_slice %arg2[%dma_wait3A_272, %dma_wait3A_273] : memref<10000x128xf32, #tpu.memory_space<hbm>> -> memref<10000x128xf32, #tpu.memory_space<hbm>>
      tpu.wait_indirect_dma semaphore(%arg12 : memref<!tpu.dma_semaphore, #tpu.memory_space<semaphore_mem>>) src(%dma_wait3A_274 : memref<10000x128xf32, #tpu.memory_space<hbm>>) dst(%arg10 : memref<112x128xf32, #tpu.memory_space<vmem>>)
      %add3A_275 = arith.constant 1 : i32
      %add3A_276 = arith.addi %add3A_259, %add3A_275 : i32
      %dma_wait3A_277 = arith.constant 0 : i32
      %dma_wait3A_278 = tpu.memref_slice %arg3[%add3A_33, %add3A_276, %dma_wait3A_277] : memref<32x114x112xi32, #tpu.memory_space<hbm>> -> memref<1x1x112xi32, #tpu.memory_space<hbm>>
      %dma_wait3A_279 = tpu.memref_squeeze %dma_wait3A_278 : memref<1x1x112xi32, #tpu.memory_space<hbm>> -> memref<1x112xi32, #tpu.memory_space<hbm>>
      %dma_wait3A_280 = arith.constant 0 : i32
      %dma_wait3A_281 = tpu.memref_slice %arg3[%add3A_33, %add3A_276, %dma_wait3A_280] : memref<32x114x112xi32, #tpu.memory_space<hbm>> -> memref<1x1x112xi32, #tpu.memory_space<hbm>>
      %dma_wait3A_282 = tpu.memref_squeeze %dma_wait3A_281 : memref<1x1x112xi32, #tpu.memory_space<hbm>> -> memref<1x112xi32, #tpu.memory_space<hbm>>
      tpu.wait_dma2 semaphore(%arg14 : memref<!tpu.dma_semaphore, #tpu.memory_space<semaphore_mem>>) src(%dma_wait3A_282 : memref<1x112xi32, #tpu.memory_space<hbm>>) dst(%arg6 : memref<1x112xi32, #tpu.memory_space<vmem>>)
      %add3A_283 = arith.constant 2 : i32
      %add3A_284 = arith.addi %add3A_259, %add3A_283 : i32
      %dma_start3A_285 = arith.constant 0 : i32
      %dma_start3A_286 = tpu.memref_slice %arg3[%add3A_33, %add3A_284, %dma_start3A_285] : memref<32x114x112xi32, #tpu.memory_space<hbm>> -> memref<1x1x112xi32, #tpu.memory_space<hbm>>
      %dma_start3A_287 = tpu.memref_squeeze %dma_start3A_286 : memref<1x1x112xi32, #tpu.memory_space<hbm>> -> memref<1x112xi32, #tpu.memory_space<hbm>>
      %dma_start3A_288 = arith.constant 0 : i32
      %dma_start3A_289 = tpu.memref_slice %arg3[%add3A_33, %add3A_284, %dma_start3A_288] : memref<32x114x112xi32, #tpu.memory_space<hbm>> -> memref<1x1x112xi32, #tpu.memory_space<hbm>>
      %dma_start3A_290 = tpu.memref_squeeze %dma_start3A_289 : memref<1x1x112xi32, #tpu.memory_space<hbm>> -> memref<1x112xi32, #tpu.memory_space<hbm>>
      tpu.enqueue_dma source(%dma_start3A_290 : memref<1x112xi32, #tpu.memory_space<hbm>>) target(%arg7 : memref<1x112xi32, #tpu.memory_space<vmem>>) target_semaphore(%arg14 : memref<!tpu.dma_semaphore, #tpu.memory_space<semaphore_mem>>)
      %dma_start3A_291 = arith.constant 0 : i32
      %dma_start3A_292 = arith.constant 0 : i32
      %dma_start3A_293 = tpu.memref_slice %arg6[%dma_start3A_291, %dma_start3A_292] : memref<1x112xi32, #tpu.memory_space<vmem>> -> memref<1x112xi32, #tpu.memory_space<vmem>>
      %dma_start3A_294 = tpu.memref_squeeze %dma_start3A_293 : memref<1x112xi32, #tpu.memory_space<vmem>> -> memref<112xi32, #tpu.memory_space<vmem>>
      %dma_start3A_295 = arith.constant 0 : i32
      %dma_start3A_296 = arith.constant 0 : i32
      %dma_start3A_297 = tpu.memref_slice %arg2[%dma_start3A_295, %dma_start3A_296] : memref<10000x128xf32, #tpu.memory_space<hbm>> -> memref<10000x128xf32, #tpu.memory_space<hbm>>
      tpu.enqueue_indirect_dma source(%dma_start3A_297 : memref<10000x128xf32, #tpu.memory_space<hbm>>) target(%arg9 : memref<112x128xf32, #tpu.memory_space<vmem>>) offsets(%dma_start3A_294 : memref<112xi32, #tpu.memory_space<vmem>>) semaphore(%arg12 : memref<!tpu.dma_semaphore, #tpu.memory_space<semaphore_mem>>)
      %dma_start3A_298 = arith.constant 0 : i32
      %dma_start3A_299 = tpu.memref_slice %arg8[%add3A_259, %dma_start3A_298] : memref<114x112xi32, #tpu.memory_space<vmem>> -> memref<1x112xi32, #tpu.memory_space<vmem>>
      %dma_start3A_300 = tpu.memref_squeeze %dma_start3A_299 : memref<1x112xi32, #tpu.memory_space<vmem>> -> memref<112xi32, #tpu.memory_space<vmem>>
      %dma_start3A_301 = arith.constant 0 : i32
      %dma_start3A_302 = arith.constant 0 : i32
      %dma_start3A_303 = tpu.memref_slice %arg11[%dma_start3A_301, %dma_start3A_302] : memref<10112x128xf32, #tpu.memory_space<vmem_shared>> -> memref<10112x128xf32, #tpu.memory_space<vmem_shared>>
      tpu.enqueue_indirect_dma source(%arg10 : memref<112x128xf32, #tpu.memory_space<vmem>>) target(%dma_start3A_303 : memref<10112x128xf32, #tpu.memory_space<vmem_shared>>) offsets(%dma_start3A_300 : memref<112xi32, #tpu.memory_space<vmem>>) semaphore(%arg13 : memref<!tpu.dma_semaphore, #tpu.memory_space<semaphore_mem>>) {add = true}
      %add3A_304 = arith.constant 1 : i32
      %add3A_305 = arith.addi %add3A_259, %add3A_304 : i32
      %sub3A_306 = arith.constant 1 : i32
      %sub3A_307 = arith.subi %add3A_305, %sub3A_306 : i32
      %dma_wait3A_308 = arith.constant 0 : i32
      %dma_wait3A_309 = tpu.memref_slice %arg8[%sub3A_307, %dma_wait3A_308] : memref<114x112xi32, #tpu.memory_space<vmem>> -> memref<1x112xi32, #tpu.memory_space<vmem>>
      %dma_wait3A_310 = tpu.memref_squeeze %dma_wait3A_309 : memref<1x112xi32, #tpu.memory_space<vmem>> -> memref<112xi32, #tpu.memory_space<vmem>>
      %dma_wait3A_311 = arith.constant 0 : i32
      %dma_wait3A_312 = arith.constant 0 : i32
      %dma_wait3A_313 = tpu.memref_slice %arg11[%dma_wait3A_311, %dma_wait3A_312] : memref<10112x128xf32, #tpu.memory_space<vmem_shared>> -> memref<10112x128xf32, #tpu.memory_space<vmem_shared>>
      tpu.wait_indirect_dma semaphore(%arg13 : memref<!tpu.dma_semaphore, #tpu.memory_space<semaphore_mem>>) src(%arg10 : memref<112x128xf32, #tpu.memory_space<vmem>>) dst(%dma_wait3A_313 : memref<10112x128xf32, #tpu.memory_space<vmem_shared>>)
      %dma_wait3A_314 = arith.constant 0 : i32
      %dma_wait3A_315 = arith.constant 0 : i32
      %dma_wait3A_316 = tpu.memref_slice %arg6[%dma_wait3A_314, %dma_wait3A_315] : memref<1x112xi32, #tpu.memory_space<vmem>> -> memref<1x112xi32, #tpu.memory_space<vmem>>
      %dma_wait3A_317 = tpu.memref_squeeze %dma_wait3A_316 : memref<1x112xi32, #tpu.memory_space<vmem>> -> memref<112xi32, #tpu.memory_space<vmem>>
      %dma_wait3A_318 = arith.constant 0 : i32
      %dma_wait3A_319 = arith.constant 0 : i32
      %dma_wait3A_320 = tpu.memref_slice %arg2[%dma_wait3A_318, %dma_wait3A_319] : memref<10000x128xf32, #tpu.memory_space<hbm>> -> memref<10000x128xf32, #tpu.memory_space<hbm>>
      tpu.wait_indirect_dma semaphore(%arg12 : memref<!tpu.dma_semaphore, #tpu.memory_space<semaphore_mem>>) src(%dma_wait3A_320 : memref<10000x128xf32, #tpu.memory_space<hbm>>) dst(%arg9 : memref<112x128xf32, #tpu.memory_space<vmem>>)
      %add3A_321 = arith.constant 1 : i32
      %add3A_322 = arith.addi %add3A_305, %add3A_321 : i32
      %dma_wait3A_323 = arith.constant 0 : i32
      %dma_wait3A_324 = tpu.memref_slice %arg3[%add3A_33, %add3A_322, %dma_wait3A_323] : memref<32x114x112xi32, #tpu.memory_space<hbm>> -> memref<1x1x112xi32, #tpu.memory_space<hbm>>
      %dma_wait3A_325 = tpu.memref_squeeze %dma_wait3A_324 : memref<1x1x112xi32, #tpu.memory_space<hbm>> -> memref<1x112xi32, #tpu.memory_space<hbm>>
      %dma_wait3A_326 = arith.constant 0 : i32
      %dma_wait3A_327 = tpu.memref_slice %arg3[%add3A_33, %add3A_322, %dma_wait3A_326] : memref<32x114x112xi32, #tpu.memory_space<hbm>> -> memref<1x1x112xi32, #tpu.memory_space<hbm>>
      %dma_wait3A_328 = tpu.memref_squeeze %dma_wait3A_327 : memref<1x1x112xi32, #tpu.memory_space<hbm>> -> memref<1x112xi32, #tpu.memory_space<hbm>>
      tpu.wait_dma2 semaphore(%arg14 : memref<!tpu.dma_semaphore, #tpu.memory_space<semaphore_mem>>) src(%dma_wait3A_328 : memref<1x112xi32, #tpu.memory_space<hbm>>) dst(%arg7 : memref<1x112xi32, #tpu.memory_space<vmem>>)
      %add3A_329 = arith.constant 2 : i32
      %add3A_330 = arith.addi %add3A_305, %add3A_329 : i32
      %dma_start3A_331 = arith.constant 0 : i32
      %dma_start3A_332 = tpu.memref_slice %arg3[%add3A_33, %add3A_330, %dma_start3A_331] : memref<32x114x112xi32, #tpu.memory_space<hbm>> -> memref<1x1x112xi32, #tpu.memory_space<hbm>>
      %dma_start3A_333 = tpu.memref_squeeze %dma_start3A_332 : memref<1x1x112xi32, #tpu.memory_space<hbm>> -> memref<1x112xi32, #tpu.memory_space<hbm>>
      %dma_start3A_334 = arith.constant 0 : i32
      %dma_start3A_335 = tpu.memref_slice %arg3[%add3A_33, %add3A_330, %dma_start3A_334] : memref<32x114x112xi32, #tpu.memory_space<hbm>> -> memref<1x1x112xi32, #tpu.memory_space<hbm>>
      %dma_start3A_336 = tpu.memref_squeeze %dma_start3A_335 : memref<1x1x112xi32, #tpu.memory_space<hbm>> -> memref<1x112xi32, #tpu.memory_space<hbm>>
      tpu.enqueue_dma source(%dma_start3A_336 : memref<1x112xi32, #tpu.memory_space<hbm>>) target(%arg6 : memref<1x112xi32, #tpu.memory_space<vmem>>) target_semaphore(%arg14 : memref<!tpu.dma_semaphore, #tpu.memory_space<semaphore_mem>>)
      %dma_start3A_337 = arith.constant 0 : i32
      %dma_start3A_338 = arith.constant 0 : i32
      %dma_start3A_339 = tpu.memref_slice %arg7[%dma_start3A_337, %dma_start3A_338] : memref<1x112xi32, #tpu.memory_space<vmem>> -> memref<1x112xi32, #tpu.memory_space<vmem>>
      %dma_start3A_340 = tpu.memref_squeeze %dma_start3A_339 : memref<1x112xi32, #tpu.memory_space<vmem>> -> memref<112xi32, #tpu.memory_space<vmem>>
      %dma_start3A_341 = arith.constant 0 : i32
      %dma_start3A_342 = arith.constant 0 : i32
      %dma_start3A_343 = tpu.memref_slice %arg2[%dma_start3A_341, %dma_start3A_342] : memref<10000x128xf32, #tpu.memory_space<hbm>> -> memref<10000x128xf32, #tpu.memory_space<hbm>>
      tpu.enqueue_indirect_dma source(%dma_start3A_343 : memref<10000x128xf32, #tpu.memory_space<hbm>>) target(%arg10 : memref<112x128xf32, #tpu.memory_space<vmem>>) offsets(%dma_start3A_340 : memref<112xi32, #tpu.memory_space<vmem>>) semaphore(%arg12 : memref<!tpu.dma_semaphore, #tpu.memory_space<semaphore_mem>>)
      %dma_start3A_344 = arith.constant 0 : i32
      %dma_start3A_345 = tpu.memref_slice %arg8[%add3A_305, %dma_start3A_344] : memref<114x112xi32, #tpu.memory_space<vmem>> -> memref<1x112xi32, #tpu.memory_space<vmem>>
      %dma_start3A_346 = tpu.memref_squeeze %dma_start3A_345 : memref<1x112xi32, #tpu.memory_space<vmem>> -> memref<112xi32, #tpu.memory_space<vmem>>
      %dma_start3A_347 = arith.constant 0 : i32
      %dma_start3A_348 = arith.constant 0 : i32
      %dma_start3A_349 = tpu.memref_slice %arg11[%dma_start3A_347, %dma_start3A_348] : memref<10112x128xf32, #tpu.memory_space<vmem_shared>> -> memref<10112x128xf32, #tpu.memory_space<vmem_shared>>
      tpu.enqueue_indirect_dma source(%arg9 : memref<112x128xf32, #tpu.memory_space<vmem>>) target(%dma_start3A_349 : memref<10112x128xf32, #tpu.memory_space<vmem_shared>>) offsets(%dma_start3A_346 : memref<112xi32, #tpu.memory_space<vmem>>) semaphore(%arg13 : memref<!tpu.dma_semaphore, #tpu.memory_space<semaphore_mem>>) {add = true}
    }
    %while3A_114 = arith.constant 1 : i32
    scf.for %while3A_255 = %while3A_112 to %while3A_108 step %while3A_114  : i32 {
      %mul3A_256 = arith.constant 2 : i32
      %mul3A_257 = arith.muli %mul3A_256, %while3A_255 : i32
      %add3A_258 = arith.constant 1 : i32
      %add3A_259 = arith.addi %add3A_258, %mul3A_257 : i32
      %sub3A_260 = arith.constant 1 : i32
      %sub3A_261 = arith.subi %add3A_259, %sub3A_260 : i32
      %dma_wait3A_262 = arith.constant 0 : i32
      %dma_wait3A_263 = tpu.memref_slice %arg8[%sub3A_261, %dma_wait3A_262] : memref<114x112xi32, #tpu.memory_space<vmem>> -> memref<1x112xi32, #tpu.memory_space<vmem>>
      %dma_wait3A_264 = tpu.memref_squeeze %dma_wait3A_263 : memref<1x112xi32, #tpu.memory_space<vmem>> -> memref<112xi32, #tpu.memory_space<vmem>>
      %dma_wait3A_265 = arith.constant 0 : i32
      %dma_wait3A_266 = arith.constant 0 : i32
      %dma_wait3A_267 = tpu.memref_slice %arg11[%dma_wait3A_265, %dma_wait3A_266] : memref<10112x128xf32, #tpu.memory_space<vmem_shared>> -> memref<10112x128xf32, #tpu.memory_space<vmem_shared>>
      tpu.wait_indirect_dma semaphore(%arg13 : memref<!tpu.dma_semaphore, #tpu.memory_space<semaphore_mem>>) src(%arg9 : memref<112x128xf32, #tpu.memory_space<vmem>>) dst(%dma_wait3A_267 : memref<10112x128xf32, #tpu.memory_space<vmem_shared>>)
      %dma_wait3A_268 = arith.constant 0 : i32
      %dma_wait3A_269 = arith.constant 0 : i32
      %dma_wait3A_270 = tpu.memref_slice %arg7[%dma_wait3A_268, %dma_wait3A_269] : memref<1x112xi32, #tpu.memory_space<vmem>> -> memref<1x112xi32, #tpu.memory_space<vmem>>
      %dma_wait3A_271 = tpu.memref_squeeze %dma_wait3A_270 : memref<1x112xi32, #tpu.memory_space<vmem>> -> memref<112xi32, #tpu.memory_space<vmem>>
      %dma_wait3A_272 = arith.constant 0 : i32
      %dma_wait3A_273 = arith.constant 0 : i32
      %dma_wait3A_274 = tpu.memref_slice %arg2[%dma_wait3A_272, %dma_wait3A_273] : memref<10000x128xf32, #tpu.memory_space<hbm>> -> memref<10000x128xf32, #tpu.memory_space<hbm>>
      tpu.wait_indirect_dma semaphore(%arg12 : memref<!tpu.dma_semaphore, #tpu.memory_space<semaphore_mem>>) src(%dma_wait3A_274 : memref<10000x128xf32, #tpu.memory_space<hbm>>) dst(%arg10 : memref<112x128xf32, #tpu.memory_space<vmem>>)
      %add3A_275 = arith.constant 1 : i32
      %add3A_276 = arith.addi %add3A_259, %add3A_275 : i32
      %dma_wait3A_277 = arith.constant 0 : i32
      %dma_wait3A_278 = tpu.memref_slice %arg3[%add3A_33, %add3A_276, %dma_wait3A_277] : memref<32x114x112xi32, #tpu.memory_space<hbm>> -> memref<1x1x112xi32, #tpu.memory_space<hbm>>
      %dma_wait3A_279 = tpu.memref_squeeze %dma_wait3A_278 : memref<1x1x112xi32, #tpu.memory_space<hbm>> -> memref<1x112xi32, #tpu.memory_space<hbm>>
      %dma_wait3A_280 = arith.constant 0 : i32
      %dma_wait3A_281 = tpu.memref_slice %arg3[%add3A_33, %add3A_276, %dma_wait3A_280] : memref<32x114x112xi32, #tpu.memory_space<hbm>> -> memref<1x1x112xi32, #tpu.memory_space<hbm>>
      %dma_wait3A_282 = tpu.memref_squeeze %dma_wait3A_281 : memref<1x1x112xi32, #tpu.memory_space<hbm>> -> memref<1x112xi32, #tpu.memory_space<hbm>>
      tpu.wait_dma2 semaphore(%arg14 : memref<!tpu.dma_semaphore, #tpu.memory_space<semaphore_mem>>) src(%dma_wait3A_282 : memref<1x112xi32, #tpu.memory_space<hbm>>) dst(%arg6 : memref<1x112xi32, #tpu.memory_space<vmem>>)
      %add3A_283 = arith.constant 2 : i32
      %add3A_284 = arith.addi %add3A_259, %add3A_283 : i32
      %dma_start3A_285 = arith.constant 0 : i32
      %dma_start3A_286 = tpu.memref_slice %arg3[%add3A_33, %add3A_284, %dma_start3A_285] : memref<32x114x112xi32, #tpu.memory_space<hbm>> -> memref<1x1x112xi32, #tpu.memory_space<hbm>>
      %dma_start3A_287 = tpu.memref_squeeze %dma_start3A_286 : memref<1x1x112xi32, #tpu.memory_space<hbm>> -> memref<1x112xi32, #tpu.memory_space<hbm>>
      %dma_start3A_288 = arith.constant 0 : i32
      %dma_start3A_289 = tpu.memref_slice %arg3[%add3A_33, %add3A_284, %dma_start3A_288] : memref<32x114x112xi32, #tpu.memory_space<hbm>> -> memref<1x1x112xi32, #tpu.memory_space<hbm>>
      %dma_start3A_290 = tpu.memref_squeeze %dma_start3A_289 : memref<1x1x112xi32, #tpu.memory_space<hbm>> -> memref<1x112xi32, #tpu.memory_space<hbm>>
      tpu.enqueue_dma source(%dma_start3A_290 : memref<1x112xi32, #tpu.memory_space<hbm>>) target(%arg7 : memref<1x112xi32, #tpu.memory_space<vmem>>) target_semaphore(%arg14 : memref<!tpu.dma_semaphore, #tpu.memory_space<semaphore_mem>>)
      %dma_start3A_291 = arith.constant 0 : i32
      %dma_start3A_292 = arith.constant 0 : i32
      %dma_start3A_293 = tpu.memref_slice %arg6[%dma_start3A_291, %dma_start3A_292] : memref<1x112xi32, #tpu.memory_space<vmem>> -> memref<1x112xi32, #tpu.memory_space<vmem>>
      %dma_start3A_294 = tpu.memref_squeeze %dma_start3A_293 : memref<1x112xi32, #tpu.memory_space<vmem>> -> memref<112xi32, #tpu.memory_space<vmem>>
      %dma_start3A_295 = arith.constant 0 : i32
      %dma_start3A_296 = arith.constant 0 : i32
      %dma_start3A_297 = tpu.memref_slice %arg2[%dma_start3A_295, %dma_start3A_296] : memref<10000x128xf32, #tpu.memory_space<hbm>> -> memref<10000x128xf32, #tpu.memory_space<hbm>>
      tpu.enqueue_indirect_dma source(%dma_start3A_297 : memref<10000x128xf32, #tpu.memory_space<hbm>>) target(%arg9 : memref<112x128xf32, #tpu.memory_space<vmem>>) offsets(%dma_start3A_294 : memref<112xi32, #tpu.memory_space<vmem>>) semaphore(%arg12 : memref<!tpu.dma_semaphore, #tpu.memory_space<semaphore_mem>>)
      %dma_start3A_298 = arith.constant 0 : i32
      %dma_start3A_299 = tpu.memref_slice %arg8[%add3A_259, %dma_start3A_298] : memref<114x112xi32, #tpu.memory_space<vmem>> -> memref<1x112xi32, #tpu.memory_space<vmem>>
      %dma_start3A_300 = tpu.memref_squeeze %dma_start3A_299 : memref<1x112xi32, #tpu.memory_space<vmem>> -> memref<112xi32, #tpu.memory_space<vmem>>
      %dma_start3A_301 = arith.constant 0 : i32
      %dma_start3A_302 = arith.constant 0 : i32
      %dma_start3A_303 = tpu.memref_slice %arg11[%dma_start3A_301, %dma_start3A_302] : memref<10112x128xf32, #tpu.memory_space<vmem_shared>> -> memref<10112x128xf32, #tpu.memory_space<vmem_shared>>
      tpu.enqueue_indirect_dma source(%arg10 : memref<112x128xf32, #tpu.memory_space<vmem>>) target(%dma_start3A_303 : memref<10112x128xf32, #tpu.memory_space<vmem_shared>>) offsets(%dma_start3A_300 : memref<112xi32, #tpu.memory_space<vmem>>) semaphore(%arg13 : memref<!tpu.dma_semaphore, #tpu.memory_space<semaphore_mem>>) {add = true}
      %add3A_304 = arith.constant 1 : i32
      %add3A_305 = arith.addi %add3A_259, %add3A_304 : i32
      %sub3A_306 = arith.constant 1 : i32
      %sub3A_307 = arith.subi %add3A_305, %sub3A_306 : i32
      %dma_wait3A_308 = arith.constant 0 : i32
      %dma_wait3A_309 = tpu.memref_slice %arg8[%sub3A_307, %dma_wait3A_308] : memref<114x112xi32, #tpu.memory_space<vmem>> -> memref<1x112xi32, #tpu.memory_space<vmem>>
      %dma_wait3A_310 = tpu.memref_squeeze %dma_wait3A_309 : memref<1x112xi32, #tpu.memory_space<vmem>> -> memref<112xi32, #tpu.memory_space<vmem>>
      %dma_wait3A_311 = arith.constant 0 : i32
      %dma_wait3A_312 = arith.constant 0 : i32
      %dma_wait3A_313 = tpu.memref_slice %arg11[%dma_wait3A_311, %dma_wait3A_312] : memref<10112x128xf32, #tpu.memory_space<vmem_shared>> -> memref<10112x128xf32, #tpu.memory_space<vmem_shared>>
      tpu.wait_indirect_dma semaphore(%arg13 : memref<!tpu.dma_semaphore, #tpu.memory_space<semaphore_mem>>) src(%arg10 : memref<112x128xf32, #tpu.memory_space<vmem>>) dst(%dma_wait3A_313 : memref<10112x128xf32, #tpu.memory_space<vmem_shared>>)
      %dma_wait3A_314 = arith.constant 0 : i32
      %dma_wait3A_315 = arith.constant 0 : i32
      %dma_wait3A_316 = tpu.memref_slice %arg6[%dma_wait3A_314, %dma_wait3A_315] : memref<1x112xi32, #tpu.memory_space<vmem>> -> memref<1x112xi32, #tpu.memory_space<vmem>>
      %dma_wait3A_317 = tpu.memref_squeeze %dma_wait3A_316 : memref<1x112xi32, #tpu.memory_space<vmem>> -> memref<112xi32, #tpu.memory_space<vmem>>
      %dma_wait3A_318 = arith.constant 0 : i32
      %dma_wait3A_319 = arith.constant 0 : i32
      %dma_wait3A_320 = tpu.memref_slice %arg2[%dma_wait3A_318, %dma_wait3A_319] : memref<10000x128xf32, #tpu.memory_space<hbm>> -> memref<10000x128xf32, #tpu.memory_space<hbm>>
      tpu.wait_indirect_dma semaphore(%arg12 : memref<!tpu.dma_semaphore, #tpu.memory_space<semaphore_mem>>) src(%dma_wait3A_320 : memref<10000x128xf32, #tpu.memory_space<hbm>>) dst(%arg9 : memref<112x128xf32, #tpu.memory_space<vmem>>)
      %add3A_321 = arith.constant 1 : i32
      %add3A_322 = arith.addi %add3A_305, %add3A_321 : i32
      %dma_wait3A_323 = arith.constant 0 : i32
      %dma_wait3A_324 = tpu.memref_slice %arg3[%add3A_33, %add3A_322, %dma_wait3A_323] : memref<32x114x112xi32, #tpu.memory_space<hbm>> -> memref<1x1x112xi32, #tpu.memory_space<hbm>>
      %dma_wait3A_325 = tpu.memref_squeeze %dma_wait3A_324 : memref<1x1x112xi32, #tpu.memory_space<hbm>> -> memref<1x112xi32, #tpu.memory_space<hbm>>
      %dma_wait3A_326 = arith.constant 0 : i32
      %dma_wait3A_327 = tpu.memref_slice %arg3[%add3A_33, %add3A_322, %dma_wait3A_326] : memref<32x114x112xi32, #tpu.memory_space<hbm>> -> memref<1x1x112xi32, #tpu.memory_space<hbm>>
      %dma_wait3A_328 = tpu.memref_squeeze %dma_wait3A_327 : memref<1x1x112xi32, #tpu.memory_space<hbm>> -> memref<1x112xi32, #tpu.memory_space<hbm>>
      tpu.wait_dma2 semaphore(%arg14 : memref<!tpu.dma_semaphore, #tpu.memory_space<semaphore_mem>>) src(%dma_wait3A_328 : memref<1x112xi32, #tpu.memory_space<hbm>>) dst(%arg7 : memref<1x112xi32, #tpu.memory_space<vmem>>)
      %add3A_329 = arith.constant 2 : i32
      %add3A_330 = arith.addi %add3A_305, %add3A_329 : i32
      %dma_start3A_331 = arith.constant 0 : i32
      %dma_start3A_332 = tpu.memref_slice %arg3[%add3A_33, %add3A_330, %dma_start3A_331] : memref<32x114x112xi32, #tpu.memory_space<hbm>> -> memref<1x1x112xi32, #tpu.memory_space<hbm>>
      %dma_start3A_333 = tpu.memref_squeeze %dma_start3A_332 : memref<1x1x112xi32, #tpu.memory_space<hbm>> -> memref<1x112xi32, #tpu.memory_space<hbm>>
      %dma_start3A_334 = arith.constant 0 : i32
      %dma_start3A_335 = tpu.memref_slice %arg3[%add3A_33, %add3A_330, %dma_start3A_334] : memref<32x114x112xi32, #tpu.memory_space<hbm>> -> memref<1x1x112xi32, #tpu.memory_space<hbm>>
      %dma_start3A_336 = tpu.memref_squeeze %dma_start3A_335 : memref<1x1x112xi32, #tpu.memory_space<hbm>> -> memref<1x112xi32, #tpu.memory_space<hbm>>
      tpu.enqueue_dma source(%dma_start3A_336 : memref<1x112xi32, #tpu.memory_space<hbm>>) target(%arg6 : memref<1x112xi32, #tpu.memory_space<vmem>>) target_semaphore(%arg14 : memref<!tpu.dma_semaphore, #tpu.memory_space<semaphore_mem>>)
      %dma_start3A_337 = arith.constant 0 : i32
      %dma_start3A_338 = arith.constant 0 : i32
      %dma_start3A_339 = tpu.memref_slice %arg7[%dma_start3A_337, %dma_start3A_338] : memref<1x112xi32, #tpu.memory_space<vmem>> -> memref<1x112xi32, #tpu.memory_space<vmem>>
      %dma_start3A_340 = tpu.memref_squeeze %dma_start3A_339 : memref<1x112xi32, #tpu.memory_space<vmem>> -> memref<112xi32, #tpu.memory_space<vmem>>
      %dma_start3A_341 = arith.constant 0 : i32
      %dma_start3A_342 = arith.constant 0 : i32
      %dma_start3A_343 = tpu.memref_slice %arg2[%dma_start3A_341, %dma_start3A_342] : memref<10000x128xf32, #tpu.memory_space<hbm>> -> memref<10000x128xf32, #tpu.memory_space<hbm>>
      tpu.enqueue_indirect_dma source(%dma_start3A_343 : memref<10000x128xf32, #tpu.memory_space<hbm>>) target(%arg10 : memref<112x128xf32, #tpu.memory_space<vmem>>) offsets(%dma_start3A_340 : memref<112xi32, #tpu.memory_space<vmem>>) semaphore(%arg12 : memref<!tpu.dma_semaphore, #tpu.memory_space<semaphore_mem>>)
      %dma_start3A_344 = arith.constant 0 : i32
      %dma_start3A_345 = tpu.memref_slice %arg8[%add3A_305, %dma_start3A_344] : memref<114x112xi32, #tpu.memory_space<vmem>> -> memref<1x112xi32, #tpu.memory_space<vmem>>
      %dma_start3A_346 = tpu.memref_squeeze %dma_start3A_345 : memref<1x112xi32, #tpu.memory_space<vmem>> -> memref<112xi32, #tpu.memory_space<vmem>>
      %dma_start3A_347 = arith.constant 0 : i32
      %dma_start3A_348 = arith.constant 0 : i32
      %dma_start3A_349 = tpu.memref_slice %arg11[%dma_start3A_347, %dma_start3A_348] : memref<10112x128xf32, #tpu.memory_space<vmem_shared>> -> memref<10112x128xf32, #tpu.memory_space<vmem_shared>>
      tpu.enqueue_indirect_dma source(%arg9 : memref<112x128xf32, #tpu.memory_space<vmem>>) target(%dma_start3A_349 : memref<10112x128xf32, #tpu.memory_space<vmem_shared>>) offsets(%dma_start3A_346 : memref<112xi32, #tpu.memory_space<vmem>>) semaphore(%arg13 : memref<!tpu.dma_semaphore, #tpu.memory_space<semaphore_mem>>) {add = true}
    }
    %sub3A_115 = arith.constant 3 : i32
    %sub3A_116 = arith.subi %select_n3A, %sub3A_115 : i32
    %sub3A_117 = arith.constant 1 : i32
    %sub3A_118 = arith.subi %sub3A_116, %sub3A_117 : i32
    %dma_wait3A_119 = arith.constant 0 : i32
    %dma_wait3A_120 = tpu.memref_slice %arg8[%sub3A_118, %dma_wait3A_119] : memref<114x112xi32, #tpu.memory_space<vmem>> -> memref<1x112xi32, #tpu.memory_space<vmem>>
    %dma_wait3A_121 = tpu.memref_squeeze %dma_wait3A_120 : memref<1x112xi32, #tpu.memory_space<vmem>> -> memref<112xi32, #tpu.memory_space<vmem>>
    %dma_wait3A_122 = arith.constant 0 : i32
    %dma_wait3A_123 = arith.constant 0 : i32
    %dma_wait3A_124 = tpu.memref_slice %arg11[%dma_wait3A_122, %dma_wait3A_123] : memref<10112x128xf32, #tpu.memory_space<vmem_shared>> -> memref<10112x128xf32, #tpu.memory_space<vmem_shared>>
    tpu.wait_indirect_dma semaphore(%arg13 : memref<!tpu.dma_semaphore, #tpu.memory_space<semaphore_mem>>) src(%arg9 : memref<112x128xf32, #tpu.memory_space<vmem>>) dst(%dma_wait3A_124 : memref<10112x128xf32, #tpu.memory_space<vmem_shared>>)
    %dma_wait3A_125 = arith.constant 0 : i32
    %dma_wait3A_126 = arith.constant 0 : i32
    %dma_wait3A_127 = tpu.memref_slice %arg7[%dma_wait3A_125, %dma_wait3A_126] : memref<1x112xi32, #tpu.memory_space<vmem>> -> memref<1x112xi32, #tpu.memory_space<vmem>>
    %dma_wait3A_128 = tpu.memref_squeeze %dma_wait3A_127 : memref<1x112xi32, #tpu.memory_space<vmem>> -> memref<112xi32, #tpu.memory_space<vmem>>
    %dma_wait3A_129 = arith.constant 0 : i32
    %dma_wait3A_130 = arith.constant 0 : i32
    %dma_wait3A_131 = tpu.memref_slice %arg2[%dma_wait3A_129, %dma_wait3A_130] : memref<10000x128xf32, #tpu.memory_space<hbm>> -> memref<10000x128xf32, #tpu.memory_space<hbm>>
    tpu.wait_indirect_dma semaphore(%arg12 : memref<!tpu.dma_semaphore, #tpu.memory_space<semaphore_mem>>) src(%dma_wait3A_131 : memref<10000x128xf32, #tpu.memory_space<hbm>>) dst(%arg10 : memref<112x128xf32, #tpu.memory_space<vmem>>)
    %add3A_132 = arith.constant 1 : i32
    %add3A_133 = arith.addi %sub3A_116, %add3A_132 : i32
    %dma_wait3A_134 = arith.constant 0 : i32
    %dma_wait3A_135 = tpu.memref_slice %arg3[%add3A_33, %add3A_133, %dma_wait3A_134] : memref<32x114x112xi32, #tpu.memory_space<hbm>> -> memref<1x1x112xi32, #tpu.memory_space<hbm>>
    %dma_wait3A_136 = tpu.memref_squeeze %dma_wait3A_135 : memref<1x1x112xi32, #tpu.memory_space<hbm>> -> memref<1x112xi32, #tpu.memory_space<hbm>>
    %dma_wait3A_137 = arith.constant 0 : i32
    %dma_wait3A_138 = tpu.memref_slice %arg3[%add3A_33, %add3A_133, %dma_wait3A_137] : memref<32x114x112xi32, #tpu.memory_space<hbm>> -> memref<1x1x112xi32, #tpu.memory_space<hbm>>
    %dma_wait3A_139 = tpu.memref_squeeze %dma_wait3A_138 : memref<1x1x112xi32, #tpu.memory_space<hbm>> -> memref<1x112xi32, #tpu.memory_space<hbm>>
    tpu.wait_dma2 semaphore(%arg14 : memref<!tpu.dma_semaphore, #tpu.memory_space<semaphore_mem>>) src(%dma_wait3A_139 : memref<1x112xi32, #tpu.memory_space<hbm>>) dst(%arg6 : memref<1x112xi32, #tpu.memory_space<vmem>>)
    %add3A_140 = arith.constant 2 : i32
    %add3A_141 = arith.addi %sub3A_116, %add3A_140 : i32
    %dma_start3A_142 = arith.constant 0 : i32
    %dma_start3A_143 = tpu.memref_slice %arg3[%add3A_33, %add3A_141, %dma_start3A_142] : memref<32x114x112xi32, #tpu.memory_space<hbm>> -> memref<1x1x112xi32, #tpu.memory_space<hbm>>
    %dma_start3A_144 = tpu.memref_squeeze %dma_start3A_143 : memref<1x1x112xi32, #tpu.memory_space<hbm>> -> memref<1x112xi32, #tpu.memory_space<hbm>>
    %dma_start3A_145 = arith.constant 0 : i32
    %dma_start3A_146 = tpu.memref_slice %arg3[%add3A_33, %add3A_141, %dma_start3A_145] : memref<32x114x112xi32, #tpu.memory_space<hbm>> -> memref<1x1x112xi32, #tpu.memory_space<hbm>>
    %dma_start3A_147 = tpu.memref_squeeze %dma_start3A_146 : memref<1x1x112xi32, #tpu.memory_space<hbm>> -> memref<1x112xi32, #tpu.memory_space<hbm>>
    tpu.enqueue_dma source(%dma_start3A_147 : memref<1x112xi32, #tpu.memory_space<hbm>>) target(%arg7 : memref<1x112xi32, #tpu.memory_space<vmem>>) target_semaphore(%arg14 : memref<!tpu.dma_semaphore, #tpu.memory_space<semaphore_mem>>)
    %dma_start3A_148 = arith.constant 0 : i32
    %dma_start3A_149 = arith.constant 0 : i32
    %dma_start3A_150 = tpu.memref_slice %arg6[%dma_start3A_148, %dma_start3A_149] : memref<1x112xi32, #tpu.memory_space<vmem>> -> memref<1x112xi32, #tpu.memory_space<vmem>>
    %dma_start3A_151 = tpu.memref_squeeze %dma_start3A_150 : memref<1x112xi32, #tpu.memory_space<vmem>> -> memref<112xi32, #tpu.memory_space<vmem>>
    %dma_start3A_152 = arith.constant 0 : i32
    %dma_start3A_153 = arith.constant 0 : i32
    %dma_start3A_154 = tpu.memref_slice %arg2[%dma_start3A_152, %dma_start3A_153] : memref<10000x128xf32, #tpu.memory_space<hbm>> -> memref<10000x128xf32, #tpu.memory_space<hbm>>
    tpu.enqueue_indirect_dma source(%dma_start3A_154 : memref<10000x128xf32, #tpu.memory_space<hbm>>) target(%arg9 : memref<112x128xf32, #tpu.memory_space<vmem>>) offsets(%dma_start3A_151 : memref<112xi32, #tpu.memory_space<vmem>>) semaphore(%arg12 : memref<!tpu.dma_semaphore, #tpu.memory_space<semaphore_mem>>)
    %dma_start3A_155 = arith.constant 0 : i32
    %dma_start3A_156 = tpu.memref_slice %arg8[%sub3A_116, %dma_start3A_155] : memref<114x112xi32, #tpu.memory_space<vmem>> -> memref<1x112xi32, #tpu.memory_space<vmem>>
    %dma_start3A_157 = tpu.memref_squeeze %dma_start3A_156 : memref<1x112xi32, #tpu.memory_space<vmem>> -> memref<112xi32, #tpu.memory_space<vmem>>
    %dma_start3A_158 = arith.constant 0 : i32
    %dma_start3A_159 = arith.constant 0 : i32
    %dma_start3A_160 = tpu.memref_slice %arg11[%dma_start3A_158, %dma_start3A_159] : memref<10112x128xf32, #tpu.memory_space<vmem_shared>> -> memref<10112x128xf32, #tpu.memory_space<vmem_shared>>
    tpu.enqueue_indirect_dma source(%arg10 : memref<112x128xf32, #tpu.memory_space<vmem>>) target(%dma_start3A_160 : memref<10112x128xf32, #tpu.memory_space<vmem_shared>>) offsets(%dma_start3A_157 : memref<112xi32, #tpu.memory_space<vmem>>) semaphore(%arg13 : memref<!tpu.dma_semaphore, #tpu.memory_space<semaphore_mem>>) {add = true}
    %sub3A_161 = arith.constant 2 : i32
    %sub3A_162 = arith.subi %select_n3A, %sub3A_161 : i32
    %sub3A_163 = arith.constant 1 : i32
    %sub3A_164 = arith.subi %sub3A_162, %sub3A_163 : i32
    %dma_wait3A_165 = arith.constant 0 : i32
    %dma_wait3A_166 = tpu.memref_slice %arg8[%sub3A_164, %dma_wait3A_165] : memref<114x112xi32, #tpu.memory_space<vmem>> -> memref<1x112xi32, #tpu.memory_space<vmem>>
    %dma_wait3A_167 = tpu.memref_squeeze %dma_wait3A_166 : memref<1x112xi32, #tpu.memory_space<vmem>> -> memref<112xi32, #tpu.memory_space<vmem>>
    %dma_wait3A_168 = arith.constant 0 : i32
    %dma_wait3A_169 = arith.constant 0 : i32
    %dma_wait3A_170 = tpu.memref_slice %arg11[%dma_wait3A_168, %dma_wait3A_169] : memref<10112x128xf32, #tpu.memory_space<vmem_shared>> -> memref<10112x128xf32, #tpu.memory_space<vmem_shared>>
    tpu.wait_indirect_dma semaphore(%arg13 : memref<!tpu.dma_semaphore, #tpu.memory_space<semaphore_mem>>) src(%arg10 : memref<112x128xf32, #tpu.memory_space<vmem>>) dst(%dma_wait3A_170 : memref<10112x128xf32, #tpu.memory_space<vmem_shared>>)
    %dma_wait3A_171 = arith.constant 0 : i32
    %dma_wait3A_172 = arith.constant 0 : i32
    %dma_wait3A_173 = tpu.memref_slice %arg6[%dma_wait3A_171, %dma_wait3A_172] : memref<1x112xi32, #tpu.memory_space<vmem>> -> memref<1x112xi32, #tpu.memory_space<vmem>>
    %dma_wait3A_174 = tpu.memref_squeeze %dma_wait3A_173 : memref<1x112xi32, #tpu.memory_space<vmem>> -> memref<112xi32, #tpu.memory_space<vmem>>
    %dma_wait3A_175 = arith.constant 0 : i32
    %dma_wait3A_176 = arith.constant 0 : i32
    %dma_wait3A_177 = tpu.memref_slice %arg2[%dma_wait3A_175, %dma_wait3A_176] : memref<10000x128xf32, #tpu.memory_space<hbm>> -> memref<10000x128xf32, #tpu.memory_space<hbm>>
    tpu.wait_indirect_dma semaphore(%arg12 : memref<!tpu.dma_semaphore, #tpu.memory_space<semaphore_mem>>) src(%dma_wait3A_177 : memref<10000x128xf32, #tpu.memory_space<hbm>>) dst(%arg9 : memref<112x128xf32, #tpu.memory_space<vmem>>)
    %add3A_178 = arith.constant 1 : i32
    %add3A_179 = arith.addi %sub3A_162, %add3A_178 : i32
    %dma_wait3A_180 = arith.constant 0 : i32
    %dma_wait3A_181 = tpu.memref_slice %arg3[%add3A_33, %add3A_179, %dma_wait3A_180] : memref<32x114x112xi32, #tpu.memory_space<hbm>> -> memref<1x1x112xi32, #tpu.memory_space<hbm>>
    %dma_wait3A_182 = tpu.memref_squeeze %dma_wait3A_181 : memref<1x1x112xi32, #tpu.memory_space<hbm>> -> memref<1x112xi32, #tpu.memory_space<hbm>>
    %dma_wait3A_183 = arith.constant 0 : i32
    %dma_wait3A_184 = tpu.memref_slice %arg3[%add3A_33, %add3A_179, %dma_wait3A_183] : memref<32x114x112xi32, #tpu.memory_space<hbm>> -> memref<1x1x112xi32, #tpu.memory_space<hbm>>
    %dma_wait3A_185 = tpu.memref_squeeze %dma_wait3A_184 : memref<1x1x112xi32, #tpu.memory_space<hbm>> -> memref<1x112xi32, #tpu.memory_space<hbm>>
    tpu.wait_dma2 semaphore(%arg14 : memref<!tpu.dma_semaphore, #tpu.memory_space<semaphore_mem>>) src(%dma_wait3A_185 : memref<1x112xi32, #tpu.memory_space<hbm>>) dst(%arg7 : memref<1x112xi32, #tpu.memory_space<vmem>>)
    %dma_start3A_186 = arith.constant 0 : i32
    %dma_start3A_187 = arith.constant 0 : i32
    %dma_start3A_188 = tpu.memref_slice %arg7[%dma_start3A_186, %dma_start3A_187] : memref<1x112xi32, #tpu.memory_space<vmem>> -> memref<1x112xi32, #tpu.memory_space<vmem>>
    %dma_start3A_189 = tpu.memref_squeeze %dma_start3A_188 : memref<1x112xi32, #tpu.memory_space<vmem>> -> memref<112xi32, #tpu.memory_space<vmem>>
    %dma_start3A_190 = arith.constant 0 : i32
    %dma_start3A_191 = arith.constant 0 : i32
    %dma_start3A_192 = tpu.memref_slice %arg2[%dma_start3A_190, %dma_start3A_191] : memref<10000x128xf32, #tpu.memory_space<hbm>> -> memref<10000x128xf32, #tpu.memory_space<hbm>>
    tpu.enqueue_indirect_dma source(%dma_start3A_192 : memref<10000x128xf32, #tpu.memory_space<hbm>>) target(%arg10 : memref<112x128xf32, #tpu.memory_space<vmem>>) offsets(%dma_start3A_189 : memref<112xi32, #tpu.memory_space<vmem>>) semaphore(%arg12 : memref<!tpu.dma_semaphore, #tpu.memory_space<semaphore_mem>>)
    %dma_start3A_193 = arith.constant 0 : i32
    %dma_start3A_194 = tpu.memref_slice %arg8[%sub3A_162, %dma_start3A_193] : memref<114x112xi32, #tpu.memory_space<vmem>> -> memref<1x112xi32, #tpu.memory_space<vmem>>
    %dma_start3A_195 = tpu.memref_squeeze %dma_start3A_194 : memref<1x112xi32, #tpu.memory_space<vmem>> -> memref<112xi32, #tpu.memory_space<vmem>>
    %dma_start3A_196 = arith.constant 0 : i32
    %dma_start3A_197 = arith.constant 0 : i32
    %dma_start3A_198 = tpu.memref_slice %arg11[%dma_start3A_196, %dma_start3A_197] : memref<10112x128xf32, #tpu.memory_space<vmem_shared>> -> memref<10112x128xf32, #tpu.memory_space<vmem_shared>>
    tpu.enqueue_indirect_dma source(%arg9 : memref<112x128xf32, #tpu.memory_space<vmem>>) target(%dma_start3A_198 : memref<10112x128xf32, #tpu.memory_space<vmem_shared>>) offsets(%dma_start3A_195 : memref<112xi32, #tpu.memory_space<vmem>>) semaphore(%arg13 : memref<!tpu.dma_semaphore, #tpu.memory_space<semaphore_mem>>) {add = true}
    %sub3A_199 = arith.constant 1 : i32
    %sub3A_200 = arith.subi %select_n3A, %sub3A_199 : i32
    %sub3A_201 = arith.constant 1 : i32
    %sub3A_202 = arith.subi %sub3A_200, %sub3A_201 : i32
    %dma_wait3A_203 = arith.constant 0 : i32
    %dma_wait3A_204 = tpu.memref_slice %arg8[%sub3A_202, %dma_wait3A_203] : memref<114x112xi32, #tpu.memory_space<vmem>> -> memref<1x112xi32, #tpu.memory_space<vmem>>
    %dma_wait3A_205 = tpu.memref_squeeze %dma_wait3A_204 : memref<1x112xi32, #tpu.memory_space<vmem>> -> memref<112xi32, #tpu.memory_space<vmem>>
    %dma_wait3A_206 = arith.constant 0 : i32
    %dma_wait3A_207 = arith.constant 0 : i32
    %dma_wait3A_208 = tpu.memref_slice %arg11[%dma_wait3A_206, %dma_wait3A_207] : memref<10112x128xf32, #tpu.memory_space<vmem_shared>> -> memref<10112x128xf32, #tpu.memory_space<vmem_shared>>
    tpu.wait_indirect_dma semaphore(%arg13 : memref<!tpu.dma_semaphore, #tpu.memory_space<semaphore_mem>>) src(%arg9 : memref<112x128xf32, #tpu.memory_space<vmem>>) dst(%dma_wait3A_208 : memref<10112x128xf32, #tpu.memory_space<vmem_shared>>)
    %dma_wait3A_209 = arith.constant 0 : i32
    %dma_wait3A_210 = arith.constant 0 : i32
    %dma_wait3A_211 = tpu.memref_slice %arg7[%dma_wait3A_209, %dma_wait3A_210] : memref<1x112xi32, #tpu.memory_space<vmem>> -> memref<1x112xi32, #tpu.memory_space<vmem>>
    %dma_wait3A_212 = tpu.memref_squeeze %dma_wait3A_211 : memref<1x112xi32, #tpu.memory_space<vmem>> -> memref<112xi32, #tpu.memory_space<vmem>>
    %dma_wait3A_213 = arith.constant 0 : i32
    %dma_wait3A_214 = arith.constant 0 : i32
    %dma_wait3A_215 = tpu.memref_slice %arg2[%dma_wait3A_213, %dma_wait3A_214] : memref<10000x128xf32, #tpu.memory_space<hbm>> -> memref<10000x128xf32, #tpu.memory_space<hbm>>
    tpu.wait_indirect_dma semaphore(%arg12 : memref<!tpu.dma_semaphore, #tpu.memory_space<semaphore_mem>>) src(%dma_wait3A_215 : memref<10000x128xf32, #tpu.memory_space<hbm>>) dst(%arg10 : memref<112x128xf32, #tpu.memory_space<vmem>>)
    %dma_start3A_216 = arith.constant 0 : i32
    %dma_start3A_217 = tpu.memref_slice %arg8[%sub3A_200, %dma_start3A_216] : memref<114x112xi32, #tpu.memory_space<vmem>> -> memref<1x112xi32, #tpu.memory_space<vmem>>
    %dma_start3A_218 = tpu.memref_squeeze %dma_start3A_217 : memref<1x112xi32, #tpu.memory_space<vmem>> -> memref<112xi32, #tpu.memory_space<vmem>>
    %dma_start3A_219 = arith.constant 0 : i32
    %dma_start3A_220 = arith.constant 0 : i32
    %dma_start3A_221 = tpu.memref_slice %arg11[%dma_start3A_219, %dma_start3A_220] : memref<10112x128xf32, #tpu.memory_space<vmem_shared>> -> memref<10112x128xf32, #tpu.memory_space<vmem_shared>>
    tpu.enqueue_indirect_dma source(%arg10 : memref<112x128xf32, #tpu.memory_space<vmem>>) target(%dma_start3A_221 : memref<10112x128xf32, #tpu.memory_space<vmem_shared>>) offsets(%dma_start3A_218 : memref<112xi32, #tpu.memory_space<vmem>>) semaphore(%arg13 : memref<!tpu.dma_semaphore, #tpu.memory_space<semaphore_mem>>) {add = true}
    %sub3A_222 = arith.constant 1 : i32
    %sub3A_223 = arith.subi %select_n3A, %sub3A_222 : i32
    %dma_wait3A_224 = arith.constant 0 : i32
    %dma_wait3A_225 = tpu.memref_slice %arg8[%sub3A_223, %dma_wait3A_224] : memref<114x112xi32, #tpu.memory_space<vmem>> -> memref<1x112xi32, #tpu.memory_space<vmem>>
    %dma_wait3A_226 = tpu.memref_squeeze %dma_wait3A_225 : memref<1x112xi32, #tpu.memory_space<vmem>> -> memref<112xi32, #tpu.memory_space<vmem>>
    %dma_wait3A_227 = arith.constant 0 : i32
    %dma_wait3A_228 = arith.constant 0 : i32
    %dma_wait3A_229 = tpu.memref_slice %arg11[%dma_wait3A_227, %dma_wait3A_228] : memref<10112x128xf32, #tpu.memory_space<vmem_shared>> -> memref<10112x128xf32, #tpu.memory_space<vmem_shared>>
    tpu.wait_indirect_dma semaphore(%arg13 : memref<!tpu.dma_semaphore, #tpu.memory_space<semaphore_mem>>) src(%arg10 : memref<112x128xf32, #tpu.memory_space<vmem>>) dst(%dma_wait3A_229 : memref<10112x128xf32, #tpu.memory_space<vmem_shared>>)
    %barrier3A_230 = arith.constant 0 : index
    tpu.barrier barrier_id(%barrier3A_230)
    %mul3A_231 = arith.constant 632 : i32
    %mul3A_232 = arith.muli %arg1, %mul3A_231 : i32
    %add3A_233 = arith.constant 0 : i32
    %add3A_234 = arith.addi %mul3A_232, %add3A_233 : i32
    "tpu.region"() ({
      %run_scoped3A = tpu.sem_alloc : memref<!tpu.dma_semaphore, #tpu.memory_space<semaphore_mem>>
      %dma_start3A_255 = arith.constant 0 : i32
      %dma_start3A_256 = tpu.memref_slice %arg5[%arg0, %add3A_234, %dma_start3A_255] : memref<2x10112x128xf32, #tpu.memory_space<hbm>> -> memref<1x112x128xf32, #tpu.memory_space<hbm>>
      %dma_start3A_257 = tpu.memref_squeeze %dma_start3A_256 : memref<1x112x128xf32, #tpu.memory_space<hbm>> -> memref<112x128xf32, #tpu.memory_space<hbm>>
      %dma_start3A_258 = arith.constant 0 : i32
      %dma_start3A_259 = tpu.memref_slice %arg11[%add3A_234, %dma_start3A_258] : memref<10112x128xf32, #tpu.memory_space<vmem_shared>> -> memref<112x128xf32, #tpu.memory_space<vmem_shared>>
      tpu.enqueue_dma source(%dma_start3A_259 : memref<112x128xf32, #tpu.memory_space<vmem_shared>>) target(%dma_start3A_257 : memref<112x128xf32, #tpu.memory_space<hbm>>) target_semaphore(%run_scoped3A : memref<!tpu.dma_semaphore, #tpu.memory_space<semaphore_mem>>)
      %dma_wait3A_260 = arith.constant 0 : i32
      %dma_wait3A_261 = tpu.memref_slice %arg5[%arg0, %add3A_234, %dma_wait3A_260] : memref<2x10112x128xf32, #tpu.memory_space<hbm>> -> memref<1x112x128xf32, #tpu.memory_space<hbm>>
      %dma_wait3A_262 = tpu.memref_squeeze %dma_wait3A_261 : memref<1x112x128xf32, #tpu.memory_space<hbm>> -> memref<112x128xf32, #tpu.memory_space<hbm>>
      %dma_wait3A_263 = arith.constant 0 : i32
      %dma_wait3A_264 = tpu.memref_slice %arg11[%add3A_234, %dma_wait3A_263] : memref<10112x128xf32, #tpu.memory_space<vmem_shared>> -> memref<112x128xf32, #tpu.memory_space<vmem_shared>>
      tpu.wait_dma2 semaphore(%run_scoped3A : memref<!tpu.dma_semaphore, #tpu.memory_space<semaphore_mem>>) src(%dma_wait3A_264 : memref<112x128xf32, #tpu.memory_space<vmem_shared>>) dst(%dma_wait3A_262 : memref<112x128xf32, #tpu.memory_space<hbm>>)
      tpu.yield
    }) : () -> ()
    %mul3A_235 = arith.constant 632 : i32
    %mul3A_236 = arith.muli %arg1, %mul3A_235 : i32
    %add3A_237 = arith.constant 112 : i32
    %add3A_238 = arith.addi %mul3A_236, %add3A_237 : i32
    "tpu.region"() ({
      %run_scoped3A = tpu.sem_alloc : memref<!tpu.dma_semaphore, #tpu.memory_space<semaphore_mem>>
      %dma_start3A_255 = arith.constant 0 : i32
      %dma_start3A_256 = tpu.memref_slice %arg5[%arg0, %add3A_238, %dma_start3A_255] : memref<2x10112x128xf32, #tpu.memory_space<hbm>> -> memref<1x112x128xf32, #tpu.memory_space<hbm>>
      %dma_start3A_257 = tpu.memref_squeeze %dma_start3A_256 : memref<1x112x128xf32, #tpu.memory_space<hbm>> -> memref<112x128xf32, #tpu.memory_space<hbm>>
      %dma_start3A_258 = arith.constant 0 : i32
      %dma_start3A_259 = tpu.memref_slice %arg11[%add3A_238, %dma_start3A_258] : memref<10112x128xf32, #tpu.memory_space<vmem_shared>> -> memref<112x128xf32, #tpu.memory_space<vmem_shared>>
      tpu.enqueue_dma source(%dma_start3A_259 : memref<112x128xf32, #tpu.memory_space<vmem_shared>>) target(%dma_start3A_257 : memref<112x128xf32, #tpu.memory_space<hbm>>) target_semaphore(%run_scoped3A : memref<!tpu.dma_semaphore, #tpu.memory_space<semaphore_mem>>)
      %dma_wait3A_260 = arith.constant 0 : i32
      %dma_wait3A_261 = tpu.memref_slice %arg5[%arg0, %add3A_238, %dma_wait3A_260] : memref<2x10112x128xf32, #tpu.memory_space<hbm>> -> memref<1x112x128xf32, #tpu.memory_space<hbm>>
      %dma_wait3A_262 = tpu.memref_squeeze %dma_wait3A_261 : memref<1x112x128xf32, #tpu.memory_space<hbm>> -> memref<112x128xf32, #tpu.memory_space<hbm>>
      %dma_wait3A_263 = arith.constant 0 : i32
      %dma_wait3A_264 = tpu.memref_slice %arg11[%add3A_238, %dma_wait3A_263] : memref<10112x128xf32, #tpu.memory_space<vmem_shared>> -> memref<112x128xf32, #tpu.memory_space<vmem_shared>>
      tpu.wait_dma2 semaphore(%run_scoped3A : memref<!tpu.dma_semaphore, #tpu.memory_space<semaphore_mem>>) src(%dma_wait3A_264 : memref<112x128xf32, #tpu.memory_space<vmem_shared>>) dst(%dma_wait3A_262 : memref<112x128xf32, #tpu.memory_space<hbm>>)
      tpu.yield
    }) : () -> ()
    %mul3A_239 = arith.constant 632 : i32
    %mul3A_240 = arith.muli %arg1, %mul3A_239 : i32
    %add3A_241 = arith.constant 224 : i32
    %add3A_242 = arith.addi %mul3A_240, %add3A_241 : i32
    "tpu.region"() ({
      %run_scoped3A = tpu.sem_alloc : memref<!tpu.dma_semaphore, #tpu.memory_space<semaphore_mem>>
      %dma_start3A_255 = arith.constant 0 : i32
      %dma_start3A_256 = tpu.memref_slice %arg5[%arg0, %add3A_242, %dma_start3A_255] : memref<2x10112x128xf32, #tpu.memory_space<hbm>> -> memref<1x112x128xf32, #tpu.memory_space<hbm>>
      %dma_start3A_257 = tpu.memref_squeeze %dma_start3A_256 : memref<1x112x128xf32, #tpu.memory_space<hbm>> -> memref<112x128xf32, #tpu.memory_space<hbm>>
      %dma_start3A_258 = arith.constant 0 : i32
      %dma_start3A_259 = tpu.memref_slice %arg11[%add3A_242, %dma_start3A_258] : memref<10112x128xf32, #tpu.memory_space<vmem_shared>> -> memref<112x128xf32, #tpu.memory_space<vmem_shared>>
      tpu.enqueue_dma source(%dma_start3A_259 : memref<112x128xf32, #tpu.memory_space<vmem_shared>>) target(%dma_start3A_257 : memref<112x128xf32, #tpu.memory_space<hbm>>) target_semaphore(%run_scoped3A : memref<!tpu.dma_semaphore, #tpu.memory_space<semaphore_mem>>)
      %dma_wait3A_260 = arith.constant 0 : i32
      %dma_wait3A_261 = tpu.memref_slice %arg5[%arg0, %add3A_242, %dma_wait3A_260] : memref<2x10112x128xf32, #tpu.memory_space<hbm>> -> memref<1x112x128xf32, #tpu.memory_space<hbm>>
      %dma_wait3A_262 = tpu.memref_squeeze %dma_wait3A_261 : memref<1x112x128xf32, #tpu.memory_space<hbm>> -> memref<112x128xf32, #tpu.memory_space<hbm>>
      %dma_wait3A_263 = arith.constant 0 : i32
      %dma_wait3A_264 = tpu.memref_slice %arg11[%add3A_242, %dma_wait3A_263] : memref<10112x128xf32, #tpu.memory_space<vmem_shared>> -> memref<112x128xf32, #tpu.memory_space<vmem_shared>>
      tpu.wait_dma2 semaphore(%run_scoped3A : memref<!tpu.dma_semaphore, #tpu.memory_space<semaphore_mem>>) src(%dma_wait3A_264 : memref<112x128xf32, #tpu.memory_space<vmem_shared>>) dst(%dma_wait3A_262 : memref<112x128xf32, #tpu.memory_space<hbm>>)
      tpu.yield
    }) : () -> ()
    %mul3A_243 = arith.constant 632 : i32
    %mul3A_244 = arith.muli %arg1, %mul3A_243 : i32
    %add3A_245 = arith.constant 336 : i32
    %add3A_246 = arith.addi %mul3A_244, %add3A_245 : i32
    "tpu.region"() ({
      %run_scoped3A = tpu.sem_alloc : memref<!tpu.dma_semaphore, #tpu.memory_space<semaphore_mem>>
      %dma_start3A_255 = arith.constant 0 : i32
      %dma_start3A_256 = tpu.memref_slice %arg5[%arg0, %add3A_246, %dma_start3A_255] : memref<2x10112x128xf32, #tpu.memory_space<hbm>> -> memref<1x112x128xf32, #tpu.memory_space<hbm>>
      %dma_start3A_257 = tpu.memref_squeeze %dma_start3A_256 : memref<1x112x128xf32, #tpu.memory_space<hbm>> -> memref<112x128xf32, #tpu.memory_space<hbm>>
      %dma_start3A_258 = arith.constant 0 : i32
      %dma_start3A_259 = tpu.memref_slice %arg11[%add3A_246, %dma_start3A_258] : memref<10112x128xf32, #tpu.memory_space<vmem_shared>> -> memref<112x128xf32, #tpu.memory_space<vmem_shared>>
      tpu.enqueue_dma source(%dma_start3A_259 : memref<112x128xf32, #tpu.memory_space<vmem_shared>>) target(%dma_start3A_257 : memref<112x128xf32, #tpu.memory_space<hbm>>) target_semaphore(%run_scoped3A : memref<!tpu.dma_semaphore, #tpu.memory_space<semaphore_mem>>)
      %dma_wait3A_260 = arith.constant 0 : i32
      %dma_wait3A_261 = tpu.memref_slice %arg5[%arg0, %add3A_246, %dma_wait3A_260] : memref<2x10112x128xf32, #tpu.memory_space<hbm>> -> memref<1x112x128xf32, #tpu.memory_space<hbm>>
      %dma_wait3A_262 = tpu.memref_squeeze %dma_wait3A_261 : memref<1x112x128xf32, #tpu.memory_space<hbm>> -> memref<112x128xf32, #tpu.memory_space<hbm>>
      %dma_wait3A_263 = arith.constant 0 : i32
      %dma_wait3A_264 = tpu.memref_slice %arg11[%add3A_246, %dma_wait3A_263] : memref<10112x128xf32, #tpu.memory_space<vmem_shared>> -> memref<112x128xf32, #tpu.memory_space<vmem_shared>>
      tpu.wait_dma2 semaphore(%run_scoped3A : memref<!tpu.dma_semaphore, #tpu.memory_space<semaphore_mem>>) src(%dma_wait3A_264 : memref<112x128xf32, #tpu.memory_space<vmem_shared>>) dst(%dma_wait3A_262 : memref<112x128xf32, #tpu.memory_space<hbm>>)
      tpu.yield
    }) : () -> ()
    %mul3A_247 = arith.constant 632 : i32
    %mul3A_248 = arith.muli %arg1, %mul3A_247 : i32
    %add3A_249 = arith.constant 448 : i32
    %add3A_250 = arith.addi %mul3A_248, %add3A_249 : i32
    "tpu.region"() ({
      %run_scoped3A = tpu.sem_alloc : memref<!tpu.dma_semaphore, #tpu.memory_space<semaphore_mem>>
      %dma_start3A_255 = arith.constant 0 : i32
      %dma_start3A_256 = tpu.memref_slice %arg5[%arg0, %add3A_250, %dma_start3A_255] : memref<2x10112x128xf32, #tpu.memory_space<hbm>> -> memref<1x112x128xf32, #tpu.memory_space<hbm>>
      %dma_start3A_257 = tpu.memref_squeeze %dma_start3A_256 : memref<1x112x128xf32, #tpu.memory_space<hbm>> -> memref<112x128xf32, #tpu.memory_space<hbm>>
      %dma_start3A_258 = arith.constant 0 : i32
      %dma_start3A_259 = tpu.memref_slice %arg11[%add3A_250, %dma_start3A_258] : memref<10112x128xf32, #tpu.memory_space<vmem_shared>> -> memref<112x128xf32, #tpu.memory_space<vmem_shared>>
      tpu.enqueue_dma source(%dma_start3A_259 : memref<112x128xf32, #tpu.memory_space<vmem_shared>>) target(%dma_start3A_257 : memref<112x128xf32, #tpu.memory_space<hbm>>) target_semaphore(%run_scoped3A : memref<!tpu.dma_semaphore, #tpu.memory_space<semaphore_mem>>)
      %dma_wait3A_260 = arith.constant 0 : i32
      %dma_wait3A_261 = tpu.memref_slice %arg5[%arg0, %add3A_250, %dma_wait3A_260] : memref<2x10112x128xf32, #tpu.memory_space<hbm>> -> memref<1x112x128xf32, #tpu.memory_space<hbm>>
      %dma_wait3A_262 = tpu.memref_squeeze %dma_wait3A_261 : memref<1x112x128xf32, #tpu.memory_space<hbm>> -> memref<112x128xf32, #tpu.memory_space<hbm>>
      %dma_wait3A_263 = arith.constant 0 : i32
      %dma_wait3A_264 = tpu.memref_slice %arg11[%add3A_250, %dma_wait3A_263] : memref<10112x128xf32, #tpu.memory_space<vmem_shared>> -> memref<112x128xf32, #tpu.memory_space<vmem_shared>>
      tpu.wait_dma2 semaphore(%run_scoped3A : memref<!tpu.dma_semaphore, #tpu.memory_space<semaphore_mem>>) src(%dma_wait3A_264 : memref<112x128xf32, #tpu.memory_space<vmem_shared>>) dst(%dma_wait3A_262 : memref<112x128xf32, #tpu.memory_space<hbm>>)
      tpu.yield
    }) : () -> ()
    %mul3A_251 = arith.constant 632 : i32
    %mul3A_252 = arith.muli %arg1, %mul3A_251 : i32
    %add3A_253 = arith.constant 560 : i32
    %add3A_254 = arith.addi %mul3A_252, %add3A_253 : i32
    "tpu.region"() ({
      %run_scoped3A = tpu.sem_alloc : memref<!tpu.dma_semaphore, #tpu.memory_space<semaphore_mem>>
      %dma_start3A_255 = arith.constant 0 : i32
      %dma_start3A_256 = tpu.memref_slice %arg5[%arg0, %add3A_254, %dma_start3A_255] : memref<2x10112x128xf32, #tpu.memory_space<hbm>> -> memref<1x72x128xf32, #tpu.memory_space<hbm>>
      %dma_start3A_257 = tpu.memref_squeeze %dma_start3A_256 : memref<1x72x128xf32, #tpu.memory_space<hbm>> -> memref<72x128xf32, #tpu.memory_space<hbm>>
      %dma_start3A_258 = arith.constant 0 : i32
      %dma_start3A_259 = tpu.memref_slice %arg11[%add3A_254, %dma_start3A_258] : memref<10112x128xf32, #tpu.memory_space<vmem_shared>> -> memref<72x128xf32, #tpu.memory_space<vmem_shared>>
      tpu.enqueue_dma source(%dma_start3A_259 : memref<72x128xf32, #tpu.memory_space<vmem_shared>>) target(%dma_start3A_257 : memref<72x128xf32, #tpu.memory_space<hbm>>) target_semaphore(%run_scoped3A : memref<!tpu.dma_semaphore, #tpu.memory_space<semaphore_mem>>)
      %dma_wait3A_260 = arith.constant 0 : i32
      %dma_wait3A_261 = tpu.memref_slice %arg5[%arg0, %add3A_254, %dma_wait3A_260] : memref<2x10112x128xf32, #tpu.memory_space<hbm>> -> memref<1x72x128xf32, #tpu.memory_space<hbm>>
      %dma_wait3A_262 = tpu.memref_squeeze %dma_wait3A_261 : memref<1x72x128xf32, #tpu.memory_space<hbm>> -> memref<72x128xf32, #tpu.memory_space<hbm>>
      %dma_wait3A_263 = arith.constant 0 : i32
      %dma_wait3A_264 = tpu.memref_slice %arg11[%add3A_254, %dma_wait3A_263] : memref<10112x128xf32, #tpu.memory_space<vmem_shared>> -> memref<72x128xf32, #tpu.memory_space<vmem_shared>>
      tpu.wait_dma2 semaphore(%run_scoped3A : memref<!tpu.dma_semaphore, #tpu.memory_space<semaphore_mem>>) src(%dma_wait3A_264 : memref<72x128xf32, #tpu.memory_space<vmem_shared>>) dst(%dma_wait3A_262 : memref<72x128xf32, #tpu.memory_space<hbm>>)
      tpu.yield
    }) : () -> ()
    return
  }
}

#map = affine_map<(d0, d1) -> (0, 0)>
#map1 = affine_map<(d0, d1) -> (0, 0, 0)>
module attributes {stable_mosaic.version = 14 : i64} {
  func.func @body(%arg0: i32, %arg1: i32, %arg2: memref<10000x128xf32, #tpu.memory_space<hbm>>, %arg3: memref<32x114x112xi32, #tpu.memory_space<hbm>>, %arg4: memref<32x114x112xi32, #tpu.memory_space<hbm>>, %arg5: memref<2x10112x128xf32, #tpu.memory_space<hbm>>, %arg6: memref<1x112xi32, #tpu.memory_space<vmem>>, %arg7: memref<1x112xi32, #tpu.memory_space<vmem>>, %arg8: memref<114x112xi32, #tpu.memory_space<vmem>>, %arg9: memref<112x128xf32, #tpu.memory_space<vmem>>, %arg10: memref<112x128xf32, #tpu.memory_space<vmem>>, %arg11: memref<10112x128xf32, #tpu.memory_space<vmem_shared>>, %arg12: memref<!tpu.dma_semaphore, #tpu.memory_space<semaphore_mem>>, %arg13: memref<!tpu.dma_semaphore, #tpu.memory_space<semaphore_mem>>, %arg14: memref<!tpu.dma_semaphore, #tpu.memory_space<semaphore_mem>>) attributes {dimension_semantics = [#tpu.dimension_semantics<core_parallel>, #tpu.dimension_semantics<subcore_parallel>], iteration_bounds = array<i64: 2, 16>, scalar_prefetch = 0 : i64, scratch_operands = 9 : i64, tpu.core_type = #tpu.core_type<sc_vector_subcore>, window_params = [{transform_indices = #map}, {transform_indices = #map1}, {transform_indices = #map1}, {transform_indices = #map1}]} {
    %mul3A = arith.constant 2 : i32
    %mul3A_0 = arith.muli %arg1, %mul3A : i32
    %add3A = arith.addi %mul3A_0, %arg0 : i32
    %broadcast_in_dim3A = arith.constant 0.000000e+00 : f32
    %broadcast_in_dim3A_1 = vector.broadcast %broadcast_in_dim3A : f32 to vector<16xf32>
    %scan3A = arith.constant 0 : i32
    %scan3A_2 = arith.constant 0 : i32
    %scan3A_3 = arith.constant 112 : i32
    %scan3A_4 = arith.addi %scan3A_2, %scan3A_3 : i32
    %scan3A_5 = arith.constant 1 : i32
    scf.for %scan3A_255 = %scan3A_2 to %scan3A_4 step %scan3A_5  : i32 {
      %swap3A = arith.index_cast %scan3A_255 : i32 to index
      %swap3A_256 = arith.constant 0 : index
      %swap3A_257 = tpu.vector_load %arg9[%swap3A, %swap3A_256] {strides = array<i32>} : memref<112x128xf32, #tpu.memory_space<vmem>>, vector<1x16xf32>,
      %swap3A_258 = vector.shape_cast %swap3A_257 : vector<1x16xf32> to vector<16xf32>
      %swap3A_259 = vector.shape_cast %broadcast_in_dim3A_1 : vector<16xf32> to vector<1x16xf32>
      tpu.vector_store %arg9[%swap3A, %swap3A_256], %swap3A_259 {strides = array<i32>} : memref<112x128xf32, #tpu.memory_space<vmem>>, vector<1x16xf32>,
      %swap3A_260 = arith.index_cast %scan3A_255 : i32 to index
      %swap3A_261 = arith.constant 16 : index
      %swap3A_262 = tpu.vector_load %arg9[%swap3A_260, %swap3A_261] {strides = array<i32>} : memref<112x128xf32, #tpu.memory_space<vmem>>, vector<1x16xf32>,
      %swap3A_263 = vector.shape_cast %swap3A_262 : vector<1x16xf32> to vector<16xf32>
      %swap3A_264 = vector.shape_cast %broadcast_in_dim3A_1 : vector<16xf32> to vector<1x16xf32>
      tpu.vector_store %arg9[%swap3A_260, %swap3A_261], %swap3A_264 {strides = array<i32>} : memref<112x128xf32, #tpu.memory_space<vmem>>, vector<1x16xf32>,
      %swap3A_265 = arith.index_cast %scan3A_255 : i32 to index
      %swap3A_266 = arith.constant 32 : index
      %swap3A_267 = tpu.vector_load %arg9[%swap3A_265, %swap3A_266] {strides = array<i32>} : memref<112x128xf32, #tpu.memory_space<vmem>>, vector<1x16xf32>,
      %swap3A_268 = vector.shape_cast %swap3A_267 : vector<1x16xf32> to vector<16xf32>
      %swap3A_269 = vector.shape_cast %broadcast_in_dim3A_1 : vector<16xf32> to vector<1x16xf32>
      tpu.vector_store %arg9[%swap3A_265, %swap3A_266], %swap3A_269 {strides = array<i32>} : memref<112x128xf32, #tpu.memory_space<vmem>>, vector<1x16xf32>,
      %swap3A_270 = arith.index_cast %scan3A_255 : i32 to index
      %swap3A_271 = arith.constant 48 : index
      %swap3A_272 = tpu.vector_load %arg9[%swap3A_270, %swap3A_271] {strides = array<i32>} : memref<112x128xf32, #tpu.memory_space<vmem>>, vector<1x16xf32>,
      %swap3A_273 = vector.shape_cast %swap3A_272 : vector<1x16xf32> to vector<16xf32>
      %swap3A_274 = vector.shape_cast %broadcast_in_dim3A_1 : vector<16xf32> to vector<1x16xf32>
      tpu.vector_store %arg9[%swap3A_270, %swap3A_271], %swap3A_274 {strides = array<i32>} : memref<112x128xf32, #tpu.memory_space<vmem>>, vector<1x16xf32>,
      %swap3A_275 = arith.index_cast %scan3A_255 : i32 to index
      %swap3A_276 = arith.constant 64 : index
      %swap3A_277 = tpu.vector_load %arg9[%swap3A_275, %swap3A_276] {strides = array<i32>} : memref<112x128xf32, #tpu.memory_space<vmem>>, vector<1x16xf32>,
      %swap3A_278 = vector.shape_cast %swap3A_277 : vector<1x16xf32> to vector<16xf32>
      %swap3A_279 = vector.shape_cast %broadcast_in_dim3A_1 : vector<16xf32> to vector<1x16xf32>
      tpu.vector_store %arg9[%swap3A_275, %swap3A_276], %swap3A_279 {strides = array<i32>} : memref<112x128xf32, #tpu.memory_space<vmem>>, vector<1x16xf32>,
      %swap3A_280 = arith.index_cast %scan3A_255 : i32 to index
      %swap3A_281 = arith.constant 80 : index
      %swap3A_282 = tpu.vector_load %arg9[%swap3A_280, %swap3A_281] {strides = array<i32>} : memref<112x128xf32, #tpu.memory_space<vmem>>, vector<1x16xf32>,
      %swap3A_283 = vector.shape_cast %swap3A_282 : vector<1x16xf32> to vector<16xf32>
      %swap3A_284 = vector.shape_cast %broadcast_in_dim3A_1 : vector<16xf32> to vector<1x16xf32>
      tpu.vector_store %arg9[%swap3A_280, %swap3A_281], %swap3A_284 {strides = array<i32>} : memref<112x128xf32, #tpu.memory_space<vmem>>, vector<1x16xf32>,
      %swap3A_285 = arith.index_cast %scan3A_255 : i32 to index
      %swap3A_286 = arith.constant 96 : index
      %swap3A_287 = tpu.vector_load %arg9[%swap3A_285, %swap3A_286] {strides = array<i32>} : memref<112x128xf32, #tpu.memory_space<vmem>>, vector<1x16xf32>,
      %swap3A_288 = vector.shape_cast %swap3A_287 : vector<1x16xf32> to vector<16xf32>
      %swap3A_289 = vector.shape_cast %broadcast_in_dim3A_1 : vector<16xf32> to vector<1x16xf32>
      tpu.vector_store %arg9[%swap3A_285, %swap3A_286], %swap3A_289 {strides = array<i32>} : memref<112x128xf32, #tpu.memory_space<vmem>>, vector<1x16xf32>,
      %swap3A_290 = arith.index_cast %scan3A_255 : i32 to index
      %swap3A_291 = arith.constant 112 : index
      %swap3A_292 = tpu.vector_load %arg9[%swap3A_290, %swap3A_291] {strides = array<i32>} : memref<112x128xf32, #tpu.memory_space<vmem>>, vector<1x16xf32>,
      %swap3A_293 = vector.shape_cast %swap3A_292 : vector<1x16xf32> to vector<16xf32>
      %swap3A_294 = vector.shape_cast %broadcast_in_dim3A_1 : vector<16xf32> to vector<1x16xf32>
      tpu.vector_store %arg9[%swap3A_290, %swap3A_291], %swap3A_294 {strides = array<i32>} : memref<112x128xf32, #tpu.memory_space<vmem>>, vector<1x16xf32>,
    }
    %scan3A_6 = arith.constant 112 : i32
    %mul3A_7 = arith.constant 632 : i32
    %mul3A_8 = arith.muli %arg1, %mul3A_7 : i32
    %add3A_9 = arith.constant 0 : i32
    %add3A_10 = arith.addi %mul3A_8, %add3A_9 : i32
    "tpu.region"() ({
      %run_scoped3A = tpu.sem_alloc : memref<!tpu.dma_semaphore, #tpu.memory_space<semaphore_mem>>
      %dma_start3A_255 = arith.constant 0 : i32
      %dma_start3A_256 = tpu.memref_slice %arg11[%add3A_10, %dma_start3A_255] : memref<10112x128xf32, #tpu.memory_space<vmem_shared>> -> memref<112x128xf32, #tpu.memory_space<vmem_shared>>
      %dma_start3A_257 = arith.constant 0 : i32
      %dma_start3A_258 = tpu.memref_slice %arg11[%add3A_10, %dma_start3A_257] : memref<10112x128xf32, #tpu.memory_space<vmem_shared>> -> memref<112x128xf32, #tpu.memory_space<vmem_shared>>
      tpu.enqueue_dma source(%arg9 : memref<112x128xf32, #tpu.memory_space<vmem>>) target(%dma_start3A_258 : memref<112x128xf32, #tpu.memory_space<vmem_shared>>) target_semaphore(%run_scoped3A : memref<!tpu.dma_semaphore, #tpu.memory_space<semaphore_mem>>)
      %dma_wait3A_259 = arith.constant 0 : i32
      %dma_wait3A_260 = tpu.memref_slice %arg11[%add3A_10, %dma_wait3A_259] : memref<10112x128xf32, #tpu.memory_space<vmem_shared>> -> memref<112x128xf32, #tpu.memory_space<vmem_shared>>
      %dma_wait3A_261 = arith.constant 0 : i32
      %dma_wait3A_262 = tpu.memref_slice %arg11[%add3A_10, %dma_wait3A_261] : memref<10112x128xf32, #tpu.memory_space<vmem_shared>> -> memref<112x128xf32, #tpu.memory_space<vmem_shared>>
      tpu.wait_dma2 semaphore(%run_scoped3A : memref<!tpu.dma_semaphore, #tpu.memory_space<semaphore_mem>>) src(%arg9 : memref<112x128xf32, #tpu.memory_space<vmem>>) dst(%dma_wait3A_262 : memref<112x128xf32, #tpu.memory_space<vmem_shared>>)
      tpu.yield
    }) : () -> ()
    %mul3A_11 = arith.constant 632 : i32
    %mul3A_12 = arith.muli %arg1, %mul3A_11 : i32
    %add3A_13 = arith.constant 112 : i32
    %add3A_14 = arith.addi %mul3A_12, %add3A_13 : i32
    "tpu.region"() ({
      %run_scoped3A = tpu.sem_alloc : memref<!tpu.dma_semaphore, #tpu.memory_space<semaphore_mem>>
      %dma_start3A_255 = arith.constant 0 : i32
      %dma_start3A_256 = tpu.memref_slice %arg11[%add3A_14, %dma_start3A_255] : memref<10112x128xf32, #tpu.memory_space<vmem_shared>> -> memref<112x128xf32, #tpu.memory_space<vmem_shared>>
      %dma_start3A_257 = arith.constant 0 : i32
      %dma_start3A_258 = tpu.memref_slice %arg11[%add3A_14, %dma_start3A_257] : memref<10112x128xf32, #tpu.memory_space<vmem_shared>> -> memref<112x128xf32, #tpu.memory_space<vmem_shared>>
      tpu.enqueue_dma source(%arg9 : memref<112x128xf32, #tpu.memory_space<vmem>>) target(%dma_start3A_258 : memref<112x128xf32, #tpu.memory_space<vmem_shared>>) target_semaphore(%run_scoped3A : memref<!tpu.dma_semaphore, #tpu.memory_space<semaphore_mem>>)
      %dma_wait3A_259 = arith.constant 0 : i32
      %dma_wait3A_260 = tpu.memref_slice %arg11[%add3A_14, %dma_wait3A_259] : memref<10112x128xf32, #tpu.memory_space<vmem_shared>> -> memref<112x128xf32, #tpu.memory_space<vmem_shared>>
      %dma_wait3A_261 = arith.constant 0 : i32
      %dma_wait3A_262 = tpu.memref_slice %arg11[%add3A_14, %dma_wait3A_261] : memref<10112x128xf32, #tpu.memory_space<vmem_shared>> -> memref<112x128xf32, #tpu.memory_space<vmem_shared>>
      tpu.wait_dma2 semaphore(%run_scoped3A : memref<!tpu.dma_semaphore, #tpu.memory_space<semaphore_mem>>) src(%arg9 : memref<112x128xf32, #tpu.memory_space<vmem>>) dst(%dma_wait3A_262 : memref<112x128xf32, #tpu.memory_space<vmem_shared>>)
      tpu.yield
    }) : () -> ()
    %mul3A_15 = arith.constant 632 : i32
    %mul3A_16 = arith.muli %arg1, %mul3A_15 : i32
    %add3A_17 = arith.constant 224 : i32
    %add3A_18 = arith.addi %mul3A_16, %add3A_17 : i32
    "tpu.region"() ({
      %run_scoped3A = tpu.sem_alloc : memref<!tpu.dma_semaphore, #tpu.memory_space<semaphore_mem>>
      %dma_start3A_255 = arith.constant 0 : i32
      %dma_start3A_256 = tpu.memref_slice %arg11[%add3A_18, %dma_start3A_255] : memref<10112x128xf32, #tpu.memory_space<vmem_shared>> -> memref<112x128xf32, #tpu.memory_space<vmem_shared>>
      %dma_start3A_257 = arith.constant 0 : i32
      %dma_start3A_258 = tpu.memref_slice %arg11[%add3A_18, %dma_start3A_257] : memref<10112x128xf32, #tpu.memory_space<vmem_shared>> -> memref<112x128xf32, #tpu.memory_space<vmem_shared>>
      tpu.enqueue_dma source(%arg9 : memref<112x128xf32, #tpu.memory_space<vmem>>) target(%dma_start3A_258 : memref<112x128xf32, #tpu.memory_space<vmem_shared>>) target_semaphore(%run_scoped3A : memref<!tpu.dma_semaphore, #tpu.memory_space<semaphore_mem>>)
      %dma_wait3A_259 = arith.constant 0 : i32
      %dma_wait3A_260 = tpu.memref_slice %arg11[%add3A_18, %dma_wait3A_259] : memref<10112x128xf32, #tpu.memory_space<vmem_shared>> -> memref<112x128xf32, #tpu.memory_space<vmem_shared>>
      %dma_wait3A_261 = arith.constant 0 : i32
      %dma_wait3A_262 = tpu.memref_slice %arg11[%add3A_18, %dma_wait3A_261] : memref<10112x128xf32, #tpu.memory_space<vmem_shared>> -> memref<112x128xf32, #tpu.memory_space<vmem_shared>>
      tpu.wait_dma2 semaphore(%run_scoped3A : memref<!tpu.dma_semaphore, #tpu.memory_space<semaphore_mem>>) src(%arg9 : memref<112x128xf32, #tpu.memory_space<vmem>>) dst(%dma_wait3A_262 : memref<112x128xf32, #tpu.memory_space<vmem_shared>>)
      tpu.yield
    }) : () -> ()
    %mul3A_19 = arith.constant 632 : i32
    %mul3A_20 = arith.muli %arg1, %mul3A_19 : i32
    %add3A_21 = arith.constant 336 : i32
    %add3A_22 = arith.addi %mul3A_20, %add3A_21 : i32
    "tpu.region"() ({
      %run_scoped3A = tpu.sem_alloc : memref<!tpu.dma_semaphore, #tpu.memory_space<semaphore_mem>>
      %dma_start3A_255 = arith.constant 0 : i32
      %dma_start3A_256 = tpu.memref_slice %arg11[%add3A_22, %dma_start3A_255] : memref<10112x128xf32, #tpu.memory_space<vmem_shared>> -> memref<112x128xf32, #tpu.memory_space<vmem_shared>>
      %dma_start3A_257 = arith.constant 0 : i32
      %dma_start3A_258 = tpu.memref_slice %arg11[%add3A_22, %dma_start3A_257] : memref<10112x128xf32, #tpu.memory_space<vmem_shared>> -> memref<112x128xf32, #tpu.memory_space<vmem_shared>>
      tpu.enqueue_dma source(%arg9 : memref<112x128xf32, #tpu.memory_space<vmem>>) target(%dma_start3A_258 : memref<112x128xf32, #tpu.memory_space<vmem_shared>>) target_semaphore(%run_scoped3A : memref<!tpu.dma_semaphore, #tpu.memory_space<semaphore_mem>>)
      %dma_wait3A_259 = arith.constant 0 : i32
      %dma_wait3A_260 = tpu.memref_slice %arg11[%add3A_22, %dma_wait3A_259] : memref<10112x128xf32, #tpu.memory_space<vmem_shared>> -> memref<112x128xf32, #tpu.memory_space<vmem_shared>>
      %dma_wait3A_261 = arith.constant 0 : i32
      %dma_wait3A_262 = tpu.memref_slice %arg11[%add3A_22, %dma_wait3A_261] : memref<10112x128xf32, #tpu.memory_space<vmem_shared>> -> memref<112x128xf32, #tpu.memory_space<vmem_shared>>
      tpu.wait_dma2 semaphore(%run_scoped3A : memref<!tpu.dma_semaphore, #tpu.memory_space<semaphore_mem>>) src(%arg9 : memref<112x128xf32, #tpu.memory_space<vmem>>) dst(%dma_wait3A_262 : memref<112x128xf32, #tpu.memory_space<vmem_shared>>)
      tpu.yield
    }) : () -> ()
    %mul3A_23 = arith.constant 632 : i32
    %mul3A_24 = arith.muli %arg1, %mul3A_23 : i32
    %add3A_25 = arith.constant 448 : i32
    %add3A_26 = arith.addi %mul3A_24, %add3A_25 : i32
    "tpu.region"() ({
      %run_scoped3A = tpu.sem_alloc : memref<!tpu.dma_semaphore, #tpu.memory_space<semaphore_mem>>
      %dma_start3A_255 = arith.constant 0 : i32
      %dma_start3A_256 = tpu.memref_slice %arg11[%add3A_26, %dma_start3A_255] : memref<10112x128xf32, #tpu.memory_space<vmem_shared>> -> memref<112x128xf32, #tpu.memory_space<vmem_shared>>
      %dma_start3A_257 = arith.constant 0 : i32
      %dma_start3A_258 = tpu.memref_slice %arg11[%add3A_26, %dma_start3A_257] : memref<10112x128xf32, #tpu.memory_space<vmem_shared>> -> memref<112x128xf32, #tpu.memory_space<vmem_shared>>
      tpu.enqueue_dma source(%arg9 : memref<112x128xf32, #tpu.memory_space<vmem>>) target(%dma_start3A_258 : memref<112x128xf32, #tpu.memory_space<vmem_shared>>) target_semaphore(%run_scoped3A : memref<!tpu.dma_semaphore, #tpu.memory_space<semaphore_mem>>)
      %dma_wait3A_259 = arith.constant 0 : i32
      %dma_wait3A_260 = tpu.memref_slice %arg11[%add3A_26, %dma_wait3A_259] : memref<10112x128xf32, #tpu.memory_space<vmem_shared>> -> memref<112x128xf32, #tpu.memory_space<vmem_shared>>
      %dma_wait3A_261 = arith.constant 0 : i32
      %dma_wait3A_262 = tpu.memref_slice %arg11[%add3A_26, %dma_wait3A_261] : memref<10112x128xf32, #tpu.memory_space<vmem_shared>> -> memref<112x128xf32, #tpu.memory_space<vmem_shared>>
      tpu.wait_dma2 semaphore(%run_scoped3A : memref<!tpu.dma_semaphore, #tpu.memory_space<semaphore_mem>>) src(%arg9 : memref<112x128xf32, #tpu.memory_space<vmem>>) dst(%dma_wait3A_262 : memref<112x128xf32, #tpu.memory_space<vmem_shared>>)
      tpu.yield
    }) : () -> ()
    %mul3A_27 = arith.constant 632 : i32
    %mul3A_28 = arith.muli %arg1, %mul3A_27 : i32
    %add3A_29 = arith.constant 560 : i32
    %add3A_30 = arith.addi %mul3A_28, %add3A_29 : i32
    "tpu.region"() ({
      %run_scoped3A = tpu.sem_alloc : memref<!tpu.dma_semaphore, #tpu.memory_space<semaphore_mem>>
      %dma_start3A_255 = arith.constant 0 : i32
      %dma_start3A_256 = arith.constant 0 : i32
      %dma_start3A_257 = tpu.memref_slice %arg9[%dma_start3A_255, %dma_start3A_256] : memref<112x128xf32, #tpu.memory_space<vmem>> -> memref<72x128xf32, #tpu.memory_space<vmem>>
      %dma_start3A_258 = arith.constant 0 : i32
      %dma_start3A_259 = tpu.memref_slice %arg11[%add3A_30, %dma_start3A_258] : memref<10112x128xf32, #tpu.memory_space<vmem_shared>> -> memref<72x128xf32, #tpu.memory_space<vmem_shared>>
      %dma_start3A_260 = arith.constant 0 : i32
      %dma_start3A_261 = tpu.memref_slice %arg11[%add3A_30, %dma_start3A_260] : memref<10112x128xf32, #tpu.memory_space<vmem_shared>> -> memref<72x128xf32, #tpu.memory_space<vmem_shared>>
      %dma_start3A_262 = arith.constant 0 : i32
      %dma_start3A_263 = arith.constant 0 : i32
      %dma_start3A_264 = tpu.memref_slice %arg9[%dma_start3A_262, %dma_start3A_263] : memref<112x128xf32, #tpu.memory_space<vmem>> -> memref<72x128xf32, #tpu.memory_space<vmem>>
      tpu.enqueue_dma source(%dma_start3A_264 : memref<72x128xf32, #tpu.memory_space<vmem>>) target(%dma_start3A_261 : memref<72x128xf32, #tpu.memory_space<vmem_shared>>) target_semaphore(%run_scoped3A : memref<!tpu.dma_semaphore, #tpu.memory_space<semaphore_mem>>)
      %dma_wait3A_265 = arith.constant 0 : i32
      %dma_wait3A_266 = arith.constant 0 : i32
      %dma_wait3A_267 = tpu.memref_slice %arg9[%dma_wait3A_265, %dma_wait3A_266] : memref<112x128xf32, #tpu.memory_space<vmem>> -> memref<72x128xf32, #tpu.memory_space<vmem>>
      %dma_wait3A_268 = arith.constant 0 : i32
      %dma_wait3A_269 = tpu.memref_slice %arg11[%add3A_30, %dma_wait3A_268] : memref<10112x128xf32, #tpu.memory_space<vmem_shared>> -> memref<72x128xf32, #tpu.memory_space<vmem_shared>>
      %dma_wait3A_270 = arith.constant 0 : i32
      %dma_wait3A_271 = tpu.memref_slice %arg11[%add3A_30, %dma_wait3A_270] : memref<10112x128xf32, #tpu.memory_space<vmem_shared>> -> memref<72x128xf32, #tpu.memory_space<vmem_shared>>
      %dma_wait3A_272 = arith.constant 0 : i32
      %dma_wait3A_273 = arith.constant 0 : i32
      %dma_wait3A_274 = tpu.memref_slice %arg9[%dma_wait3A_272, %dma_wait3A_273] : memref<112x128xf32, #tpu.memory_space<vmem>> -> memref<72x128xf32, #tpu.memory_space<vmem>>
      tpu.wait_dma2 semaphore(%run_scoped3A : memref<!tpu.dma_semaphore, #tpu.memory_space<semaphore_mem>>) src(%dma_wait3A_274 : memref<72x128xf32, #tpu.memory_space<vmem>>) dst(%dma_wait3A_271 : memref<72x128xf32, #tpu.memory_space<vmem_shared>>)
      tpu.yield
    }) : () -> ()
    %mul3A_31 = arith.constant 16 : i32
    %mul3A_32 = arith.muli %arg0, %mul3A_31 : i32
    %add3A_33 = arith.addi %mul3A_32, %arg1 : i32
    %eq3A = arith.constant 0 : i32
    %eq3A_34 = arith.cmpi eq, %arg0, %eq3A : i32
    %jit3A = arith.constant 114 : i32
    %jit3A_35 = arith.constant 66 : i32
    %select_n3A = arith.select %eq3A_34, %jit3A, %jit3A_35 : i32
    "tpu.region"() ({
      %run_scoped3A = tpu.sem_alloc : memref<!tpu.dma_semaphore, #tpu.memory_space<semaphore_mem>>
      %dma_start3A_255 = arith.constant 0 : i32
      %dma_start3A_256 = arith.constant 0 : i32
      %dma_start3A_257 = tpu.memref_slice %arg4[%add3A_33, %dma_start3A_255, %dma_start3A_256] : memref<32x114x112xi32, #tpu.memory_space<hbm>> -> memref<1x114x112xi32, #tpu.memory_space<hbm>>
      %dma_start3A_258 = tpu.memref_squeeze %dma_start3A_257 : memref<1x114x112xi32, #tpu.memory_space<hbm>> -> memref<114x112xi32, #tpu.memory_space<hbm>>
      %dma_start3A_259 = arith.constant 0 : i32
      %dma_start3A_260 = arith.constant 0 : i32
      %dma_start3A_261 = tpu.memref_slice %arg4[%add3A_33, %dma_start3A_259, %dma_start3A_260] : memref<32x114x112xi32, #tpu.memory_space<hbm>> -> memref<1x114x112xi32, #tpu.memory_space<hbm>>
      %dma_start3A_262 = tpu.memref_squeeze %dma_start3A_261 : memref<1x114x112xi32, #tpu.memory_space<hbm>> -> memref<114x112xi32, #tpu.memory_space<hbm>>
      tpu.enqueue_dma source(%dma_start3A_262 : memref<114x112xi32, #tpu.memory_space<hbm>>) target(%arg8 : memref<114x112xi32, #tpu.memory_space<vmem>>) target_semaphore(%run_scoped3A : memref<!tpu.dma_semaphore, #tpu.memory_space<semaphore_mem>>)
      %dma_wait3A_263 = arith.constant 0 : i32
      %dma_wait3A_264 = arith.constant 0 : i32
      %dma_wait3A_265 = tpu.memref_slice %arg4[%add3A_33, %dma_wait3A_263, %dma_wait3A_264] : memref<32x114x112xi32, #tpu.memory_space<hbm>> -> memref<1x114x112xi32, #tpu.memory_space<hbm>>
      %dma_wait3A_266 = tpu.memref_squeeze %dma_wait3A_265 : memref<1x114x112xi32, #tpu.memory_space<hbm>> -> memref<114x112xi32, #tpu.memory_space<hbm>>
      %dma_wait3A_267 = arith.constant 0 : i32
      %dma_wait3A_268 = arith.constant 0 : i32
      %dma_wait3A_269 = tpu.memref_slice %arg4[%add3A_33, %dma_wait3A_267, %dma_wait3A_268] : memref<32x114x112xi32, #tpu.memory_space<hbm>> -> memref<1x114x112xi32, #tpu.memory_space<hbm>>
      %dma_wait3A_270 = tpu.memref_squeeze %dma_wait3A_269 : memref<1x114x112xi32, #tpu.memory_space<hbm>> -> memref<114x112xi32, #tpu.memory_space<hbm>>
      tpu.wait_dma2 semaphore(%run_scoped3A : memref<!tpu.dma_semaphore, #tpu.memory_space<semaphore_mem>>) src(%dma_wait3A_270 : memref<114x112xi32, #tpu.memory_space<hbm>>) dst(%arg8 : memref<114x112xi32, #tpu.memory_space<vmem>>)
      tpu.yield
    }) : () -> ()
    "tpu.region"() ({
      %run_scoped3A = tpu.sem_alloc : memref<!tpu.dma_semaphore, #tpu.memory_space<semaphore_mem>>
      %dma_start3A_255 = arith.constant 0 : i32
      %dma_start3A_256 = arith.constant 0 : i32
      %dma_start3A_257 = tpu.memref_slice %arg3[%add3A_33, %dma_start3A_255, %dma_start3A_256] : memref<32x114x112xi32, #tpu.memory_space<hbm>> -> memref<1x1x112xi32, #tpu.memory_space<hbm>>
      %dma_start3A_258 = tpu.memref_squeeze %dma_start3A_257 : memref<1x1x112xi32, #tpu.memory_space<hbm>> -> memref<1x112xi32, #tpu.memory_space<hbm>>
      %dma_start3A_259 = arith.constant 0 : i32
      %dma_start3A_260 = arith.constant 0 : i32
      %dma_start3A_261 = tpu.memref_slice %arg3[%add3A_33, %dma_start3A_259, %dma_start3A_260] : memref<32x114x112xi32, #tpu.memory_space<hbm>> -> memref<1x1x112xi32, #tpu.memory_space<hbm>>
      %dma_start3A_262 = tpu.memref_squeeze %dma_start3A_261 : memref<1x1x112xi32, #tpu.memory_space<hbm>> -> memref<1x112xi32, #tpu.memory_space<hbm>>
      tpu.enqueue_dma source(%dma_start3A_262 : memref<1x112xi32, #tpu.memory_space<hbm>>) target(%arg6 : memref<1x112xi32, #tpu.memory_space<vmem>>) target_semaphore(%run_scoped3A : memref<!tpu.dma_semaphore, #tpu.memory_space<semaphore_mem>>)
      %dma_wait3A_263 = arith.constant 0 : i32
      %dma_wait3A_264 = arith.constant 0 : i32
      %dma_wait3A_265 = tpu.memref_slice %arg3[%add3A_33, %dma_wait3A_263, %dma_wait3A_264] : memref<32x114x112xi32, #tpu.memory_space<hbm>> -> memref<1x1x112xi32, #tpu.memory_space<hbm>>
      %dma_wait3A_266 = tpu.memref_squeeze %dma_wait3A_265 : memref<1x1x112xi32, #tpu.memory_space<hbm>> -> memref<1x112xi32, #tpu.memory_space<hbm>>
      %dma_wait3A_267 = arith.constant 0 : i32
      %dma_wait3A_268 = arith.constant 0 : i32
      %dma_wait3A_269 = tpu.memref_slice %arg3[%add3A_33, %dma_wait3A_267, %dma_wait3A_268] : memref<32x114x112xi32, #tpu.memory_space<hbm>> -> memref<1x1x112xi32, #tpu.memory_space<hbm>>
      %dma_wait3A_270 = tpu.memref_squeeze %dma_wait3A_269 : memref<1x1x112xi32, #tpu.memory_space<hbm>> -> memref<1x112xi32, #tpu.memory_space<hbm>>
      tpu.wait_dma2 semaphore(%run_scoped3A : memref<!tpu.dma_semaphore, #tpu.memory_space<semaphore_mem>>) src(%dma_wait3A_270 : memref<1x112xi32, #tpu.memory_space<hbm>>) dst(%arg6 : memref<1x112xi32, #tpu.memory_space<vmem>>)
      tpu.yield
    }) : () -> ()
    %dma_start3A = arith.constant 1 : i32
    %dma_start3A_36 = arith.constant 0 : i32
    %dma_start3A_37 = tpu.memref_slice %arg3[%add3A_33, %dma_start3A, %dma_start3A_36] : memref<32x114x112xi32, #tpu.memory_space<hbm>> -> memref<1x1x112xi32, #tpu.memory_space<hbm>>
    %dma_start3A_38 = tpu.memref_squeeze %dma_start3A_37 : memref<1x1x112xi32, #tpu.memory_space<hbm>> -> memref<1x112xi32, #tpu.memory_space<hbm>>
    %dma_start3A_39 = arith.constant 1 : i32
    %dma_start3A_40 = arith.constant 0 : i32
    %dma_start3A_41 = tpu.memref_slice %arg3[%add3A_33, %dma_start3A_39, %dma_start3A_40] : memref<32x114x112xi32, #tpu.memory_space<hbm>> -> memref<1x1x112xi32, #tpu.memory_space<hbm>>
    %dma_start3A_42 = tpu.memref_squeeze %dma_start3A_41 : memref<1x1x112xi32, #tpu.memory_space<hbm>> -> memref<1x112xi32, #tpu.memory_space<hbm>>
    tpu.enqueue_dma source(%dma_start3A_42 : memref<1x112xi32, #tpu.memory_space<hbm>>) target(%arg7 : memref<1x112xi32, #tpu.memory_space<vmem>>) target_semaphore(%arg14 : memref<!tpu.dma_semaphore, #tpu.memory_space<semaphore_mem>>)
    %dma_start3A_43 = arith.constant 0 : i32
    %dma_start3A_44 = arith.constant 0 : i32
    %dma_start3A_45 = tpu.memref_slice %arg6[%dma_start3A_43, %dma_start3A_44] : memref<1x112xi32, #tpu.memory_space<vmem>> -> memref<1x112xi32, #tpu.memory_space<vmem>>
    %dma_start3A_46 = tpu.memref_squeeze %dma_start3A_45 : memref<1x112xi32, #tpu.memory_space<vmem>> -> memref<112xi32, #tpu.memory_space<vmem>>
    %dma_start3A_47 = arith.constant 0 : i32
    %dma_start3A_48 = arith.constant 0 : i32
    %dma_start3A_49 = tpu.memref_slice %arg2[%dma_start3A_47, %dma_start3A_48] : memref<10000x128xf32, #tpu.memory_space<hbm>> -> memref<10000x128xf32, #tpu.memory_space<hbm>>
    tpu.enqueue_indirect_dma source(%dma_start3A_49 : memref<10000x128xf32, #tpu.memory_space<hbm>>) target(%arg9 : memref<112x128xf32, #tpu.memory_space<vmem>>) offsets(%dma_start3A_46 : memref<112xi32, #tpu.memory_space<vmem>>) semaphore(%arg12 : memref<!tpu.dma_semaphore, #tpu.memory_space<semaphore_mem>>)
    %barrier3A = arith.constant 0 : index
    tpu.barrier barrier_id(%barrier3A)
    %dma_wait3A = arith.constant 0 : i32
    %dma_wait3A_50 = arith.constant 0 : i32
    %dma_wait3A_51 = tpu.memref_slice %arg6[%dma_wait3A, %dma_wait3A_50] : memref<1x112xi32, #tpu.memory_space<vmem>> -> memref<1x112xi32, #tpu.memory_space<vmem>>
    %dma_wait3A_52 = tpu.memref_squeeze %dma_wait3A_51 : memref<1x112xi32, #tpu.memory_space<vmem>> -> memref<112xi32, #tpu.memory_space<vmem>>
    %dma_wait3A_53 = arith.constant 0 : i32
    %dma_wait3A_54 = arith.constant 0 : i32
    %dma_wait3A_55 = tpu.memref_slice %arg2[%dma_wait3A_53, %dma_wait3A_54] : memref<10000x128xf32, #tpu.memory_space<hbm>> -> memref<10000x128xf32, #tpu.memory_space<hbm>>
    tpu.wait_indirect_dma semaphore(%arg12 : memref<!tpu.dma_semaphore, #tpu.memory_space<semaphore_mem>>) src(%dma_wait3A_55 : memref<10000x128xf32, #tpu.memory_space<hbm>>) dst(%arg9 : memref<112x128xf32, #tpu.memory_space<vmem>>)
    %dma_wait3A_56 = arith.constant 1 : i32
    %dma_wait3A_57 = arith.constant 0 : i32
    %dma_wait3A_58 = tpu.memref_slice %arg3[%add3A_33, %dma_wait3A_56, %dma_wait3A_57] : memref<32x114x112xi32, #tpu.memory_space<hbm>> -> memref<1x1x112xi32, #tpu.memory_space<hbm>>
    %dma_wait3A_59 = tpu.memref_squeeze %dma_wait3A_58 : memref<1x1x112xi32, #tpu.memory_space<hbm>> -> memref<1x112xi32, #tpu.memory_space<hbm>>
    %dma_wait3A_60 = arith.constant 1 : i32
    %dma_wait3A_61 = arith.constant 0 : i32
    %dma_wait3A_62 = tpu.memref_slice %arg3[%add3A_33, %dma_wait3A_60, %dma_wait3A_61] : memref<32x114x112xi32, #tpu.memory_space<hbm>> -> memref<1x1x112xi32, #tpu.memory_space<hbm>>
    %dma_wait3A_63 = tpu.memref_squeeze %dma_wait3A_62 : memref<1x1x112xi32, #tpu.memory_space<hbm>> -> memref<1x112xi32, #tpu.memory_space<hbm>>
    tpu.wait_dma2 semaphore(%arg14 : memref<!tpu.dma_semaphore, #tpu.memory_space<semaphore_mem>>) src(%dma_wait3A_63 : memref<1x112xi32, #tpu.memory_space<hbm>>) dst(%arg7 : memref<1x112xi32, #tpu.memory_space<vmem>>)
    %dma_start3A_64 = arith.constant 2 : i32
    %dma_start3A_65 = arith.constant 0 : i32
    %dma_start3A_66 = tpu.memref_slice %arg3[%add3A_33, %dma_start3A_64, %dma_start3A_65] : memref<32x114x112xi32, #tpu.memory_space<hbm>> -> memref<1x1x112xi32, #tpu.memory_space<hbm>>
    %dma_start3A_67 = tpu.memref_squeeze %dma_start3A_66 : memref<1x1x112xi32, #tpu.memory_space<hbm>> -> memref<1x112xi32, #tpu.memory_space<hbm>>
    %dma_start3A_68 = arith.constant 2 : i32
    %dma_start3A_69 = arith.constant 0 : i32
    %dma_start3A_70 = tpu.memref_slice %arg3[%add3A_33, %dma_start3A_68, %dma_start3A_69] : memref<32x114x112xi32, #tpu.memory_space<hbm>> -> memref<1x1x112xi32, #tpu.memory_space<hbm>>
    %dma_start3A_71 = tpu.memref_squeeze %dma_start3A_70 : memref<1x1x112xi32, #tpu.memory_space<hbm>> -> memref<1x112xi32, #tpu.memory_space<hbm>>
    tpu.enqueue_dma source(%dma_start3A_71 : memref<1x112xi32, #tpu.memory_space<hbm>>) target(%arg6 : memref<1x112xi32, #tpu.memory_space<vmem>>) target_semaphore(%arg14 : memref<!tpu.dma_semaphore, #tpu.memory_space<semaphore_mem>>)
    %dma_start3A_72 = arith.constant 0 : i32
    %dma_start3A_73 = arith.constant 0 : i32
    %dma_start3A_74 = tpu.memref_slice %arg7[%dma_start3A_72, %dma_start3A_73] : memref<1x112xi32, #tpu.memory_space<vmem>> -> memref<1x112xi32, #tpu.memory_space<vmem>>
    %dma_start3A_75 = tpu.memref_squeeze %dma_start3A_74 : memref<1x112xi32, #tpu.memory_space<vmem>> -> memref<112xi32, #tpu.memory_space<vmem>>
    %dma_start3A_76 = arith.constant 0 : i32
    %dma_start3A_77 = arith.constant 0 : i32
    %dma_start3A_78 = tpu.memref_slice %arg2[%dma_start3A_76, %dma_start3A_77] : memref<10000x128xf32, #tpu.memory_space<hbm>> -> memref<10000x128xf32, #tpu.memory_space<hbm>>
    tpu.enqueue_indirect_dma source(%dma_start3A_78 : memref<10000x128xf32, #tpu.memory_space<hbm>>) target(%arg10 : memref<112x128xf32, #tpu.memory_space<vmem>>) offsets(%dma_start3A_75 : memref<112xi32, #tpu.memory_space<vmem>>) semaphore(%arg12 : memref<!tpu.dma_semaphore, #tpu.memory_space<semaphore_mem>>)
    %dma_start3A_79 = arith.constant 0 : i32
    %dma_start3A_80 = arith.constant 0 : i32
    %dma_start3A_81 = tpu.memref_slice %arg8[%dma_start3A_79, %dma_start3A_80] : memref<114x112xi32, #tpu.memory_space<vmem>> -> memref<1x112xi32, #tpu.memory_space<vmem>>
    %dma_start3A_82 = tpu.memref_squeeze %dma_start3A_81 : memref<1x112xi32, #tpu.memory_space<vmem>> -> memref<112xi32, #tpu.memory_space<vmem>>
    %dma_start3A_83 = arith.constant 0 : i32
    %dma_start3A_84 = arith.constant 0 : i32
    %dma_start3A_85 = tpu.memref_slice %arg11[%dma_start3A_83, %dma_start3A_84] : memref<10112x128xf32, #tpu.memory_space<vmem_shared>> -> memref<10112x128xf32, #tpu.memory_space<vmem_shared>>
    tpu.enqueue_indirect_dma source(%arg9 : memref<112x128xf32, #tpu.memory_space<vmem>>) target(%dma_start3A_85 : memref<10112x128xf32, #tpu.memory_space<vmem_shared>>) offsets(%dma_start3A_82 : memref<112xi32, #tpu.memory_space<vmem>>) semaphore(%arg13 : memref<!tpu.dma_semaphore, #tpu.memory_space<semaphore_mem>>) {add = true}
    %sub3A = arith.constant 4 : i32
    %sub3A_86 = arith.subi %select_n3A, %sub3A : i32
    %jit3A_87 = arith.constant 2 : i32
    %div3A = arith.divsi %sub3A_86, %jit3A_87 : i32
    %sign3A = arith.constant 0 : i32
    %sign3A_88 = arith.cmpi sgt, %sub3A_86, %sign3A : i32
    %sign3A_89 = arith.extui %sign3A_88 : i1 to i32
    %sign3A_90 = arith.constant 0 : i32
    %sign3A_91 = arith.cmpi slt, %sub3A_86, %sign3A_90 : i32
    %sign3A_92 = arith.extui %sign3A_91 : i1 to i32
    %sign3A_93 = arith.subi %sign3A_89, %sign3A_92 : i32
    %sign3A_94 = arith.constant 0 : i32
    %sign3A_95 = arith.cmpi sgt, %jit3A_87, %sign3A_94 : i32
    %sign3A_96 = arith.extui %sign3A_95 : i1 to i32
    %sign3A_97 = arith.constant 0 : i32
    %sign3A_98 = arith.cmpi slt, %jit3A_87, %sign3A_97 : i32
    %sign3A_99 = arith.extui %sign3A_98 : i1 to i32
    %sign3A_100 = arith.subi %sign3A_96, %sign3A_99 : i32
    %ne3A = arith.cmpi ne, %sign3A_93, %sign3A_100 : i32
    %rem3A = arith.remsi %sub3A_86, %jit3A_87 : i32
    %ne3A_101 = arith.constant 0 : i32
    %ne3A_102 = arith.cmpi ne, %rem3A, %ne3A_101 : i32
    %and3A = arith.andi %ne3A, %ne3A_102 : i1
    %sub3A_103 = arith.constant 1 : i32
    %sub3A_104 = arith.subi %div3A, %sub3A_103 : i32
    %select_n3A_105 = arith.select %and3A, %sub3A_104, %div3A : i32
    %while3A = arith.constant 0 : i32
    %while3A_106 = arith.constant 0 : i32
    %while3A_107 = arith.subi %select_n3A_105, %while3A_106 : i32
    %while3A_108 = arith.addi %while3A_106, %while3A_107 : i32
    %while3A_109 = arith.constant 1 : i32
    %while3A_110 = arith.divsi %while3A_107, %while3A_109 : i32
    %while3A_111 = arith.muli %while3A_110, %while3A_109 : i32
    %while3A_112 = arith.addi %while3A_106, %while3A_111 : i32
    %while3A_113 = arith.constant 1 : i32
    scf.for %while3A_255 = %while3A_106 to %while3A_112 step %while3A_113  : i32 {
      %mul3A_256 = arith.constant 2 : i32
      %mul3A_257 = arith.muli %mul3A_256, %while3A_255 : i32
      %add3A_258 = arith.constant 1 : i32
      %add3A_259 = arith.addi %add3A_258, %mul3A_257 : i32
      %sub3A_260 = arith.constant 1 : i32
      %sub3A_261 = arith.subi %add3A_259, %sub3A_260 : i32
      %dma_wait3A_262 = arith.constant 0 : i32
      %dma_wait3A_263 = tpu.memref_slice %arg8[%sub3A_261, %dma_wait3A_262] : memref<114x112xi32, #tpu.memory_space<vmem>> -> memref<1x112xi32, #tpu.memory_space<vmem>>
      %dma_wait3A_264 = tpu.memref_squeeze %dma_wait3A_263 : memref<1x112xi32, #tpu.memory_space<vmem>> -> memref<112xi32, #tpu.memory_space<vmem>>
      %dma_wait3A_265 = arith.constant 0 : i32
      %dma_wait3A_266 = arith.constant 0 : i32
      %dma_wait3A_267 = tpu.memref_slice %arg11[%dma_wait3A_265, %dma_wait3A_266] : memref<10112x128xf32, #tpu.memory_space<vmem_shared>> -> memref<10112x128xf32, #tpu.memory_space<vmem_shared>>
      tpu.wait_indirect_dma semaphore(%arg13 : memref<!tpu.dma_semaphore, #tpu.memory_space<semaphore_mem>>) src(%arg9 : memref<112x128xf32, #tpu.memory_space<vmem>>) dst(%dma_wait3A_267 : memref<10112x128xf32, #tpu.memory_space<vmem_shared>>)
      %dma_wait3A_268 = arith.constant 0 : i32
      %dma_wait3A_269 = arith.constant 0 : i32
      %dma_wait3A_270 = tpu.memref_slice %arg7[%dma_wait3A_268, %dma_wait3A_269] : memref<1x112xi32, #tpu.memory_space<vmem>> -> memref<1x112xi32, #tpu.memory_space<vmem>>
      %dma_wait3A_271 = tpu.memref_squeeze %dma_wait3A_270 : memref<1x112xi32, #tpu.memory_space<vmem>> -> memref<112xi32, #tpu.memory_space<vmem>>
      %dma_wait3A_272 = arith.constant 0 : i32
      %dma_wait3A_273 = arith.constant 0 : i32
      %dma_wait3A_274 = tpu.memref_slice %arg2[%dma_wait3A_272, %dma_wait3A_273] : memref<10000x128xf32, #tpu.memory_space<hbm>> -> memref<10000x128xf32, #tpu.memory_space<hbm>>
      tpu.wait_indirect_dma semaphore(%arg12 : memref<!tpu.dma_semaphore, #tpu.memory_space<semaphore_mem>>) src(%dma_wait3A_274 : memref<10000x128xf32, #tpu.memory_space<hbm>>) dst(%arg10 : memref<112x128xf32, #tpu.memory_space<vmem>>)
      %add3A_275 = arith.constant 1 : i32
      %add3A_276 = arith.addi %add3A_259, %add3A_275 : i32
      %dma_wait3A_277 = arith.constant 0 : i32
      %dma_wait3A_278 = tpu.memref_slice %arg3[%add3A_33, %add3A_276, %dma_wait3A_277] : memref<32x114x112xi32, #tpu.memory_space<hbm>> -> memref<1x1x112xi32, #tpu.memory_space<hbm>>
      %dma_wait3A_279 = tpu.memref_squeeze %dma_wait3A_278 : memref<1x1x112xi32, #tpu.memory_space<hbm>> -> memref<1x112xi32, #tpu.memory_space<hbm>>
      %dma_wait3A_280 = arith.constant 0 : i32
      %dma_wait3A_281 = tpu.memref_slice %arg3[%add3A_33, %add3A_276, %dma_wait3A_280] : memref<32x114x112xi32, #tpu.memory_space<hbm>> -> memref<1x1x112xi32, #tpu.memory_space<hbm>>
      %dma_wait3A_282 = tpu.memref_squeeze %dma_wait3A_281 : memref<1x1x112xi32, #tpu.memory_space<hbm>> -> memref<1x112xi32, #tpu.memory_space<hbm>>
      tpu.wait_dma2 semaphore(%arg14 : memref<!tpu.dma_semaphore, #tpu.memory_space<semaphore_mem>>) src(%dma_wait3A_282 : memref<1x112xi32, #tpu.memory_space<hbm>>) dst(%arg6 : memref<1x112xi32, #tpu.memory_space<vmem>>)
      %add3A_283 = arith.constant 2 : i32
      %add3A_284 = arith.addi %add3A_259, %add3A_283 : i32
      %dma_start3A_285 = arith.constant 0 : i32
      %dma_start3A_286 = tpu.memref_slice %arg3[%add3A_33, %add3A_284, %dma_start3A_285] : memref<32x114x112xi32, #tpu.memory_space<hbm>> -> memref<1x1x112xi32, #tpu.memory_space<hbm>>
      %dma_start3A_287 = tpu.memref_squeeze %dma_start3A_286 : memref<1x1x112xi32, #tpu.memory_space<hbm>> -> memref<1x112xi32, #tpu.memory_space<hbm>>
      %dma_start3A_288 = arith.constant 0 : i32
      %dma_start3A_289 = tpu.memref_slice %arg3[%add3A_33, %add3A_284, %dma_start3A_288] : memref<32x114x112xi32, #tpu.memory_space<hbm>> -> memref<1x1x112xi32, #tpu.memory_space<hbm>>
      %dma_start3A_290 = tpu.memref_squeeze %dma_start3A_289 : memref<1x1x112xi32, #tpu.memory_space<hbm>> -> memref<1x112xi32, #tpu.memory_space<hbm>>
      tpu.enqueue_dma source(%dma_start3A_290 : memref<1x112xi32, #tpu.memory_space<hbm>>) target(%arg7 : memref<1x112xi32, #tpu.memory_space<vmem>>) target_semaphore(%arg14 : memref<!tpu.dma_semaphore, #tpu.memory_space<semaphore_mem>>)
      %dma_start3A_291 = arith.constant 0 : i32
      %dma_start3A_292 = arith.constant 0 : i32
      %dma_start3A_293 = tpu.memref_slice %arg6[%dma_start3A_291, %dma_start3A_292] : memref<1x112xi32, #tpu.memory_space<vmem>> -> memref<1x112xi32, #tpu.memory_space<vmem>>
      %dma_start3A_294 = tpu.memref_squeeze %dma_start3A_293 : memref<1x112xi32, #tpu.memory_space<vmem>> -> memref<112xi32, #tpu.memory_space<vmem>>
      %dma_start3A_295 = arith.constant 0 : i32
      %dma_start3A_296 = arith.constant 0 : i32
      %dma_start3A_297 = tpu.memref_slice %arg2[%dma_start3A_295, %dma_start3A_296] : memref<10000x128xf32, #tpu.memory_space<hbm>> -> memref<10000x128xf32, #tpu.memory_space<hbm>>
      tpu.enqueue_indirect_dma source(%dma_start3A_297 : memref<10000x128xf32, #tpu.memory_space<hbm>>) target(%arg9 : memref<112x128xf32, #tpu.memory_space<vmem>>) offsets(%dma_start3A_294 : memref<112xi32, #tpu.memory_space<vmem>>) semaphore(%arg12 : memref<!tpu.dma_semaphore, #tpu.memory_space<semaphore_mem>>)
      %dma_start3A_298 = arith.constant 0 : i32
      %dma_start3A_299 = tpu.memref_slice %arg8[%add3A_259, %dma_start3A_298] : memref<114x112xi32, #tpu.memory_space<vmem>> -> memref<1x112xi32, #tpu.memory_space<vmem>>
      %dma_start3A_300 = tpu.memref_squeeze %dma_start3A_299 : memref<1x112xi32, #tpu.memory_space<vmem>> -> memref<112xi32, #tpu.memory_space<vmem>>
      %dma_start3A_301 = arith.constant 0 : i32
      %dma_start3A_302 = arith.constant 0 : i32
      %dma_start3A_303 = tpu.memref_slice %arg11[%dma_start3A_301, %dma_start3A_302] : memref<10112x128xf32, #tpu.memory_space<vmem_shared>> -> memref<10112x128xf32, #tpu.memory_space<vmem_shared>>
      tpu.enqueue_indirect_dma source(%arg10 : memref<112x128xf32, #tpu.memory_space<vmem>>) target(%dma_start3A_303 : memref<10112x128xf32, #tpu.memory_space<vmem_shared>>) offsets(%dma_start3A_300 : memref<112xi32, #tpu.memory_space<vmem>>) semaphore(%arg13 : memref<!tpu.dma_semaphore, #tpu.memory_space<semaphore_mem>>) {add = true}
      %add3A_304 = arith.constant 1 : i32
      %add3A_305 = arith.addi %add3A_259, %add3A_304 : i32
      %sub3A_306 = arith.constant 1 : i32
      %sub3A_307 = arith.subi %add3A_305, %sub3A_306 : i32
      %dma_wait3A_308 = arith.constant 0 : i32
      %dma_wait3A_309 = tpu.memref_slice %arg8[%sub3A_307, %dma_wait3A_308] : memref<114x112xi32, #tpu.memory_space<vmem>> -> memref<1x112xi32, #tpu.memory_space<vmem>>
      %dma_wait3A_310 = tpu.memref_squeeze %dma_wait3A_309 : memref<1x112xi32, #tpu.memory_space<vmem>> -> memref<112xi32, #tpu.memory_space<vmem>>
      %dma_wait3A_311 = arith.constant 0 : i32
      %dma_wait3A_312 = arith.constant 0 : i32
      %dma_wait3A_313 = tpu.memref_slice %arg11[%dma_wait3A_311, %dma_wait3A_312] : memref<10112x128xf32, #tpu.memory_space<vmem_shared>> -> memref<10112x128xf32, #tpu.memory_space<vmem_shared>>
      tpu.wait_indirect_dma semaphore(%arg13 : memref<!tpu.dma_semaphore, #tpu.memory_space<semaphore_mem>>) src(%arg10 : memref<112x128xf32, #tpu.memory_space<vmem>>) dst(%dma_wait3A_313 : memref<10112x128xf32, #tpu.memory_space<vmem_shared>>)
      %dma_wait3A_314 = arith.constant 0 : i32
      %dma_wait3A_315 = arith.constant 0 : i32
      %dma_wait3A_316 = tpu.memref_slice %arg6[%dma_wait3A_314, %dma_wait3A_315] : memref<1x112xi32, #tpu.memory_space<vmem>> -> memref<1x112xi32, #tpu.memory_space<vmem>>
      %dma_wait3A_317 = tpu.memref_squeeze %dma_wait3A_316 : memref<1x112xi32, #tpu.memory_space<vmem>> -> memref<112xi32, #tpu.memory_space<vmem>>
      %dma_wait3A_318 = arith.constant 0 : i32
      %dma_wait3A_319 = arith.constant 0 : i32
      %dma_wait3A_320 = tpu.memref_slice %arg2[%dma_wait3A_318, %dma_wait3A_319] : memref<10000x128xf32, #tpu.memory_space<hbm>> -> memref<10000x128xf32, #tpu.memory_space<hbm>>
      tpu.wait_indirect_dma semaphore(%arg12 : memref<!tpu.dma_semaphore, #tpu.memory_space<semaphore_mem>>) src(%dma_wait3A_320 : memref<10000x128xf32, #tpu.memory_space<hbm>>) dst(%arg9 : memref<112x128xf32, #tpu.memory_space<vmem>>)
      %add3A_321 = arith.constant 1 : i32
      %add3A_322 = arith.addi %add3A_305, %add3A_321 : i32
      %dma_wait3A_323 = arith.constant 0 : i32
      %dma_wait3A_324 = tpu.memref_slice %arg3[%add3A_33, %add3A_322, %dma_wait3A_323] : memref<32x114x112xi32, #tpu.memory_space<hbm>> -> memref<1x1x112xi32, #tpu.memory_space<hbm>>
      %dma_wait3A_325 = tpu.memref_squeeze %dma_wait3A_324 : memref<1x1x112xi32, #tpu.memory_space<hbm>> -> memref<1x112xi32, #tpu.memory_space<hbm>>
      %dma_wait3A_326 = arith.constant 0 : i32
      %dma_wait3A_327 = tpu.memref_slice %arg3[%add3A_33, %add3A_322, %dma_wait3A_326] : memref<32x114x112xi32, #tpu.memory_space<hbm>> -> memref<1x1x112xi32, #tpu.memory_space<hbm>>
      %dma_wait3A_328 = tpu.memref_squeeze %dma_wait3A_327 : memref<1x1x112xi32, #tpu.memory_space<hbm>> -> memref<1x112xi32, #tpu.memory_space<hbm>>
      tpu.wait_dma2 semaphore(%arg14 : memref<!tpu.dma_semaphore, #tpu.memory_space<semaphore_mem>>) src(%dma_wait3A_328 : memref<1x112xi32, #tpu.memory_space<hbm>>) dst(%arg7 : memref<1x112xi32, #tpu.memory_space<vmem>>)
      %add3A_329 = arith.constant 2 : i32
      %add3A_330 = arith.addi %add3A_305, %add3A_329 : i32
      %dma_start3A_331 = arith.constant 0 : i32
      %dma_start3A_332 = tpu.memref_slice %arg3[%add3A_33, %add3A_330, %dma_start3A_331] : memref<32x114x112xi32, #tpu.memory_space<hbm>> -> memref<1x1x112xi32, #tpu.memory_space<hbm>>
      %dma_start3A_333 = tpu.memref_squeeze %dma_start3A_332 : memref<1x1x112xi32, #tpu.memory_space<hbm>> -> memref<1x112xi32, #tpu.memory_space<hbm>>
      %dma_start3A_334 = arith.constant 0 : i32
      %dma_start3A_335 = tpu.memref_slice %arg3[%add3A_33, %add3A_330, %dma_start3A_334] : memref<32x114x112xi32, #tpu.memory_space<hbm>> -> memref<1x1x112xi32, #tpu.memory_space<hbm>>
      %dma_start3A_336 = tpu.memref_squeeze %dma_start3A_335 : memref<1x1x112xi32, #tpu.memory_space<hbm>> -> memref<1x112xi32, #tpu.memory_space<hbm>>
      tpu.enqueue_dma source(%dma_start3A_336 : memref<1x112xi32, #tpu.memory_space<hbm>>) target(%arg6 : memref<1x112xi32, #tpu.memory_space<vmem>>) target_semaphore(%arg14 : memref<!tpu.dma_semaphore, #tpu.memory_space<semaphore_mem>>)
      %dma_start3A_337 = arith.constant 0 : i32
      %dma_start3A_338 = arith.constant 0 : i32
      %dma_start3A_339 = tpu.memref_slice %arg7[%dma_start3A_337, %dma_start3A_338] : memref<1x112xi32, #tpu.memory_space<vmem>> -> memref<1x112xi32, #tpu.memory_space<vmem>>
      %dma_start3A_340 = tpu.memref_squeeze %dma_start3A_339 : memref<1x112xi32, #tpu.memory_space<vmem>> -> memref<112xi32, #tpu.memory_space<vmem>>
      %dma_start3A_341 = arith.constant 0 : i32
      %dma_start3A_342 = arith.constant 0 : i32
      %dma_start3A_343 = tpu.memref_slice %arg2[%dma_start3A_341, %dma_start3A_342] : memref<10000x128xf32, #tpu.memory_space<hbm>> -> memref<10000x128xf32, #tpu.memory_space<hbm>>
      tpu.enqueue_indirect_dma source(%dma_start3A_343 : memref<10000x128xf32, #tpu.memory_space<hbm>>) target(%arg10 : memref<112x128xf32, #tpu.memory_space<vmem>>) offsets(%dma_start3A_340 : memref<112xi32, #tpu.memory_space<vmem>>) semaphore(%arg12 : memref<!tpu.dma_semaphore, #tpu.memory_space<semaphore_mem>>)
      %dma_start3A_344 = arith.constant 0 : i32
      %dma_start3A_345 = tpu.memref_slice %arg8[%add3A_305, %dma_start3A_344] : memref<114x112xi32, #tpu.memory_space<vmem>> -> memref<1x112xi32, #tpu.memory_space<vmem>>
      %dma_start3A_346 = tpu.memref_squeeze %dma_start3A_345 : memref<1x112xi32, #tpu.memory_space<vmem>> -> memref<112xi32, #tpu.memory_space<vmem>>
      %dma_start3A_347 = arith.constant 0 : i32
      %dma_start3A_348 = arith.constant 0 : i32
      %dma_start3A_349 = tpu.memref_slice %arg11[%dma_start3A_347, %dma_start3A_348] : memref<10112x128xf32, #tpu.memory_space<vmem_shared>> -> memref<10112x128xf32, #tpu.memory_space<vmem_shared>>
      tpu.enqueue_indirect_dma source(%arg9 : memref<112x128xf32, #tpu.memory_space<vmem>>) target(%dma_start3A_349 : memref<10112x128xf32, #tpu.memory_space<vmem_shared>>) offsets(%dma_start3A_346 : memref<112xi32, #tpu.memory_space<vmem>>) semaphore(%arg13 : memref<!tpu.dma_semaphore, #tpu.memory_space<semaphore_mem>>) {add = true}
    }
    %while3A_114 = arith.constant 1 : i32
    scf.for %while3A_255 = %while3A_112 to %while3A_108 step %while3A_114  : i32 {
      %mul3A_256 = arith.constant 2 : i32
      %mul3A_257 = arith.muli %mul3A_256, %while3A_255 : i32
      %add3A_258 = arith.constant 1 : i32
      %add3A_259 = arith.addi %add3A_258, %mul3A_257 : i32
      %sub3A_260 = arith.constant 1 : i32
      %sub3A_261 = arith.subi %add3A_259, %sub3A_260 : i32
      %dma_wait3A_262 = arith.constant 0 : i32
      %dma_wait3A_263 = tpu.memref_slice %arg8[%sub3A_261, %dma_wait3A_262] : memref<114x112xi32, #tpu.memory_space<vmem>> -> memref<1x112xi32, #tpu.memory_space<vmem>>
      %dma_wait3A_264 = tpu.memref_squeeze %dma_wait3A_263 : memref<1x112xi32, #tpu.memory_space<vmem>> -> memref<112xi32, #tpu.memory_space<vmem>>
      %dma_wait3A_265 = arith.constant 0 : i32
      %dma_wait3A_266 = arith.constant 0 : i32
      %dma_wait3A_267 = tpu.memref_slice %arg11[%dma_wait3A_265, %dma_wait3A_266] : memref<10112x128xf32, #tpu.memory_space<vmem_shared>> -> memref<10112x128xf32, #tpu.memory_space<vmem_shared>>
      tpu.wait_indirect_dma semaphore(%arg13 : memref<!tpu.dma_semaphore, #tpu.memory_space<semaphore_mem>>) src(%arg9 : memref<112x128xf32, #tpu.memory_space<vmem>>) dst(%dma_wait3A_267 : memref<10112x128xf32, #tpu.memory_space<vmem_shared>>)
      %dma_wait3A_268 = arith.constant 0 : i32
      %dma_wait3A_269 = arith.constant 0 : i32
      %dma_wait3A_270 = tpu.memref_slice %arg7[%dma_wait3A_268, %dma_wait3A_269] : memref<1x112xi32, #tpu.memory_space<vmem>> -> memref<1x112xi32, #tpu.memory_space<vmem>>
      %dma_wait3A_271 = tpu.memref_squeeze %dma_wait3A_270 : memref<1x112xi32, #tpu.memory_space<vmem>> -> memref<112xi32, #tpu.memory_space<vmem>>
      %dma_wait3A_272 = arith.constant 0 : i32
      %dma_wait3A_273 = arith.constant 0 : i32
      %dma_wait3A_274 = tpu.memref_slice %arg2[%dma_wait3A_272, %dma_wait3A_273] : memref<10000x128xf32, #tpu.memory_space<hbm>> -> memref<10000x128xf32, #tpu.memory_space<hbm>>
      tpu.wait_indirect_dma semaphore(%arg12 : memref<!tpu.dma_semaphore, #tpu.memory_space<semaphore_mem>>) src(%dma_wait3A_274 : memref<10000x128xf32, #tpu.memory_space<hbm>>) dst(%arg10 : memref<112x128xf32, #tpu.memory_space<vmem>>)
      %add3A_275 = arith.constant 1 : i32
      %add3A_276 = arith.addi %add3A_259, %add3A_275 : i32
      %dma_wait3A_277 = arith.constant 0 : i32
      %dma_wait3A_278 = tpu.memref_slice %arg3[%add3A_33, %add3A_276, %dma_wait3A_277] : memref<32x114x112xi32, #tpu.memory_space<hbm>> -> memref<1x1x112xi32, #tpu.memory_space<hbm>>
      %dma_wait3A_279 = tpu.memref_squeeze %dma_wait3A_278 : memref<1x1x112xi32, #tpu.memory_space<hbm>> -> memref<1x112xi32, #tpu.memory_space<hbm>>
      %dma_wait3A_280 = arith.constant 0 : i32
      %dma_wait3A_281 = tpu.memref_slice %arg3[%add3A_33, %add3A_276, %dma_wait3A_280] : memref<32x114x112xi32, #tpu.memory_space<hbm>> -> memref<1x1x112xi32, #tpu.memory_space<hbm>>
      %dma_wait3A_282 = tpu.memref_squeeze %dma_wait3A_281 : memref<1x1x112xi32, #tpu.memory_space<hbm>> -> memref<1x112xi32, #tpu.memory_space<hbm>>
      tpu.wait_dma2 semaphore(%arg14 : memref<!tpu.dma_semaphore, #tpu.memory_space<semaphore_mem>>) src(%dma_wait3A_282 : memref<1x112xi32, #tpu.memory_space<hbm>>) dst(%arg6 : memref<1x112xi32, #tpu.memory_space<vmem>>)
      %add3A_283 = arith.constant 2 : i32
      %add3A_284 = arith.addi %add3A_259, %add3A_283 : i32
      %dma_start3A_285 = arith.constant 0 : i32
      %dma_start3A_286 = tpu.memref_slice %arg3[%add3A_33, %add3A_284, %dma_start3A_285] : memref<32x114x112xi32, #tpu.memory_space<hbm>> -> memref<1x1x112xi32, #tpu.memory_space<hbm>>
      %dma_start3A_287 = tpu.memref_squeeze %dma_start3A_286 : memref<1x1x112xi32, #tpu.memory_space<hbm>> -> memref<1x112xi32, #tpu.memory_space<hbm>>
      %dma_start3A_288 = arith.constant 0 : i32
      %dma_start3A_289 = tpu.memref_slice %arg3[%add3A_33, %add3A_284, %dma_start3A_288] : memref<32x114x112xi32, #tpu.memory_space<hbm>> -> memref<1x1x112xi32, #tpu.memory_space<hbm>>
      %dma_start3A_290 = tpu.memref_squeeze %dma_start3A_289 : memref<1x1x112xi32, #tpu.memory_space<hbm>> -> memref<1x112xi32, #tpu.memory_space<hbm>>
      tpu.enqueue_dma source(%dma_start3A_290 : memref<1x112xi32, #tpu.memory_space<hbm>>) target(%arg7 : memref<1x112xi32, #tpu.memory_space<vmem>>) target_semaphore(%arg14 : memref<!tpu.dma_semaphore, #tpu.memory_space<semaphore_mem>>)
      %dma_start3A_291 = arith.constant 0 : i32
      %dma_start3A_292 = arith.constant 0 : i32
      %dma_start3A_293 = tpu.memref_slice %arg6[%dma_start3A_291, %dma_start3A_292] : memref<1x112xi32, #tpu.memory_space<vmem>> -> memref<1x112xi32, #tpu.memory_space<vmem>>
      %dma_start3A_294 = tpu.memref_squeeze %dma_start3A_293 : memref<1x112xi32, #tpu.memory_space<vmem>> -> memref<112xi32, #tpu.memory_space<vmem>>
      %dma_start3A_295 = arith.constant 0 : i32
      %dma_start3A_296 = arith.constant 0 : i32
      %dma_start3A_297 = tpu.memref_slice %arg2[%dma_start3A_295, %dma_start3A_296] : memref<10000x128xf32, #tpu.memory_space<hbm>> -> memref<10000x128xf32, #tpu.memory_space<hbm>>
      tpu.enqueue_indirect_dma source(%dma_start3A_297 : memref<10000x128xf32, #tpu.memory_space<hbm>>) target(%arg9 : memref<112x128xf32, #tpu.memory_space<vmem>>) offsets(%dma_start3A_294 : memref<112xi32, #tpu.memory_space<vmem>>) semaphore(%arg12 : memref<!tpu.dma_semaphore, #tpu.memory_space<semaphore_mem>>)
      %dma_start3A_298 = arith.constant 0 : i32
      %dma_start3A_299 = tpu.memref_slice %arg8[%add3A_259, %dma_start3A_298] : memref<114x112xi32, #tpu.memory_space<vmem>> -> memref<1x112xi32, #tpu.memory_space<vmem>>
      %dma_start3A_300 = tpu.memref_squeeze %dma_start3A_299 : memref<1x112xi32, #tpu.memory_space<vmem>> -> memref<112xi32, #tpu.memory_space<vmem>>
      %dma_start3A_301 = arith.constant 0 : i32
      %dma_start3A_302 = arith.constant 0 : i32
      %dma_start3A_303 = tpu.memref_slice %arg11[%dma_start3A_301, %dma_start3A_302] : memref<10112x128xf32, #tpu.memory_space<vmem_shared>> -> memref<10112x128xf32, #tpu.memory_space<vmem_shared>>
      tpu.enqueue_indirect_dma source(%arg10 : memref<112x128xf32, #tpu.memory_space<vmem>>) target(%dma_start3A_303 : memref<10112x128xf32, #tpu.memory_space<vmem_shared>>) offsets(%dma_start3A_300 : memref<112xi32, #tpu.memory_space<vmem>>) semaphore(%arg13 : memref<!tpu.dma_semaphore, #tpu.memory_space<semaphore_mem>>) {add = true}
      %add3A_304 = arith.constant 1 : i32
      %add3A_305 = arith.addi %add3A_259, %add3A_304 : i32
      %sub3A_306 = arith.constant 1 : i32
      %sub3A_307 = arith.subi %add3A_305, %sub3A_306 : i32
      %dma_wait3A_308 = arith.constant 0 : i32
      %dma_wait3A_309 = tpu.memref_slice %arg8[%sub3A_307, %dma_wait3A_308] : memref<114x112xi32, #tpu.memory_space<vmem>> -> memref<1x112xi32, #tpu.memory_space<vmem>>
      %dma_wait3A_310 = tpu.memref_squeeze %dma_wait3A_309 : memref<1x112xi32, #tpu.memory_space<vmem>> -> memref<112xi32, #tpu.memory_space<vmem>>
      %dma_wait3A_311 = arith.constant 0 : i32
      %dma_wait3A_312 = arith.constant 0 : i32
      %dma_wait3A_313 = tpu.memref_slice %arg11[%dma_wait3A_311, %dma_wait3A_312] : memref<10112x128xf32, #tpu.memory_space<vmem_shared>> -> memref<10112x128xf32, #tpu.memory_space<vmem_shared>>
      tpu.wait_indirect_dma semaphore(%arg13 : memref<!tpu.dma_semaphore, #tpu.memory_space<semaphore_mem>>) src(%arg10 : memref<112x128xf32, #tpu.memory_space<vmem>>) dst(%dma_wait3A_313 : memref<10112x128xf32, #tpu.memory_space<vmem_shared>>)
      %dma_wait3A_314 = arith.constant 0 : i32
      %dma_wait3A_315 = arith.constant 0 : i32
      %dma_wait3A_316 = tpu.memref_slice %arg6[%dma_wait3A_314, %dma_wait3A_315] : memref<1x112xi32, #tpu.memory_space<vmem>> -> memref<1x112xi32, #tpu.memory_space<vmem>>
      %dma_wait3A_317 = tpu.memref_squeeze %dma_wait3A_316 : memref<1x112xi32, #tpu.memory_space<vmem>> -> memref<112xi32, #tpu.memory_space<vmem>>
      %dma_wait3A_318 = arith.constant 0 : i32
      %dma_wait3A_319 = arith.constant 0 : i32
      %dma_wait3A_320 = tpu.memref_slice %arg2[%dma_wait3A_318, %dma_wait3A_319] : memref<10000x128xf32, #tpu.memory_space<hbm>> -> memref<10000x128xf32, #tpu.memory_space<hbm>>
      tpu.wait_indirect_dma semaphore(%arg12 : memref<!tpu.dma_semaphore, #tpu.memory_space<semaphore_mem>>) src(%dma_wait3A_320 : memref<10000x128xf32, #tpu.memory_space<hbm>>) dst(%arg9 : memref<112x128xf32, #tpu.memory_space<vmem>>)
      %add3A_321 = arith.constant 1 : i32
      %add3A_322 = arith.addi %add3A_305, %add3A_321 : i32
      %dma_wait3A_323 = arith.constant 0 : i32
      %dma_wait3A_324 = tpu.memref_slice %arg3[%add3A_33, %add3A_322, %dma_wait3A_323] : memref<32x114x112xi32, #tpu.memory_space<hbm>> -> memref<1x1x112xi32, #tpu.memory_space<hbm>>
      %dma_wait3A_325 = tpu.memref_squeeze %dma_wait3A_324 : memref<1x1x112xi32, #tpu.memory_space<hbm>> -> memref<1x112xi32, #tpu.memory_space<hbm>>
      %dma_wait3A_326 = arith.constant 0 : i32
      %dma_wait3A_327 = tpu.memref_slice %arg3[%add3A_33, %add3A_322, %dma_wait3A_326] : memref<32x114x112xi32, #tpu.memory_space<hbm>> -> memref<1x1x112xi32, #tpu.memory_space<hbm>>
      %dma_wait3A_328 = tpu.memref_squeeze %dma_wait3A_327 : memref<1x1x112xi32, #tpu.memory_space<hbm>> -> memref<1x112xi32, #tpu.memory_space<hbm>>
      tpu.wait_dma2 semaphore(%arg14 : memref<!tpu.dma_semaphore, #tpu.memory_space<semaphore_mem>>) src(%dma_wait3A_328 : memref<1x112xi32, #tpu.memory_space<hbm>>) dst(%arg7 : memref<1x112xi32, #tpu.memory_space<vmem>>)
      %add3A_329 = arith.constant 2 : i32
      %add3A_330 = arith.addi %add3A_305, %add3A_329 : i32
      %dma_start3A_331 = arith.constant 0 : i32
      %dma_start3A_332 = tpu.memref_slice %arg3[%add3A_33, %add3A_330, %dma_start3A_331] : memref<32x114x112xi32, #tpu.memory_space<hbm>> -> memref<1x1x112xi32, #tpu.memory_space<hbm>>
      %dma_start3A_333 = tpu.memref_squeeze %dma_start3A_332 : memref<1x1x112xi32, #tpu.memory_space<hbm>> -> memref<1x112xi32, #tpu.memory_space<hbm>>
      %dma_start3A_334 = arith.constant 0 : i32
      %dma_start3A_335 = tpu.memref_slice %arg3[%add3A_33, %add3A_330, %dma_start3A_334] : memref<32x114x112xi32, #tpu.memory_space<hbm>> -> memref<1x1x112xi32, #tpu.memory_space<hbm>>
      %dma_start3A_336 = tpu.memref_squeeze %dma_start3A_335 : memref<1x1x112xi32, #tpu.memory_space<hbm>> -> memref<1x112xi32, #tpu.memory_space<hbm>>
      tpu.enqueue_dma source(%dma_start3A_336 : memref<1x112xi32, #tpu.memory_space<hbm>>) target(%arg6 : memref<1x112xi32, #tpu.memory_space<vmem>>) target_semaphore(%arg14 : memref<!tpu.dma_semaphore, #tpu.memory_space<semaphore_mem>>)
      %dma_start3A_337 = arith.constant 0 : i32
      %dma_start3A_338 = arith.constant 0 : i32
      %dma_start3A_339 = tpu.memref_slice %arg7[%dma_start3A_337, %dma_start3A_338] : memref<1x112xi32, #tpu.memory_space<vmem>> -> memref<1x112xi32, #tpu.memory_space<vmem>>
      %dma_start3A_340 = tpu.memref_squeeze %dma_start3A_339 : memref<1x112xi32, #tpu.memory_space<vmem>> -> memref<112xi32, #tpu.memory_space<vmem>>
      %dma_start3A_341 = arith.constant 0 : i32
      %dma_start3A_342 = arith.constant 0 : i32
      %dma_start3A_343 = tpu.memref_slice %arg2[%dma_start3A_341, %dma_start3A_342] : memref<10000x128xf32, #tpu.memory_space<hbm>> -> memref<10000x128xf32, #tpu.memory_space<hbm>>
      tpu.enqueue_indirect_dma source(%dma_start3A_343 : memref<10000x128xf32, #tpu.memory_space<hbm>>) target(%arg10 : memref<112x128xf32, #tpu.memory_space<vmem>>) offsets(%dma_start3A_340 : memref<112xi32, #tpu.memory_space<vmem>>) semaphore(%arg12 : memref<!tpu.dma_semaphore, #tpu.memory_space<semaphore_mem>>)
      %dma_start3A_344 = arith.constant 0 : i32
      %dma_start3A_345 = tpu.memref_slice %arg8[%add3A_305, %dma_start3A_344] : memref<114x112xi32, #tpu.memory_space<vmem>> -> memref<1x112xi32, #tpu.memory_space<vmem>>
      %dma_start3A_346 = tpu.memref_squeeze %dma_start3A_345 : memref<1x112xi32, #tpu.memory_space<vmem>> -> memref<112xi32, #tpu.memory_space<vmem>>
      %dma_start3A_347 = arith.constant 0 : i32
      %dma_start3A_348 = arith.constant 0 : i32
      %dma_start3A_349 = tpu.memref_slice %arg11[%dma_start3A_347, %dma_start3A_348] : memref<10112x128xf32, #tpu.memory_space<vmem_shared>> -> memref<10112x128xf32, #tpu.memory_space<vmem_shared>>
      tpu.enqueue_indirect_dma source(%arg9 : memref<112x128xf32, #tpu.memory_space<vmem>>) target(%dma_start3A_349 : memref<10112x128xf32, #tpu.memory_space<vmem_shared>>) offsets(%dma_start3A_346 : memref<112xi32, #tpu.memory_space<vmem>>) semaphore(%arg13 : memref<!tpu.dma_semaphore, #tpu.memory_space<semaphore_mem>>) {add = true}
    }
    %sub3A_115 = arith.constant 3 : i32
    %sub3A_116 = arith.subi %select_n3A, %sub3A_115 : i32
    %sub3A_117 = arith.constant 1 : i32
    %sub3A_118 = arith.subi %sub3A_116, %sub3A_117 : i32
    %dma_wait3A_119 = arith.constant 0 : i32
    %dma_wait3A_120 = tpu.memref_slice %arg8[%sub3A_118, %dma_wait3A_119] : memref<114x112xi32, #tpu.memory_space<vmem>> -> memref<1x112xi32, #tpu.memory_space<vmem>>
    %dma_wait3A_121 = tpu.memref_squeeze %dma_wait3A_120 : memref<1x112xi32, #tpu.memory_space<vmem>> -> memref<112xi32, #tpu.memory_space<vmem>>
    %dma_wait3A_122 = arith.constant 0 : i32
    %dma_wait3A_123 = arith.constant 0 : i32
    %dma_wait3A_124 = tpu.memref_slice %arg11[%dma_wait3A_122, %dma_wait3A_123] : memref<10112x128xf32, #tpu.memory_space<vmem_shared>> -> memref<10112x128xf32, #tpu.memory_space<vmem_shared>>
    tpu.wait_indirect_dma semaphore(%arg13 : memref<!tpu.dma_semaphore, #tpu.memory_space<semaphore_mem>>) src(%arg9 : memref<112x128xf32, #tpu.memory_space<vmem>>) dst(%dma_wait3A_124 : memref<10112x128xf32, #tpu.memory_space<vmem_shared>>)
    %dma_wait3A_125 = arith.constant 0 : i32
    %dma_wait3A_126 = arith.constant 0 : i32
    %dma_wait3A_127 = tpu.memref_slice %arg7[%dma_wait3A_125, %dma_wait3A_126] : memref<1x112xi32, #tpu.memory_space<vmem>> -> memref<1x112xi32, #tpu.memory_space<vmem>>
    %dma_wait3A_128 = tpu.memref_squeeze %dma_wait3A_127 : memref<1x112xi32, #tpu.memory_space<vmem>> -> memref<112xi32, #tpu.memory_space<vmem>>
    %dma_wait3A_129 = arith.constant 0 : i32
    %dma_wait3A_130 = arith.constant 0 : i32
    %dma_wait3A_131 = tpu.memref_slice %arg2[%dma_wait3A_129, %dma_wait3A_130] : memref<10000x128xf32, #tpu.memory_space<hbm>> -> memref<10000x128xf32, #tpu.memory_space<hbm>>
    tpu.wait_indirect_dma semaphore(%arg12 : memref<!tpu.dma_semaphore, #tpu.memory_space<semaphore_mem>>) src(%dma_wait3A_131 : memref<10000x128xf32, #tpu.memory_space<hbm>>) dst(%arg10 : memref<112x128xf32, #tpu.memory_space<vmem>>)
    %add3A_132 = arith.constant 1 : i32
    %add3A_133 = arith.addi %sub3A_116, %add3A_132 : i32
    %dma_wait3A_134 = arith.constant 0 : i32
    %dma_wait3A_135 = tpu.memref_slice %arg3[%add3A_33, %add3A_133, %dma_wait3A_134] : memref<32x114x112xi32, #tpu.memory_space<hbm>> -> memref<1x1x112xi32, #tpu.memory_space<hbm>>
    %dma_wait3A_136 = tpu.memref_squeeze %dma_wait3A_135 : memref<1x1x112xi32, #tpu.memory_space<hbm>> -> memref<1x112xi32, #tpu.memory_space<hbm>>
    %dma_wait3A_137 = arith.constant 0 : i32
    %dma_wait3A_138 = tpu.memref_slice %arg3[%add3A_33, %add3A_133, %dma_wait3A_137] : memref<32x114x112xi32, #tpu.memory_space<hbm>> -> memref<1x1x112xi32, #tpu.memory_space<hbm>>
    %dma_wait3A_139 = tpu.memref_squeeze %dma_wait3A_138 : memref<1x1x112xi32, #tpu.memory_space<hbm>> -> memref<1x112xi32, #tpu.memory_space<hbm>>
    tpu.wait_dma2 semaphore(%arg14 : memref<!tpu.dma_semaphore, #tpu.memory_space<semaphore_mem>>) src(%dma_wait3A_139 : memref<1x112xi32, #tpu.memory_space<hbm>>) dst(%arg6 : memref<1x112xi32, #tpu.memory_space<vmem>>)
    %add3A_140 = arith.constant 2 : i32
    %add3A_141 = arith.addi %sub3A_116, %add3A_140 : i32
    %dma_start3A_142 = arith.constant 0 : i32
    %dma_start3A_143 = tpu.memref_slice %arg3[%add3A_33, %add3A_141, %dma_start3A_142] : memref<32x114x112xi32, #tpu.memory_space<hbm>> -> memref<1x1x112xi32, #tpu.memory_space<hbm>>
    %dma_start3A_144 = tpu.memref_squeeze %dma_start3A_143 : memref<1x1x112xi32, #tpu.memory_space<hbm>> -> memref<1x112xi32, #tpu.memory_space<hbm>>
    %dma_start3A_145 = arith.constant 0 : i32
    %dma_start3A_146 = tpu.memref_slice %arg3[%add3A_33, %add3A_141, %dma_start3A_145] : memref<32x114x112xi32, #tpu.memory_space<hbm>> -> memref<1x1x112xi32, #tpu.memory_space<hbm>>
    %dma_start3A_147 = tpu.memref_squeeze %dma_start3A_146 : memref<1x1x112xi32, #tpu.memory_space<hbm>> -> memref<1x112xi32, #tpu.memory_space<hbm>>
    tpu.enqueue_dma source(%dma_start3A_147 : memref<1x112xi32, #tpu.memory_space<hbm>>) target(%arg7 : memref<1x112xi32, #tpu.memory_space<vmem>>) target_semaphore(%arg14 : memref<!tpu.dma_semaphore, #tpu.memory_space<semaphore_mem>>)
    %dma_start3A_148 = arith.constant 0 : i32
    %dma_start3A_149 = arith.constant 0 : i32
    %dma_start3A_150 = tpu.memref_slice %arg6[%dma_start3A_148, %dma_start3A_149] : memref<1x112xi32, #tpu.memory_space<vmem>> -> memref<1x112xi32, #tpu.memory_space<vmem>>
    %dma_start3A_151 = tpu.memref_squeeze %dma_start3A_150 : memref<1x112xi32, #tpu.memory_space<vmem>> -> memref<112xi32, #tpu.memory_space<vmem>>
    %dma_start3A_152 = arith.constant 0 : i32
    %dma_start3A_153 = arith.constant 0 : i32
    %dma_start3A_154 = tpu.memref_slice %arg2[%dma_start3A_152, %dma_start3A_153] : memref<10000x128xf32, #tpu.memory_space<hbm>> -> memref<10000x128xf32, #tpu.memory_space<hbm>>
    tpu.enqueue_indirect_dma source(%dma_start3A_154 : memref<10000x128xf32, #tpu.memory_space<hbm>>) target(%arg9 : memref<112x128xf32, #tpu.memory_space<vmem>>) offsets(%dma_start3A_151 : memref<112xi32, #tpu.memory_space<vmem>>) semaphore(%arg12 : memref<!tpu.dma_semaphore, #tpu.memory_space<semaphore_mem>>)
    %dma_start3A_155 = arith.constant 0 : i32
    %dma_start3A_156 = tpu.memref_slice %arg8[%sub3A_116, %dma_start3A_155] : memref<114x112xi32, #tpu.memory_space<vmem>> -> memref<1x112xi32, #tpu.memory_space<vmem>>
    %dma_start3A_157 = tpu.memref_squeeze %dma_start3A_156 : memref<1x112xi32, #tpu.memory_space<vmem>> -> memref<112xi32, #tpu.memory_space<vmem>>
    %dma_start3A_158 = arith.constant 0 : i32
    %dma_start3A_159 = arith.constant 0 : i32
    %dma_start3A_160 = tpu.memref_slice %arg11[%dma_start3A_158, %dma_start3A_159] : memref<10112x128xf32, #tpu.memory_space<vmem_shared>> -> memref<10112x128xf32, #tpu.memory_space<vmem_shared>>
    tpu.enqueue_indirect_dma source(%arg10 : memref<112x128xf32, #tpu.memory_space<vmem>>) target(%dma_start3A_160 : memref<10112x128xf32, #tpu.memory_space<vmem_shared>>) offsets(%dma_start3A_157 : memref<112xi32, #tpu.memory_space<vmem>>) semaphore(%arg13 : memref<!tpu.dma_semaphore, #tpu.memory_space<semaphore_mem>>) {add = true}
    %sub3A_161 = arith.constant 2 : i32
    %sub3A_162 = arith.subi %select_n3A, %sub3A_161 : i32
    %sub3A_163 = arith.constant 1 : i32
    %sub3A_164 = arith.subi %sub3A_162, %sub3A_163 : i32
    %dma_wait3A_165 = arith.constant 0 : i32
    %dma_wait3A_166 = tpu.memref_slice %arg8[%sub3A_164, %dma_wait3A_165] : memref<114x112xi32, #tpu.memory_space<vmem>> -> memref<1x112xi32, #tpu.memory_space<vmem>>
    %dma_wait3A_167 = tpu.memref_squeeze %dma_wait3A_166 : memref<1x112xi32, #tpu.memory_space<vmem>> -> memref<112xi32, #tpu.memory_space<vmem>>
    %dma_wait3A_168 = arith.constant 0 : i32
    %dma_wait3A_169 = arith.constant 0 : i32
    %dma_wait3A_170 = tpu.memref_slice %arg11[%dma_wait3A_168, %dma_wait3A_169] : memref<10112x128xf32, #tpu.memory_space<vmem_shared>> -> memref<10112x128xf32, #tpu.memory_space<vmem_shared>>
    tpu.wait_indirect_dma semaphore(%arg13 : memref<!tpu.dma_semaphore, #tpu.memory_space<semaphore_mem>>) src(%arg10 : memref<112x128xf32, #tpu.memory_space<vmem>>) dst(%dma_wait3A_170 : memref<10112x128xf32, #tpu.memory_space<vmem_shared>>)
    %dma_wait3A_171 = arith.constant 0 : i32
    %dma_wait3A_172 = arith.constant 0 : i32
    %dma_wait3A_173 = tpu.memref_slice %arg6[%dma_wait3A_171, %dma_wait3A_172] : memref<1x112xi32, #tpu.memory_space<vmem>> -> memref<1x112xi32, #tpu.memory_space<vmem>>
    %dma_wait3A_174 = tpu.memref_squeeze %dma_wait3A_173 : memref<1x112xi32, #tpu.memory_space<vmem>> -> memref<112xi32, #tpu.memory_space<vmem>>
    %dma_wait3A_175 = arith.constant 0 : i32
    %dma_wait3A_176 = arith.constant 0 : i32
    %dma_wait3A_177 = tpu.memref_slice %arg2[%dma_wait3A_175, %dma_wait3A_176] : memref<10000x128xf32, #tpu.memory_space<hbm>> -> memref<10000x128xf32, #tpu.memory_space<hbm>>
    tpu.wait_indirect_dma semaphore(%arg12 : memref<!tpu.dma_semaphore, #tpu.memory_space<semaphore_mem>>) src(%dma_wait3A_177 : memref<10000x128xf32, #tpu.memory_space<hbm>>) dst(%arg9 : memref<112x128xf32, #tpu.memory_space<vmem>>)
    %add3A_178 = arith.constant 1 : i32
    %add3A_179 = arith.addi %sub3A_162, %add3A_178 : i32
    %dma_wait3A_180 = arith.constant 0 : i32
    %dma_wait3A_181 = tpu.memref_slice %arg3[%add3A_33, %add3A_179, %dma_wait3A_180] : memref<32x114x112xi32, #tpu.memory_space<hbm>> -> memref<1x1x112xi32, #tpu.memory_space<hbm>>
    %dma_wait3A_182 = tpu.memref_squeeze %dma_wait3A_181 : memref<1x1x112xi32, #tpu.memory_space<hbm>> -> memref<1x112xi32, #tpu.memory_space<hbm>>
    %dma_wait3A_183 = arith.constant 0 : i32
    %dma_wait3A_184 = tpu.memref_slice %arg3[%add3A_33, %add3A_179, %dma_wait3A_183] : memref<32x114x112xi32, #tpu.memory_space<hbm>> -> memref<1x1x112xi32, #tpu.memory_space<hbm>>
    %dma_wait3A_185 = tpu.memref_squeeze %dma_wait3A_184 : memref<1x1x112xi32, #tpu.memory_space<hbm>> -> memref<1x112xi32, #tpu.memory_space<hbm>>
    tpu.wait_dma2 semaphore(%arg14 : memref<!tpu.dma_semaphore, #tpu.memory_space<semaphore_mem>>) src(%dma_wait3A_185 : memref<1x112xi32, #tpu.memory_space<hbm>>) dst(%arg7 : memref<1x112xi32, #tpu.memory_space<vmem>>)
    %dma_start3A_186 = arith.constant 0 : i32
    %dma_start3A_187 = arith.constant 0 : i32
    %dma_start3A_188 = tpu.memref_slice %arg7[%dma_start3A_186, %dma_start3A_187] : memref<1x112xi32, #tpu.memory_space<vmem>> -> memref<1x112xi32, #tpu.memory_space<vmem>>
    %dma_start3A_189 = tpu.memref_squeeze %dma_start3A_188 : memref<1x112xi32, #tpu.memory_space<vmem>> -> memref<112xi32, #tpu.memory_space<vmem>>
    %dma_start3A_190 = arith.constant 0 : i32
    %dma_start3A_191 = arith.constant 0 : i32
    %dma_start3A_192 = tpu.memref_slice %arg2[%dma_start3A_190, %dma_start3A_191] : memref<10000x128xf32, #tpu.memory_space<hbm>> -> memref<10000x128xf32, #tpu.memory_space<hbm>>
    tpu.enqueue_indirect_dma source(%dma_start3A_192 : memref<10000x128xf32, #tpu.memory_space<hbm>>) target(%arg10 : memref<112x128xf32, #tpu.memory_space<vmem>>) offsets(%dma_start3A_189 : memref<112xi32, #tpu.memory_space<vmem>>) semaphore(%arg12 : memref<!tpu.dma_semaphore, #tpu.memory_space<semaphore_mem>>)
    %dma_start3A_193 = arith.constant 0 : i32
    %dma_start3A_194 = tpu.memref_slice %arg8[%sub3A_162, %dma_start3A_193] : memref<114x112xi32, #tpu.memory_space<vmem>> -> memref<1x112xi32, #tpu.memory_space<vmem>>
    %dma_start3A_195 = tpu.memref_squeeze %dma_start3A_194 : memref<1x112xi32, #tpu.memory_space<vmem>> -> memref<112xi32, #tpu.memory_space<vmem>>
    %dma_start3A_196 = arith.constant 0 : i32
    %dma_start3A_197 = arith.constant 0 : i32
    %dma_start3A_198 = tpu.memref_slice %arg11[%dma_start3A_196, %dma_start3A_197] : memref<10112x128xf32, #tpu.memory_space<vmem_shared>> -> memref<10112x128xf32, #tpu.memory_space<vmem_shared>>
    tpu.enqueue_indirect_dma source(%arg9 : memref<112x128xf32, #tpu.memory_space<vmem>>) target(%dma_start3A_198 : memref<10112x128xf32, #tpu.memory_space<vmem_shared>>) offsets(%dma_start3A_195 : memref<112xi32, #tpu.memory_space<vmem>>) semaphore(%arg13 : memref<!tpu.dma_semaphore, #tpu.memory_space<semaphore_mem>>) {add = true}
    %sub3A_199 = arith.constant 1 : i32
    %sub3A_200 = arith.subi %select_n3A, %sub3A_199 : i32
    %sub3A_201 = arith.constant 1 : i32
    %sub3A_202 = arith.subi %sub3A_200, %sub3A_201 : i32
    %dma_wait3A_203 = arith.constant 0 : i32
    %dma_wait3A_204 = tpu.memref_slice %arg8[%sub3A_202, %dma_wait3A_203] : memref<114x112xi32, #tpu.memory_space<vmem>> -> memref<1x112xi32, #tpu.memory_space<vmem>>
    %dma_wait3A_205 = tpu.memref_squeeze %dma_wait3A_204 : memref<1x112xi32, #tpu.memory_space<vmem>> -> memref<112xi32, #tpu.memory_space<vmem>>
    %dma_wait3A_206 = arith.constant 0 : i32
    %dma_wait3A_207 = arith.constant 0 : i32
    %dma_wait3A_208 = tpu.memref_slice %arg11[%dma_wait3A_206, %dma_wait3A_207] : memref<10112x128xf32, #tpu.memory_space<vmem_shared>> -> memref<10112x128xf32, #tpu.memory_space<vmem_shared>>
    tpu.wait_indirect_dma semaphore(%arg13 : memref<!tpu.dma_semaphore, #tpu.memory_space<semaphore_mem>>) src(%arg9 : memref<112x128xf32, #tpu.memory_space<vmem>>) dst(%dma_wait3A_208 : memref<10112x128xf32, #tpu.memory_space<vmem_shared>>)
    %dma_wait3A_209 = arith.constant 0 : i32
    %dma_wait3A_210 = arith.constant 0 : i32
    %dma_wait3A_211 = tpu.memref_slice %arg7[%dma_wait3A_209, %dma_wait3A_210] : memref<1x112xi32, #tpu.memory_space<vmem>> -> memref<1x112xi32, #tpu.memory_space<vmem>>
    %dma_wait3A_212 = tpu.memref_squeeze %dma_wait3A_211 : memref<1x112xi32, #tpu.memory_space<vmem>> -> memref<112xi32, #tpu.memory_space<vmem>>
    %dma_wait3A_213 = arith.constant 0 : i32
    %dma_wait3A_214 = arith.constant 0 : i32
    %dma_wait3A_215 = tpu.memref_slice %arg2[%dma_wait3A_213, %dma_wait3A_214] : memref<10000x128xf32, #tpu.memory_space<hbm>> -> memref<10000x128xf32, #tpu.memory_space<hbm>>
    tpu.wait_indirect_dma semaphore(%arg12 : memref<!tpu.dma_semaphore, #tpu.memory_space<semaphore_mem>>) src(%dma_wait3A_215 : memref<10000x128xf32, #tpu.memory_space<hbm>>) dst(%arg10 : memref<112x128xf32, #tpu.memory_space<vmem>>)
    %dma_start3A_216 = arith.constant 0 : i32
    %dma_start3A_217 = tpu.memref_slice %arg8[%sub3A_200, %dma_start3A_216] : memref<114x112xi32, #tpu.memory_space<vmem>> -> memref<1x112xi32, #tpu.memory_space<vmem>>
    %dma_start3A_218 = tpu.memref_squeeze %dma_start3A_217 : memref<1x112xi32, #tpu.memory_space<vmem>> -> memref<112xi32, #tpu.memory_space<vmem>>
    %dma_start3A_219 = arith.constant 0 : i32
    %dma_start3A_220 = arith.constant 0 : i32
    %dma_start3A_221 = tpu.memref_slice %arg11[%dma_start3A_219, %dma_start3A_220] : memref<10112x128xf32, #tpu.memory_space<vmem_shared>> -> memref<10112x128xf32, #tpu.memory_space<vmem_shared>>
    tpu.enqueue_indirect_dma source(%arg10 : memref<112x128xf32, #tpu.memory_space<vmem>>) target(%dma_start3A_221 : memref<10112x128xf32, #tpu.memory_space<vmem_shared>>) offsets(%dma_start3A_218 : memref<112xi32, #tpu.memory_space<vmem>>) semaphore(%arg13 : memref<!tpu.dma_semaphore, #tpu.memory_space<semaphore_mem>>) {add = true}
    %sub3A_222 = arith.constant 1 : i32
    %sub3A_223 = arith.subi %select_n3A, %sub3A_222 : i32
    %dma_wait3A_224 = arith.constant 0 : i32
    %dma_wait3A_225 = tpu.memref_slice %arg8[%sub3A_223, %dma_wait3A_224] : memref<114x112xi32, #tpu.memory_space<vmem>> -> memref<1x112xi32, #tpu.memory_space<vmem>>
    %dma_wait3A_226 = tpu.memref_squeeze %dma_wait3A_225 : memref<1x112xi32, #tpu.memory_space<vmem>> -> memref<112xi32, #tpu.memory_space<vmem>>
    %dma_wait3A_227 = arith.constant 0 : i32
    %dma_wait3A_228 = arith.constant 0 : i32
    %dma_wait3A_229 = tpu.memref_slice %arg11[%dma_wait3A_227, %dma_wait3A_228] : memref<10112x128xf32, #tpu.memory_space<vmem_shared>> -> memref<10112x128xf32, #tpu.memory_space<vmem_shared>>
    tpu.wait_indirect_dma semaphore(%arg13 : memref<!tpu.dma_semaphore, #tpu.memory_space<semaphore_mem>>) src(%arg10 : memref<112x128xf32, #tpu.memory_space<vmem>>) dst(%dma_wait3A_229 : memref<10112x128xf32, #tpu.memory_space<vmem_shared>>)
    %barrier3A_230 = arith.constant 0 : index
    tpu.barrier barrier_id(%barrier3A_230)
    %mul3A_231 = arith.constant 632 : i32
    %mul3A_232 = arith.muli %arg1, %mul3A_231 : i32
    %add3A_233 = arith.constant 0 : i32
    %add3A_234 = arith.addi %mul3A_232, %add3A_233 : i32
    "tpu.region"() ({
      %run_scoped3A = tpu.sem_alloc : memref<!tpu.dma_semaphore, #tpu.memory_space<semaphore_mem>>
      %dma_start3A_255 = arith.constant 0 : i32
      %dma_start3A_256 = tpu.memref_slice %arg5[%arg0, %add3A_234, %dma_start3A_255] : memref<2x10112x128xf32, #tpu.memory_space<hbm>> -> memref<1x112x128xf32, #tpu.memory_space<hbm>>
      %dma_start3A_257 = tpu.memref_squeeze %dma_start3A_256 : memref<1x112x128xf32, #tpu.memory_space<hbm>> -> memref<112x128xf32, #tpu.memory_space<hbm>>
      %dma_start3A_258 = arith.constant 0 : i32
      %dma_start3A_259 = tpu.memref_slice %arg11[%add3A_234, %dma_start3A_258] : memref<10112x128xf32, #tpu.memory_space<vmem_shared>> -> memref<112x128xf32, #tpu.memory_space<vmem_shared>>
      tpu.enqueue_dma source(%dma_start3A_259 : memref<112x128xf32, #tpu.memory_space<vmem_shared>>) target(%dma_start3A_257 : memref<112x128xf32, #tpu.memory_space<hbm>>) target_semaphore(%run_scoped3A : memref<!tpu.dma_semaphore, #tpu.memory_space<semaphore_mem>>)
      %dma_wait3A_260 = arith.constant 0 : i32
      %dma_wait3A_261 = tpu.memref_slice %arg5[%arg0, %add3A_234, %dma_wait3A_260] : memref<2x10112x128xf32, #tpu.memory_space<hbm>> -> memref<1x112x128xf32, #tpu.memory_space<hbm>>
      %dma_wait3A_262 = tpu.memref_squeeze %dma_wait3A_261 : memref<1x112x128xf32, #tpu.memory_space<hbm>> -> memref<112x128xf32, #tpu.memory_space<hbm>>
      %dma_wait3A_263 = arith.constant 0 : i32
      %dma_wait3A_264 = tpu.memref_slice %arg11[%add3A_234, %dma_wait3A_263] : memref<10112x128xf32, #tpu.memory_space<vmem_shared>> -> memref<112x128xf32, #tpu.memory_space<vmem_shared>>
      tpu.wait_dma2 semaphore(%run_scoped3A : memref<!tpu.dma_semaphore, #tpu.memory_space<semaphore_mem>>) src(%dma_wait3A_264 : memref<112x128xf32, #tpu.memory_space<vmem_shared>>) dst(%dma_wait3A_262 : memref<112x128xf32, #tpu.memory_space<hbm>>)
      tpu.yield
    }) : () -> ()
    %mul3A_235 = arith.constant 632 : i32
    %mul3A_236 = arith.muli %arg1, %mul3A_235 : i32
    %add3A_237 = arith.constant 112 : i32
    %add3A_238 = arith.addi %mul3A_236, %add3A_237 : i32
    "tpu.region"() ({
      %run_scoped3A = tpu.sem_alloc : memref<!tpu.dma_semaphore, #tpu.memory_space<semaphore_mem>>
      %dma_start3A_255 = arith.constant 0 : i32
      %dma_start3A_256 = tpu.memref_slice %arg5[%arg0, %add3A_238, %dma_start3A_255] : memref<2x10112x128xf32, #tpu.memory_space<hbm>> -> memref<1x112x128xf32, #tpu.memory_space<hbm>>
      %dma_start3A_257 = tpu.memref_squeeze %dma_start3A_256 : memref<1x112x128xf32, #tpu.memory_space<hbm>> -> memref<112x128xf32, #tpu.memory_space<hbm>>
      %dma_start3A_258 = arith.constant 0 : i32
      %dma_start3A_259 = tpu.memref_slice %arg11[%add3A_238, %dma_start3A_258] : memref<10112x128xf32, #tpu.memory_space<vmem_shared>> -> memref<112x128xf32, #tpu.memory_space<vmem_shared>>
      tpu.enqueue_dma source(%dma_start3A_259 : memref<112x128xf32, #tpu.memory_space<vmem_shared>>) target(%dma_start3A_257 : memref<112x128xf32, #tpu.memory_space<hbm>>) target_semaphore(%run_scoped3A : memref<!tpu.dma_semaphore, #tpu.memory_space<semaphore_mem>>)
      %dma_wait3A_260 = arith.constant 0 : i32
      %dma_wait3A_261 = tpu.memref_slice %arg5[%arg0, %add3A_238, %dma_wait3A_260] : memref<2x10112x128xf32, #tpu.memory_space<hbm>> -> memref<1x112x128xf32, #tpu.memory_space<hbm>>
      %dma_wait3A_262 = tpu.memref_squeeze %dma_wait3A_261 : memref<1x112x128xf32, #tpu.memory_space<hbm>> -> memref<112x128xf32, #tpu.memory_space<hbm>>
      %dma_wait3A_263 = arith.constant 0 : i32
      %dma_wait3A_264 = tpu.memref_slice %arg11[%add3A_238, %dma_wait3A_263] : memref<10112x128xf32, #tpu.memory_space<vmem_shared>> -> memref<112x128xf32, #tpu.memory_space<vmem_shared>>
      tpu.wait_dma2 semaphore(%run_scoped3A : memref<!tpu.dma_semaphore, #tpu.memory_space<semaphore_mem>>) src(%dma_wait3A_264 : memref<112x128xf32, #tpu.memory_space<vmem_shared>>) dst(%dma_wait3A_262 : memref<112x128xf32, #tpu.memory_space<hbm>>)
      tpu.yield
    }) : () -> ()
    %mul3A_239 = arith.constant 632 : i32
    %mul3A_240 = arith.muli %arg1, %mul3A_239 : i32
    %add3A_241 = arith.constant 224 : i32
    %add3A_242 = arith.addi %mul3A_240, %add3A_241 : i32
    "tpu.region"() ({
      %run_scoped3A = tpu.sem_alloc : memref<!tpu.dma_semaphore, #tpu.memory_space<semaphore_mem>>
      %dma_start3A_255 = arith.constant 0 : i32
      %dma_start3A_256 = tpu.memref_slice %arg5[%arg0, %add3A_242, %dma_start3A_255] : memref<2x10112x128xf32, #tpu.memory_space<hbm>> -> memref<1x112x128xf32, #tpu.memory_space<hbm>>
      %dma_start3A_257 = tpu.memref_squeeze %dma_start3A_256 : memref<1x112x128xf32, #tpu.memory_space<hbm>> -> memref<112x128xf32, #tpu.memory_space<hbm>>
      %dma_start3A_258 = arith.constant 0 : i32
      %dma_start3A_259 = tpu.memref_slice %arg11[%add3A_242, %dma_start3A_258] : memref<10112x128xf32, #tpu.memory_space<vmem_shared>> -> memref<112x128xf32, #tpu.memory_space<vmem_shared>>
      tpu.enqueue_dma source(%dma_start3A_259 : memref<112x128xf32, #tpu.memory_space<vmem_shared>>) target(%dma_start3A_257 : memref<112x128xf32, #tpu.memory_space<hbm>>) target_semaphore(%run_scoped3A : memref<!tpu.dma_semaphore, #tpu.memory_space<semaphore_mem>>)
      %dma_wait3A_260 = arith.constant 0 : i32
      %dma_wait3A_261 = tpu.memref_slice %arg5[%arg0, %add3A_242, %dma_wait3A_260] : memref<2x10112x128xf32, #tpu.memory_space<hbm>> -> memref<1x112x128xf32, #tpu.memory_space<hbm>>
      %dma_wait3A_262 = tpu.memref_squeeze %dma_wait3A_261 : memref<1x112x128xf32, #tpu.memory_space<hbm>> -> memref<112x128xf32, #tpu.memory_space<hbm>>
      %dma_wait3A_263 = arith.constant 0 : i32
      %dma_wait3A_264 = tpu.memref_slice %arg11[%add3A_242, %dma_wait3A_263] : memref<10112x128xf32, #tpu.memory_space<vmem_shared>> -> memref<112x128xf32, #tpu.memory_space<vmem_shared>>
      tpu.wait_dma2 semaphore(%run_scoped3A : memref<!tpu.dma_semaphore, #tpu.memory_space<semaphore_mem>>) src(%dma_wait3A_264 : memref<112x128xf32, #tpu.memory_space<vmem_shared>>) dst(%dma_wait3A_262 : memref<112x128xf32, #tpu.memory_space<hbm>>)
      tpu.yield
    }) : () -> ()
    %mul3A_243 = arith.constant 632 : i32
    %mul3A_244 = arith.muli %arg1, %mul3A_243 : i32
    %add3A_245 = arith.constant 336 : i32
    %add3A_246 = arith.addi %mul3A_244, %add3A_245 : i32
    "tpu.region"() ({
      %run_scoped3A = tpu.sem_alloc : memref<!tpu.dma_semaphore, #tpu.memory_space<semaphore_mem>>
      %dma_start3A_255 = arith.constant 0 : i32
      %dma_start3A_256 = tpu.memref_slice %arg5[%arg0, %add3A_246, %dma_start3A_255] : memref<2x10112x128xf32, #tpu.memory_space<hbm>> -> memref<1x112x128xf32, #tpu.memory_space<hbm>>
      %dma_start3A_257 = tpu.memref_squeeze %dma_start3A_256 : memref<1x112x128xf32, #tpu.memory_space<hbm>> -> memref<112x128xf32, #tpu.memory_space<hbm>>
      %dma_start3A_258 = arith.constant 0 : i32
      %dma_start3A_259 = tpu.memref_slice %arg11[%add3A_246, %dma_start3A_258] : memref<10112x128xf32, #tpu.memory_space<vmem_shared>> -> memref<112x128xf32, #tpu.memory_space<vmem_shared>>
      tpu.enqueue_dma source(%dma_start3A_259 : memref<112x128xf32, #tpu.memory_space<vmem_shared>>) target(%dma_start3A_257 : memref<112x128xf32, #tpu.memory_space<hbm>>) target_semaphore(%run_scoped3A : memref<!tpu.dma_semaphore, #tpu.memory_space<semaphore_mem>>)
      %dma_wait3A_260 = arith.constant 0 : i32
      %dma_wait3A_261 = tpu.memref_slice %arg5[%arg0, %add3A_246, %dma_wait3A_260] : memref<2x10112x128xf32, #tpu.memory_space<hbm>> -> memref<1x112x128xf32, #tpu.memory_space<hbm>>
      %dma_wait3A_262 = tpu.memref_squeeze %dma_wait3A_261 : memref<1x112x128xf32, #tpu.memory_space<hbm>> -> memref<112x128xf32, #tpu.memory_space<hbm>>
      %dma_wait3A_263 = arith.constant 0 : i32
      %dma_wait3A_264 = tpu.memref_slice %arg11[%add3A_246, %dma_wait3A_263] : memref<10112x128xf32, #tpu.memory_space<vmem_shared>> -> memref<112x128xf32, #tpu.memory_space<vmem_shared>>
      tpu.wait_dma2 semaphore(%run_scoped3A : memref<!tpu.dma_semaphore, #tpu.memory_space<semaphore_mem>>) src(%dma_wait3A_264 : memref<112x128xf32, #tpu.memory_space<vmem_shared>>) dst(%dma_wait3A_262 : memref<112x128xf32, #tpu.memory_space<hbm>>)
      tpu.yield
    }) : () -> ()
    %mul3A_247 = arith.constant 632 : i32
    %mul3A_248 = arith.muli %arg1, %mul3A_247 : i32
    %add3A_249 = arith.constant 448 : i32
    %add3A_250 = arith.addi %mul3A_248, %add3A_249 : i32
    "tpu.region"() ({
      %run_scoped3A = tpu.sem_alloc : memref<!tpu.dma_semaphore, #tpu.memory_space<semaphore_mem>>
      %dma_start3A_255 = arith.constant 0 : i32
      %dma_start3A_256 = tpu.memref_slice %arg5[%arg0, %add3A_250, %dma_start3A_255] : memref<2x10112x128xf32, #tpu.memory_space<hbm>> -> memref<1x112x128xf32, #tpu.memory_space<hbm>>
      %dma_start3A_257 = tpu.memref_squeeze %dma_start3A_256 : memref<1x112x128xf32, #tpu.memory_space<hbm>> -> memref<112x128xf32, #tpu.memory_space<hbm>>
      %dma_start3A_258 = arith.constant 0 : i32
      %dma_start3A_259 = tpu.memref_slice %arg11[%add3A_250, %dma_start3A_258] : memref<10112x128xf32, #tpu.memory_space<vmem_shared>> -> memref<112x128xf32, #tpu.memory_space<vmem_shared>>
      tpu.enqueue_dma source(%dma_start3A_259 : memref<112x128xf32, #tpu.memory_space<vmem_shared>>) target(%dma_start3A_257 : memref<112x128xf32, #tpu.memory_space<hbm>>) target_semaphore(%run_scoped3A : memref<!tpu.dma_semaphore, #tpu.memory_space<semaphore_mem>>)
      %dma_wait3A_260 = arith.constant 0 : i32
      %dma_wait3A_261 = tpu.memref_slice %arg5[%arg0, %add3A_250, %dma_wait3A_260] : memref<2x10112x128xf32, #tpu.memory_space<hbm>> -> memref<1x112x128xf32, #tpu.memory_space<hbm>>
      %dma_wait3A_262 = tpu.memref_squeeze %dma_wait3A_261 : memref<1x112x128xf32, #tpu.memory_space<hbm>> -> memref<112x128xf32, #tpu.memory_space<hbm>>
      %dma_wait3A_263 = arith.constant 0 : i32
      %dma_wait3A_264 = tpu.memref_slice %arg11[%add3A_250, %dma_wait3A_263] : memref<10112x128xf32, #tpu.memory_space<vmem_shared>> -> memref<112x128xf32, #tpu.memory_space<vmem_shared>>
      tpu.wait_dma2 semaphore(%run_scoped3A : memref<!tpu.dma_semaphore, #tpu.memory_space<semaphore_mem>>) src(%dma_wait3A_264 : memref<112x128xf32, #tpu.memory_space<vmem_shared>>) dst(%dma_wait3A_262 : memref<112x128xf32, #tpu.memory_space<hbm>>)
      tpu.yield
    }) : () -> ()
    %mul3A_251 = arith.constant 632 : i32
    %mul3A_252 = arith.muli %arg1, %mul3A_251 : i32
    %add3A_253 = arith.constant 560 : i32
    %add3A_254 = arith.addi %mul3A_252, %add3A_253 : i32
    "tpu.region"() ({
      %run_scoped3A = tpu.sem_alloc : memref<!tpu.dma_semaphore, #tpu.memory_space<semaphore_mem>>
      %dma_start3A_255 = arith.constant 0 : i32
      %dma_start3A_256 = tpu.memref_slice %arg5[%arg0, %add3A_254, %dma_start3A_255] : memref<2x10112x128xf32, #tpu.memory_space<hbm>> -> memref<1x72x128xf32, #tpu.memory_space<hbm>>
      %dma_start3A_257 = tpu.memref_squeeze %dma_start3A_256 : memref<1x72x128xf32, #tpu.memory_space<hbm>> -> memref<72x128xf32, #tpu.memory_space<hbm>>
      %dma_start3A_258 = arith.constant 0 : i32
      %dma_start3A_259 = tpu.memref_slice %arg11[%add3A_254, %dma_start3A_258] : memref<10112x128xf32, #tpu.memory_space<vmem_shared>> -> memref<72x128xf32, #tpu.memory_space<vmem_shared>>
      tpu.enqueue_dma source(%dma_start3A_259 : memref<72x128xf32, #tpu.memory_space<vmem_shared>>) target(%dma_start3A_257 : memref<72x128xf32, #tpu.memory_space<hbm>>) target_semaphore(%run_scoped3A : memref<!tpu.dma_semaphore, #tpu.memory_space<semaphore_mem>>)
      %dma_wait3A_260 = arith.constant 0 : i32
      %dma_wait3A_261 = tpu.memref_slice %arg5[%arg0, %add3A_254, %dma_wait3A_260] : memref<2x10112x128xf32, #tpu.memory_space<hbm>> -> memref<1x72x128xf32, #tpu.memory_space<hbm>>
      %dma_wait3A_262 = tpu.memref_squeeze %dma_wait3A_261 : memref<1x72x128xf32, #tpu.memory_space<hbm>> -> memref<72x128xf32, #tpu.memory_space<hbm>>
      %dma_wait3A_263 = arith.constant 0 : i32
      %dma_wait3A_264 = tpu.memref_slice %arg11[%add3A_254, %dma_wait3A_263] : memref<10112x128xf32, #tpu.memory_space<vmem_shared>> -> memref<72x128xf32, #tpu.memory_space<vmem_shared>>
      tpu.wait_dma2 semaphore(%run_scoped3A : memref<!tpu.dma_semaphore, #tpu.memory_space<semaphore_mem>>) src(%dma_wait3A_264 : memref<72x128xf32, #tpu.memory_space<vmem_shared>>) dst(%dma_wait3A_262 : memref<72x128xf32, #tpu.memory_space<hbm>>)
      tpu.yield
    }) : () -> ()
    return
  }
}

module attributes {stable_mosaic.version = 14 : i64} {
  func.func @body(%arg0: i32, %arg1: memref<4000x1xi32, #tpu.memory_space<vmem>>, %arg2: memref<80x128xf32, #tpu.memory_space<vmem>>) attributes {dimension_semantics = [#tpu.dimension_semantics<arbitrary>], iteration_bounds = array<i64: 80>, scalar_prefetch = 0 : i64, scratch_operands = 0 : i64, tpu.core_type = #tpu.core_type<tc>, window_params = [{transform_indices = @transform_0, window_bounds = array<i64: 4000, 1>}, {pipeline_mode = #tpu.pipeline_mode<synchronous>, transform_indices = @transform_1, window_bounds = array<i64: 80, 128>}]} {
    %get3A = arith.constant 0 : index
    %get3A_0 = arith.constant 0 : index
    %get3A_1 = vector.load %arg1[%get3A, %get3A_0] : memref<4000x1xi32, #tpu.memory_space<vmem>>, vector<4000x1xi32>
    %jit3A = arith.constant 128 : i32
    %div3A = vector.broadcast %jit3A : i32 to vector<4000x1xi32>
    %div3A_2 = arith.divsi %get3A_1, %div3A : vector<4000x1xi32>
    %sign3A = arith.constant 0 : i32
    %sign3A_3 = vector.broadcast %sign3A : i32 to vector<4000x1xi32>
    %sign3A_4 = arith.cmpi sgt, %get3A_1, %sign3A_3 : vector<4000x1xi32>
    %sign3A_5 = arith.extui %sign3A_4 : vector<4000x1xi1> to vector<4000x1xi32>
    %sign3A_6 = arith.constant 0 : i32
    %sign3A_7 = vector.broadcast %sign3A_6 : i32 to vector<4000x1xi32>
    %sign3A_8 = arith.cmpi slt, %get3A_1, %sign3A_7 : vector<4000x1xi32>
    %sign3A_9 = arith.extui %sign3A_8 : vector<4000x1xi1> to vector<4000x1xi32>
    %sign3A_10 = arith.subi %sign3A_5, %sign3A_9 : vector<4000x1xi32>
    %sign3A_11 = arith.constant 0 : i32
    %sign3A_12 = arith.cmpi sgt, %jit3A, %sign3A_11 : i32
    %sign3A_13 = arith.extui %sign3A_12 : i1 to i32
    %sign3A_14 = arith.constant 0 : i32
    %sign3A_15 = arith.cmpi slt, %jit3A, %sign3A_14 : i32
    %sign3A_16 = arith.extui %sign3A_15 : i1 to i32
    %sign3A_17 = arith.subi %sign3A_13, %sign3A_16 : i32
    %ne3A = vector.broadcast %sign3A_17 : i32 to vector<4000x1xi32>
    %ne3A_18 = arith.cmpi ne, %sign3A_10, %ne3A : vector<4000x1xi32>
    %rem3A = vector.broadcast %jit3A : i32 to vector<4000x1xi32>
    %rem3A_19 = arith.remsi %get3A_1, %rem3A : vector<4000x1xi32>
    %ne3A_20 = arith.constant 0 : i32
    %ne3A_21 = vector.broadcast %ne3A_20 : i32 to vector<4000x1xi32>
    %ne3A_22 = arith.cmpi ne, %rem3A_19, %ne3A_21 : vector<4000x1xi32>
    %and3A = arith.andi %ne3A_18, %ne3A_22 : vector<4000x1xi1>
    %sub3A = arith.constant 1 : i32
    %sub3A_23 = vector.broadcast %sub3A : i32 to vector<4000x1xi32>
    %sub3A_24 = arith.subi %div3A_2, %sub3A_23 : vector<4000x1xi32>
    %select_n3A = arith.select %and3A, %sub3A_24, %div3A_2 : vector<4000x1xi1>, vector<4000x1xi32>
    %jit3A_25 = arith.constant 128 : i32
    %eq3A = arith.constant 0 : i32
    %eq3A_26 = arith.cmpi eq, %jit3A_25, %eq3A : i32
    %jit3A_27 = arith.constant 1 : i32
    %select_n3A_28 = arith.select %eq3A_26, %jit3A_27, %jit3A_25 : i32
    %rem3A_29 = vector.broadcast %select_n3A_28 : i32 to vector<4000x1xi32>
    %rem3A_30 = arith.remsi %get3A_1, %rem3A_29 : vector<4000x1xi32>
    %ne3A_31 = arith.constant 0 : i32
    %ne3A_32 = vector.broadcast %ne3A_31 : i32 to vector<4000x1xi32>
    %ne3A_33 = arith.cmpi ne, %rem3A_30, %ne3A_32 : vector<4000x1xi32>
    %lt3A = arith.constant 0 : i32
    %lt3A_34 = vector.broadcast %lt3A : i32 to vector<4000x1xi32>
    %lt3A_35 = arith.cmpi slt, %rem3A_30, %lt3A_34 : vector<4000x1xi32>
    %lt3A_36 = arith.constant 0 : i32
    %lt3A_37 = arith.cmpi slt, %select_n3A_28, %lt3A_36 : i32
    %ne3A_38 = vector.broadcast %lt3A_37 : i1 to vector<4000x1xi1>
    %ne3A_39 = vector.broadcast %ne3A_38 : vector<4000x1xi1> to vector<4000x1xi1>
    %ne3A_40 = arith.xori %lt3A_35, %ne3A_39 : vector<4000x1xi1>
    %and3A_41 = arith.andi %ne3A_40, %ne3A_33 : vector<4000x1xi1>
    %add3A = vector.broadcast %select_n3A_28 : i32 to vector<4000x1xi32>
    %add3A_42 = arith.addi %rem3A_30, %add3A : vector<4000x1xi32>
    %select_n3A_43 = arith.select %and3A_41, %add3A_42, %rem3A_30 : vector<4000x1xi1>, vector<4000x1xi32>
    %iota3A = tpu.iota {dimensions = array<i32: 1>} : vector<4000x80xi32>
    %iota3A_44 = tpu.iota {dimensions = array<i32: 1>} : vector<4000x128xi32>
    %eq3A_45 = vector.broadcast %select_n3A : vector<4000x1xi32> to vector<4000x80xi32>
    %eq3A_46 = arith.cmpi eq, %iota3A, %eq3A_45 : vector<4000x80xi32>
    %convert_element_type3A = arith.extui %eq3A_46 : vector<4000x80xi1> to vector<4000x80xi32>
    %convert_element_type3A_47 = arith.sitofp %convert_element_type3A : vector<4000x80xi32> to vector<4000x80xf32>
    %eq3A_48 = vector.broadcast %select_n3A_43 : vector<4000x1xi32> to vector<4000x128xi32>
    %eq3A_49 = arith.cmpi eq, %iota3A_44, %eq3A_48 : vector<4000x128xi32>
    %convert_element_type3A_50 = arith.extui %eq3A_49 : vector<4000x128xi1> to vector<4000x128xi32>
    %convert_element_type3A_51 = arith.sitofp %convert_element_type3A_50 : vector<4000x128xi32> to vector<4000x128xf32>
    %dot_general3A = arith.constant dense<0.000000e+00> : vector<80x128xf32>
    %dot_general3A_52 = tpu.matmul %convert_element_type3A_47, %convert_element_type3A_51, %dot_general3A {dimension_numbers = #tpu.dot_dimension_numbers<[0], [0], [1], [1], [0, 1, 1, 1], [], []>, transpose_lhs_hint = false} : vector<4000x80xf32>, vector<4000x128xf32>, vector<80x128xf32> -> vector<80x128xf32>
    %eq3A_53 = arith.constant 0 : i32
    %eq3A_54 = arith.cmpi eq, %arg0, %eq3A_53 : i32
    %convert_element_type3A_55 = arith.extui %eq3A_54 : i1 to i32
    %cond3A = arith.constant 0 : i32
    %cond3A_56 = arith.cmpi ne, %convert_element_type3A_55, %cond3A : i32
    scf.if %cond3A_56 {
      %broadcast_in_dim3A = arith.constant 0.000000e+00 : f32
      %broadcast_in_dim3A_63 = vector.broadcast %broadcast_in_dim3A : f32 to vector<80x128xf32>
      %swap3A_64 = arith.constant 0 : index
      %swap3A_65 = arith.constant 0 : index
      %swap3A_66 = vector.load %arg2[%swap3A_64, %swap3A_65] : memref<80x128xf32, #tpu.memory_space<vmem>>, vector<80x128xf32>
      tpu.vector_store %arg2[%swap3A_64, %swap3A_65], %broadcast_in_dim3A_63 {strides = array<i32>} : memref<80x128xf32, #tpu.memory_space<vmem>>, vector<80x128xf32>,
    } else {
    }
    %get3A_57 = arith.constant 0 : index
    %get3A_58 = arith.constant 0 : index
    %get3A_59 = vector.load %arg2[%get3A_57, %get3A_58] : memref<80x128xf32, #tpu.memory_space<vmem>>, vector<80x128xf32>
    %add3A_60 = arith.addf %get3A_59, %dot_general3A_52 : vector<80x128xf32>
    %swap3A = arith.constant 0 : index
    %swap3A_61 = arith.constant 0 : index
    %swap3A_62 = vector.load %arg2[%swap3A, %swap3A_61] : memref<80x128xf32, #tpu.memory_space<vmem>>, vector<80x128xf32>
    tpu.vector_store %arg2[%swap3A, %swap3A_61], %add3A_60 {strides = array<i32>} : memref<80x128xf32, #tpu.memory_space<vmem>>, vector<80x128xf32>,
    return
  }
  func.func @transform_0(%arg0: i32) -> (i32, i32) {
    %c0_i32 = arith.constant 0 : i32
    %c0_i32_0 = arith.constant 0 : i32
    return %arg0, %c0_i32 : i32, i32
  }
  func.func @transform_1(%arg0: i32) -> (i32, i32) {
    %c0_i32 = arith.constant 0 : i32
    %c0_i32_0 = arith.constant 0 : i32
    %c0_i32_1 = arith.constant 0 : i32
    return %c0_i32, %c0_i32_0 : i32, i32
  }
}

module attributes {stable_mosaic.version = 14 : i64} {
  func.func @body(%arg0: i32, %arg1: memref<8x128xf32, #tpu.memory_space<vmem>>, %arg2: memref<1024x1xf32, #tpu.memory_space<vmem>>) attributes {dimension_semantics = [#tpu.dimension_semantics<arbitrary>], iteration_bounds = array<i64: 10>, scalar_prefetch = 0 : i64, scratch_operands = 0 : i64, tpu.core_type = #tpu.core_type<tc>, window_params = [{transform_indices = @transform_0, window_bounds = array<i64: 8, 128>}, {transform_indices = @transform_1, window_bounds = array<i64: 1024, 1>}]} {
    %get3A = arith.constant 0 : index
    %get3A_0 = arith.constant 0 : index
    %get3A_1 = vector.load %arg1[%get3A, %get3A_0] : memref<8x128xf32, #tpu.memory_space<vmem>>, vector<8x128xf32>
    %iota3A = tpu.iota {dimensions = array<i32: 0>} : vector<1024x8xi32>
    %iota3A_2 = tpu.iota {dimensions = array<i32: 1>} : vector<1024x8xi32>
    %jit3A = arith.constant 128 : i32
    %div3A = vector.broadcast %jit3A : i32 to vector<1024x8xi32>
    %div3A_3 = arith.divsi %iota3A, %div3A : vector<1024x8xi32>
    %sign3A = arith.constant 0 : i32
    %sign3A_4 = vector.broadcast %sign3A : i32 to vector<1024x8xi32>
    %sign3A_5 = arith.cmpi sgt, %iota3A, %sign3A_4 : vector<1024x8xi32>
    %sign3A_6 = arith.extui %sign3A_5 : vector<1024x8xi1> to vector<1024x8xi32>
    %sign3A_7 = arith.constant 0 : i32
    %sign3A_8 = vector.broadcast %sign3A_7 : i32 to vector<1024x8xi32>
    %sign3A_9 = arith.cmpi slt, %iota3A, %sign3A_8 : vector<1024x8xi32>
    %sign3A_10 = arith.extui %sign3A_9 : vector<1024x8xi1> to vector<1024x8xi32>
    %sign3A_11 = arith.subi %sign3A_6, %sign3A_10 : vector<1024x8xi32>
    %sign3A_12 = arith.constant 0 : i32
    %sign3A_13 = arith.cmpi sgt, %jit3A, %sign3A_12 : i32
    %sign3A_14 = arith.extui %sign3A_13 : i1 to i32
    %sign3A_15 = arith.constant 0 : i32
    %sign3A_16 = arith.cmpi slt, %jit3A, %sign3A_15 : i32
    %sign3A_17 = arith.extui %sign3A_16 : i1 to i32
    %sign3A_18 = arith.subi %sign3A_14, %sign3A_17 : i32
    %ne3A = vector.broadcast %sign3A_18 : i32 to vector<1024x8xi32>
    %ne3A_19 = arith.cmpi ne, %sign3A_11, %ne3A : vector<1024x8xi32>
    %rem3A = vector.broadcast %jit3A : i32 to vector<1024x8xi32>
    %rem3A_20 = arith.remsi %iota3A, %rem3A : vector<1024x8xi32>
    %ne3A_21 = arith.constant 0 : i32
    %ne3A_22 = vector.broadcast %ne3A_21 : i32 to vector<1024x8xi32>
    %ne3A_23 = arith.cmpi ne, %rem3A_20, %ne3A_22 : vector<1024x8xi32>
    %and3A = arith.andi %ne3A_19, %ne3A_23 : vector<1024x8xi1>
    %sub3A = arith.constant 1 : i32
    %sub3A_24 = vector.broadcast %sub3A : i32 to vector<1024x8xi32>
    %sub3A_25 = arith.subi %div3A_3, %sub3A_24 : vector<1024x8xi32>
    %select_n3A = arith.select %and3A, %sub3A_25, %div3A_3 : vector<1024x8xi1>, vector<1024x8xi32>
    %eq3A = arith.cmpi eq, %iota3A_2, %select_n3A : vector<1024x8xi32>
    %convert_element_type3A = arith.extui %eq3A : vector<1024x8xi1> to vector<1024x8xi32>
    %convert_element_type3A_26 = arith.sitofp %convert_element_type3A : vector<1024x8xi32> to vector<1024x8xf32>
    %dot_general3A = arith.constant dense<0.000000e+00> : vector<1024x128xf32>
    %dot_general3A_27 = tpu.matmul %convert_element_type3A_26, %get3A_1, %dot_general3A {dimension_numbers = #tpu.dot_dimension_numbers<[1], [0], [0], [1], [0, 0, 1, 1], [], []>, transpose_lhs_hint = false} : vector<1024x8xf32>, vector<8x128xf32>, vector<1024x128xf32> -> vector<1024x128xf32>
    %iota3A_28 = tpu.iota {dimensions = array<i32: 0>} : vector<1024x128xi32>
    %iota3A_29 = tpu.iota {dimensions = array<i32: 1>} : vector<1024x128xi32>
    %jit3A_30 = arith.constant 128 : i32
    %eq3A_31 = arith.constant 0 : i32
    %eq3A_32 = arith.cmpi eq, %jit3A_30, %eq3A_31 : i32
    %jit3A_33 = arith.constant 1 : i32
    %select_n3A_34 = arith.select %eq3A_32, %jit3A_33, %jit3A_30 : i32
    %rem3A_35 = vector.broadcast %select_n3A_34 : i32 to vector<1024x128xi32>
    %rem3A_36 = arith.remsi %iota3A_28, %rem3A_35 : vector<1024x128xi32>
    %ne3A_37 = arith.constant 0 : i32
    %ne3A_38 = vector.broadcast %ne3A_37 : i32 to vector<1024x128xi32>
    %ne3A_39 = arith.cmpi ne, %rem3A_36, %ne3A_38 : vector<1024x128xi32>
    %lt3A = arith.constant 0 : i32
    %lt3A_40 = vector.broadcast %lt3A : i32 to vector<1024x128xi32>
    %lt3A_41 = arith.cmpi slt, %rem3A_36, %lt3A_40 : vector<1024x128xi32>
    %lt3A_42 = arith.constant 0 : i32
    %lt3A_43 = arith.cmpi slt, %select_n3A_34, %lt3A_42 : i32
    %ne3A_44 = vector.broadcast %lt3A_43 : i1 to vector<1024x128xi1>
    %ne3A_45 = vector.broadcast %ne3A_44 : vector<1024x128xi1> to vector<1024x128xi1>
    %ne3A_46 = arith.xori %lt3A_41, %ne3A_45 : vector<1024x128xi1>
    %and3A_47 = arith.andi %ne3A_46, %ne3A_39 : vector<1024x128xi1>
    %add3A = vector.broadcast %select_n3A_34 : i32 to vector<1024x128xi32>
    %add3A_48 = arith.addi %rem3A_36, %add3A : vector<1024x128xi32>
    %select_n3A_49 = arith.select %and3A_47, %add3A_48, %rem3A_36 : vector<1024x128xi1>, vector<1024x128xi32>
    %eq3A_50 = arith.cmpi eq, %iota3A_29, %select_n3A_49 : vector<1024x128xi32>
    %jit3A_51 = arith.constant 0.000000e+00 : f32
    %broadcast_in_dim3A = vector.broadcast %jit3A_51 : f32 to vector<1024x128xf32>
    %select_n3A_52 = arith.select %eq3A_50, %dot_general3A_27, %broadcast_in_dim3A : vector<1024x128xi1>, vector<1024x128xf32>
    %reduce_sum3A = arith.constant dense<0.000000e+00> : vector<1024xf32>
    %reduce_sum3A_53 = vector.multi_reduction <add>, %select_n3A_52, %reduce_sum3A [1] : vector<1024x128xf32> to vector<1024xf32>
    %broadcast_in_dim3A_54 = vector.shape_cast %reduce_sum3A_53 : vector<1024xf32> to vector<1024x1xf32>
    %swap3A = arith.constant 0 : index
    %swap3A_55 = arith.constant 0 : index
    %swap3A_56 = vector.load %arg2[%swap3A, %swap3A_55] : memref<1024x1xf32, #tpu.memory_space<vmem>>, vector<1024x1xf32>
    tpu.vector_store %arg2[%swap3A, %swap3A_55], %broadcast_in_dim3A_54 {strides = array<i32>} : memref<1024x1xf32, #tpu.memory_space<vmem>>, vector<1024x1xf32>,
    return
  }
  func.func @transform_0(%arg0: i32) -> (i32, i32) {
    %c0_i32 = arith.constant 0 : i32
    %c0_i32_0 = arith.constant 0 : i32
    return %arg0, %c0_i32 : i32, i32
  }
  func.func @transform_1(%arg0: i32) -> (i32, i32) {
    %c0_i32 = arith.constant 0 : i32
    %c0_i32_0 = arith.constant 0 : i32
    return %arg0, %c0_i32 : i32, i32
  }
}

module attributes {stable_mosaic.version = 14 : i64} {
  func.func @body(%arg0: i32, %arg1: memref<2x1000x128xf32, #tpu.memory_space<vmem>>, %arg2: memref<1000x1xf32, #tpu.memory_space<vmem>>, %arg3: memref<1000x128xf32, #tpu.memory_space<vmem>>, %arg4: memref<128x128xf32, #tpu.memory_space<vmem>>, %arg5: memref<1x128xf32, #tpu.memory_space<vmem>>, %arg6: memref<128x128xf32, #tpu.memory_space<vmem>>, %arg7: memref<1000x128xf32, #tpu.memory_space<vmem>>) attributes {dimension_semantics = [#tpu.dimension_semantics<arbitrary>], iteration_bounds = array<i64: 10>, scalar_prefetch = 0 : i64, scratch_operands = 0 : i64, tpu.core_type = #tpu.core_type<tc>, window_params = [{transform_indices = @transform_0, window_bounds = array<i64: 2, 1000, 128>}, {transform_indices = @transform_1, window_bounds = array<i64: 1000, 1>}, {transform_indices = @transform_2, window_bounds = array<i64: 1000, 128>}, {pipeline_mode = #tpu.pipeline_mode<synchronous>, transform_indices = @transform_3, window_bounds = array<i64: 128, 128>}, {pipeline_mode = #tpu.pipeline_mode<synchronous>, transform_indices = @transform_4, window_bounds = array<i64: 1, 128>}, {pipeline_mode = #tpu.pipeline_mode<synchronous>, transform_indices = @transform_5, window_bounds = array<i64: 128, 128>}, {transform_indices = @transform_6, window_bounds = array<i64: 1000, 128>}]} {
    %get3A = arith.constant 0 : index
    %get3A_0 = arith.constant 0 : index
    %get3A_1 = arith.constant 0 : index
    %get3A_2 = vector.load %arg1[%get3A, %get3A_0, %get3A_1] : memref<2x1000x128xf32, #tpu.memory_space<vmem>>, vector<1x1000x128xf32>
    %get3A_3 = vector.shape_cast %get3A_2 : vector<1x1000x128xf32> to vector<1000x128xf32>
    %get3A_4 = arith.constant 1 : index
    %get3A_5 = arith.constant 0 : index
    %get3A_6 = arith.constant 0 : index
    %get3A_7 = vector.load %arg1[%get3A_4, %get3A_5, %get3A_6] : memref<2x1000x128xf32, #tpu.memory_space<vmem>>, vector<1x1000x128xf32>
    %get3A_8 = vector.shape_cast %get3A_7 : vector<1x1000x128xf32> to vector<1000x128xf32>
    %add3A = arith.addf %get3A_3, %get3A_8 : vector<1000x128xf32>
    %get3A_9 = arith.constant 0 : index
    %get3A_10 = arith.constant 0 : index
    %get3A_11 = vector.load %arg2[%get3A_9, %get3A_10] : memref<1000x1xf32, #tpu.memory_space<vmem>>, vector<1000x1xf32>
    %max3A = arith.constant 1.000000e+00 : f32
    %max3A_12 = vector.broadcast %max3A : f32 to vector<1000x1xf32>
    %max3A_13 = arith.maximumf %get3A_11, %max3A_12 : vector<1000x1xf32>
    %div3A = vector.broadcast %max3A_13 : vector<1000x1xf32> to vector<1000x128xf32>
    %div3A_14 = arith.divf %add3A, %div3A : vector<1000x128xf32>
    %get3A_15 = arith.constant 0 : index
    %get3A_16 = arith.constant 0 : index
    %get3A_17 = vector.load %arg4[%get3A_15, %get3A_16] : memref<128x128xf32, #tpu.memory_space<vmem>>, vector<128x128xf32>
    %dot_general3A = arith.constant dense<0.000000e+00> : vector<1000x128xf32>
    %dot_general3A_18 = tpu.matmul %div3A_14, %get3A_17, %dot_general3A {dimension_numbers = #tpu.dot_dimension_numbers<[1], [1], [0], [0], [0, 0, 1, 0], [], []>, transpose_lhs_hint = false} : vector<1000x128xf32>, vector<128x128xf32>, vector<1000x128xf32> -> vector<1000x128xf32>
    %get3A_19 = arith.constant 0 : index
    %get3A_20 = arith.constant 0 : index
    %get3A_21 = vector.load %arg5[%get3A_19, %get3A_20] : memref<1x128xf32, #tpu.memory_space<vmem>>, vector<1x128xf32>
    %add3A_22 = vector.broadcast %get3A_21 : vector<1x128xf32> to vector<1000x128xf32>
    %add3A_23 = arith.addf %dot_general3A_18, %add3A_22 : vector<1000x128xf32>
    %get3A_24 = arith.constant 0 : index
    %get3A_25 = arith.constant 0 : index
    %get3A_26 = vector.load %arg3[%get3A_24, %get3A_25] : memref<1000x128xf32, #tpu.memory_space<vmem>>, vector<1000x128xf32>
    %get3A_27 = arith.constant 0 : index
    %get3A_28 = arith.constant 0 : index
    %get3A_29 = vector.load %arg6[%get3A_27, %get3A_28] : memref<128x128xf32, #tpu.memory_space<vmem>>, vector<128x128xf32>
    %dot_general3A_30 = arith.constant dense<0.000000e+00> : vector<1000x128xf32>
    %dot_general3A_31 = tpu.matmul %get3A_26, %get3A_29, %dot_general3A_30 {dimension_numbers = #tpu.dot_dimension_numbers<[1], [1], [0], [0], [0, 0, 1, 0], [], []>, transpose_lhs_hint = false} : vector<1000x128xf32>, vector<128x128xf32>, vector<1000x128xf32> -> vector<1000x128xf32>
    %add3A_32 = arith.addf %add3A_23, %dot_general3A_31 : vector<1000x128xf32>
    %max3A_33 = arith.constant 0.000000e+00 : f32
    %max3A_34 = vector.broadcast %max3A_33 : f32 to vector<1000x128xf32>
    %max3A_35 = arith.maximumf %add3A_32, %max3A_34 : vector<1000x128xf32>
    %swap3A = arith.constant 0 : index
    %swap3A_36 = arith.constant 0 : index
    %swap3A_37 = vector.load %arg7[%swap3A, %swap3A_36] : memref<1000x128xf32, #tpu.memory_space<vmem>>, vector<1000x128xf32>
    tpu.vector_store %arg7[%swap3A, %swap3A_36], %max3A_35 {strides = array<i32>} : memref<1000x128xf32, #tpu.memory_space<vmem>>, vector<1000x128xf32>,
    return
  }
  func.func @transform_0(%arg0: i32) -> (i32, i32, i32) {
    %c0_i32 = arith.constant 0 : i32
    %c0_i32_0 = arith.constant 0 : i32
    %c0_i32_1 = arith.constant 0 : i32
    return %c0_i32, %arg0, %c0_i32_0 : i32, i32, i32
  }
  func.func @transform_1(%arg0: i32) -> (i32, i32) {
    %c0_i32 = arith.constant 0 : i32
    %c0_i32_0 = arith.constant 0 : i32
    return %arg0, %c0_i32 : i32, i32
  }
  func.func @transform_2(%arg0: i32) -> (i32, i32) {
    %c0_i32 = arith.constant 0 : i32
    %c0_i32_0 = arith.constant 0 : i32
    return %arg0, %c0_i32 : i32, i32
  }
  func.func @transform_3(%arg0: i32) -> (i32, i32) {
    %c0_i32 = arith.constant 0 : i32
    %c0_i32_0 = arith.constant 0 : i32
    %c0_i32_1 = arith.constant 0 : i32
    return %c0_i32, %c0_i32_0 : i32, i32
  }
  func.func @transform_4(%arg0: i32) -> (i32, i32) {
    %c0_i32 = arith.constant 0 : i32
    %c0_i32_0 = arith.constant 0 : i32
    %c0_i32_1 = arith.constant 0 : i32
    return %c0_i32, %c0_i32_0 : i32, i32
  }
  func.func @transform_5(%arg0: i32) -> (i32, i32) {
    %c0_i32 = arith.constant 0 : i32
    %c0_i32_0 = arith.constant 0 : i32
    %c0_i32_1 = arith.constant 0 : i32
    return %c0_i32, %c0_i32_0 : i32, i32
  }
  func.func @transform_6(%arg0: i32) -> (i32, i32) {
    %c0_i32 = arith.constant 0 : i32
    %c0_i32_0 = arith.constant 0 : i32
    return %arg0, %c0_i32 : i32, i32
  }
}

module attributes {stable_mosaic.version = 14 : i64} {
  func.func @body(%arg0: i32, %arg1: memref<2x1000x128xf32, #tpu.memory_space<vmem>>, %arg2: memref<1000x1xf32, #tpu.memory_space<vmem>>, %arg3: memref<1000x128xf32, #tpu.memory_space<vmem>>, %arg4: memref<128x128xf32, #tpu.memory_space<vmem>>, %arg5: memref<1x128xf32, #tpu.memory_space<vmem>>, %arg6: memref<128x128xf32, #tpu.memory_space<vmem>>, %arg7: memref<1000x128xf32, #tpu.memory_space<vmem>>) attributes {dimension_semantics = [#tpu.dimension_semantics<arbitrary>], iteration_bounds = array<i64: 10>, scalar_prefetch = 0 : i64, scratch_operands = 0 : i64, tpu.core_type = #tpu.core_type<tc>, window_params = [{transform_indices = @transform_0, window_bounds = array<i64: 2, 1000, 128>}, {transform_indices = @transform_1, window_bounds = array<i64: 1000, 1>}, {transform_indices = @transform_2, window_bounds = array<i64: 1000, 128>}, {pipeline_mode = #tpu.pipeline_mode<synchronous>, transform_indices = @transform_3, window_bounds = array<i64: 128, 128>}, {pipeline_mode = #tpu.pipeline_mode<synchronous>, transform_indices = @transform_4, window_bounds = array<i64: 1, 128>}, {pipeline_mode = #tpu.pipeline_mode<synchronous>, transform_indices = @transform_5, window_bounds = array<i64: 128, 128>}, {transform_indices = @transform_6, window_bounds = array<i64: 1000, 128>}]} {
    %get3A = arith.constant 0 : index
    %get3A_0 = arith.constant 0 : index
    %get3A_1 = arith.constant 0 : index
    %get3A_2 = vector.load %arg1[%get3A, %get3A_0, %get3A_1] : memref<2x1000x128xf32, #tpu.memory_space<vmem>>, vector<1x1000x128xf32>
    %get3A_3 = vector.shape_cast %get3A_2 : vector<1x1000x128xf32> to vector<1000x128xf32>
    %get3A_4 = arith.constant 1 : index
    %get3A_5 = arith.constant 0 : index
    %get3A_6 = arith.constant 0 : index
    %get3A_7 = vector.load %arg1[%get3A_4, %get3A_5, %get3A_6] : memref<2x1000x128xf32, #tpu.memory_space<vmem>>, vector<1x1000x128xf32>
    %get3A_8 = vector.shape_cast %get3A_7 : vector<1x1000x128xf32> to vector<1000x128xf32>
    %add3A = arith.addf %get3A_3, %get3A_8 : vector<1000x128xf32>
    %get3A_9 = arith.constant 0 : index
    %get3A_10 = arith.constant 0 : index
    %get3A_11 = vector.load %arg2[%get3A_9, %get3A_10] : memref<1000x1xf32, #tpu.memory_space<vmem>>, vector<1000x1xf32>
    %max3A = arith.constant 1.000000e+00 : f32
    %max3A_12 = vector.broadcast %max3A : f32 to vector<1000x1xf32>
    %max3A_13 = arith.maximumf %get3A_11, %max3A_12 : vector<1000x1xf32>
    %div3A = vector.broadcast %max3A_13 : vector<1000x1xf32> to vector<1000x128xf32>
    %div3A_14 = arith.divf %add3A, %div3A : vector<1000x128xf32>
    %get3A_15 = arith.constant 0 : index
    %get3A_16 = arith.constant 0 : index
    %get3A_17 = vector.load %arg4[%get3A_15, %get3A_16] : memref<128x128xf32, #tpu.memory_space<vmem>>, vector<128x128xf32>
    %dot_general3A = arith.constant dense<0.000000e+00> : vector<1000x128xf32>
    %dot_general3A_18 = tpu.matmul %div3A_14, %get3A_17, %dot_general3A {dimension_numbers = #tpu.dot_dimension_numbers<[1], [1], [0], [0], [0, 0, 1, 0], [], []>, transpose_lhs_hint = false} : vector<1000x128xf32>, vector<128x128xf32>, vector<1000x128xf32> -> vector<1000x128xf32>
    %get3A_19 = arith.constant 0 : index
    %get3A_20 = arith.constant 0 : index
    %get3A_21 = vector.load %arg5[%get3A_19, %get3A_20] : memref<1x128xf32, #tpu.memory_space<vmem>>, vector<1x128xf32>
    %add3A_22 = vector.broadcast %get3A_21 : vector<1x128xf32> to vector<1000x128xf32>
    %add3A_23 = arith.addf %dot_general3A_18, %add3A_22 : vector<1000x128xf32>
    %get3A_24 = arith.constant 0 : index
    %get3A_25 = arith.constant 0 : index
    %get3A_26 = vector.load %arg3[%get3A_24, %get3A_25] : memref<1000x128xf32, #tpu.memory_space<vmem>>, vector<1000x128xf32>
    %get3A_27 = arith.constant 0 : index
    %get3A_28 = arith.constant 0 : index
    %get3A_29 = vector.load %arg6[%get3A_27, %get3A_28] : memref<128x128xf32, #tpu.memory_space<vmem>>, vector<128x128xf32>
    %dot_general3A_30 = arith.constant dense<0.000000e+00> : vector<1000x128xf32>
    %dot_general3A_31 = tpu.matmul %get3A_26, %get3A_29, %dot_general3A_30 {dimension_numbers = #tpu.dot_dimension_numbers<[1], [1], [0], [0], [0, 0, 1, 0], [], []>, transpose_lhs_hint = false} : vector<1000x128xf32>, vector<128x128xf32>, vector<1000x128xf32> -> vector<1000x128xf32>
    %add3A_32 = arith.addf %add3A_23, %dot_general3A_31 : vector<1000x128xf32>
    %swap3A = arith.constant 0 : index
    %swap3A_33 = arith.constant 0 : index
    %swap3A_34 = vector.load %arg7[%swap3A, %swap3A_33] : memref<1000x128xf32, #tpu.memory_space<vmem>>, vector<1000x128xf32>
    tpu.vector_store %arg7[%swap3A, %swap3A_33], %add3A_32 {strides = array<i32>} : memref<1000x128xf32, #tpu.memory_space<vmem>>, vector<1000x128xf32>,
    return
  }
  func.func @transform_0(%arg0: i32) -> (i32, i32, i32) {
    %c0_i32 = arith.constant 0 : i32
    %c0_i32_0 = arith.constant 0 : i32
    %c0_i32_1 = arith.constant 0 : i32
    return %c0_i32, %arg0, %c0_i32_0 : i32, i32, i32
  }
  func.func @transform_1(%arg0: i32) -> (i32, i32) {
    %c0_i32 = arith.constant 0 : i32
    %c0_i32_0 = arith.constant 0 : i32
    return %arg0, %c0_i32 : i32, i32
  }
  func.func @transform_2(%arg0: i32) -> (i32, i32) {
    %c0_i32 = arith.constant 0 : i32
    %c0_i32_0 = arith.constant 0 : i32
    return %arg0, %c0_i32 : i32, i32
  }
  func.func @transform_3(%arg0: i32) -> (i32, i32) {
    %c0_i32 = arith.constant 0 : i32
    %c0_i32_0 = arith.constant 0 : i32
    %c0_i32_1 = arith.constant 0 : i32
    return %c0_i32, %c0_i32_0 : i32, i32
  }
  func.func @transform_4(%arg0: i32) -> (i32, i32) {
    %c0_i32 = arith.constant 0 : i32
    %c0_i32_0 = arith.constant 0 : i32
    %c0_i32_1 = arith.constant 0 : i32
    return %c0_i32, %c0_i32_0 : i32, i32
  }
  func.func @transform_5(%arg0: i32) -> (i32, i32) {
    %c0_i32 = arith.constant 0 : i32
    %c0_i32_0 = arith.constant 0 : i32
    %c0_i32_1 = arith.constant 0 : i32
    return %c0_i32, %c0_i32_0 : i32, i32
  }
  func.func @transform_6(%arg0: i32) -> (i32, i32) {
    %c0_i32 = arith.constant 0 : i32
    %c0_i32_0 = arith.constant 0 : i32
    return %arg0, %c0_i32 : i32, i32
  }
}

</mosaic_0001>

<sc_bundles>
// kernel: kernel.11.cloned.1.call-start
scs
__scs_entry_jumppad:
0x0: {  	(pc) =	sbr.rel $0x88, $3  }
0x1: {  	(tag) =	ssettag $0x0;
	lr =	simm.s32 $0x1  }
0x2: {  	[smem:$0x3F99] =	sst lr;
	_ =	strace $0xD0000000  }
0x3: {  	_ = 	snop  }
0x4: {  	_ = 	snop  }
0x5: {  	_ = 	snop  }
0x6: {  	_ = 	snop  }
0x7: {  	_ = 	snop  }
__scs_overlays_trampoline_lowered:
0x8: {  	[smem:$0x3FA8] =	sst s0  }
0x9: {  	[smem:$0x3FA9] =	sst s1  }
0xa: {  	[smem:$0x3FAA] =	sst s2  }
0xb: {  	[smem:$0x3FAB] =	sst s3  }
0xc: {  	[smem:$0x3FAC] =	sst s4  }
0xd: {  	[smem:$0x3FAD] =	sst s5  }
0xe: {  	[smem:$0x3FAE] =	sst s6  }
0xf: {  	[smem:$0x3FAF] =	sst s7  }
0x10: {  	[smem:$0x3FB0] =	sst s8  }
0x11: {  	[smem:$0x3FB1] =	sst s9;
	s0 =	simm.s32 @!p0 $0x0  }
0x12: {  	s1 =	sld [smem:$0x3F97];
	s0 =	simm.s32 @p0 $0x1  }
0x13: {  	[smem:$0x3FB2] =	sst s0;
	s0 =	simm.s32 @!p1 $0x0  }
0x14: {  	s2 =	sld [smem:$0x3F96];
	s0 =	simm.s32 @p1 $0x1  }
0x15: {  	[smem:$0x3FB3] =	sst s0;
	s0 =	simm.s32 @!p2 $0x0  }
0x16: {  	s3 =	sld [smem:$0x3FDB];
	s0 =	simm.s32 @p2 $0x1  }
0x17: {  	s4 =	simm.s32 $0x1BF5;
	[smem:$0x3FB5] =	sst s0  }
0x18: {  	s0 =	sld [smem:$0x3F98];
	_ =	swait.ge [sflag:s4], $0x0  }
0x19: {  	s7 =	sld [smem:$0x3F99]  }
0x1a: {  	s8 =	sadd.s32 $0xFFFFE003, lr  }
0x1b: {  	s9 =	sadd.s32 $0xFFFFFEF7, lr;
	s5 =	simm.s32 $0xFFFFFFFF;
	p2 =	slt.u32 s8, $0xFFFFF086  }
0x1c: {  	p1 =	slt.u32 s9, $0xF7A;
	s5 =	simm.s32 @!p2 $0x0  }
0x1d: {  	s5 =	simm.s32 @p1 $0x1;
	p0 =	seq.s32 s7, s2  }
0x1e: {  	s7 =	smul.u32 @!p0 $0xF7A, s2;
	p2 =	seq.s32 @!p0 s5, $0x0  }
0x1f: {  	s9 =	smul.u32 $0xF7A, s1;
	s8 =	simm.s32 @!p0 $0x1BF5;
	p2 =	por !p2, p0  }
0x20: {  	[sflag:s8] =	ssyncset.s32 @!p0 $0xFFFFF086;
	s6 =	sadd.s32 @!p0 s3, s7;
	s7 =	simm.s32 @!p0 $0x108  }
0x21: {  	s3 =	sadd.s32 s3, s9;
	s6 =	sadd.s32 @!p0 $0x88, s6;
	s7 =	simm.s32 @p2 $0x1082  }
0x22: {  	[simem:s7], [sflag:s8] =	dma.local @!p0 [hbm:s6], $0xF7A  }
0x23: {  	s9 =	sor.u32 $0xD0000000, s2;
	s6 =	simm.s32 $0x108;
	_ =	swait.ge @!p0 [sflag:s8], $0x0  }
0x24: {  	s3 =	sadd.s32 $0x88, s3;
	s6 =	simm.s32 @!p1 $0x1082;
	[sflag:s4] =	ssyncset.s32 $0xFFFFF086  }
0x25: {  	[simem:s6], [sflag:s4] =	dma.local [hbm:s3], $0xF7A  }
0x26: {  	[smem:$0x3F99] =	sst s1;
	(tag) =	ssettag s2;
	_ =	strace s9  }
0x27: {  	s1 =	sld [smem:$0x3FA9]  }
0x28: {  	s2 =	sld [smem:$0x3FAA]  }
0x29: {  	s4 =	sld [smem:$0x3FAC]  }
0x2a: {  	p0 =	seq.s32 s5, $0x0;
	s5 =	sld [smem:$0x3FAD]  }
0x2b: {  	s6 =	sld [smem:$0x3FAE]  }
0x2c: {  	s7 =	sld [smem:$0x3FAF]  }
0x2d: {  	s3 =	simm.s32 $0x108;
	s8 =	sld [smem:$0x3FB0]  }
0x2e: {  	s3 =	simm.s32 @!p0 $0x1082;
	s9 =	sld [smem:$0x3FB1]  }
0x2f: {  	lr =	sadd.s32 s0, s3;
	s0 =	sld [smem:$0x3FA8]  }
0x30: {  	s3 =	sld [smem:$0x3FAB]  }
0x31: {  	[smem:$0x3FB4] =	sst s10  }
0x32: {  	s10 =	sld [smem:$0x3FB2];
	_ =	sdelay $0x3  }
0x33: {  	p0 =	seq.s32 s10, $0x1;
	s10 =	sld [smem:$0x3FB4];
	_ =	sdelay $0x3  }
0x34: {  	[smem:$0x3FB4] =	sst s10  }
0x35: {  	s10 =	sld [smem:$0x3FB3];
	_ =	sdelay $0x3  }
0x36: {  	p1 =	seq.s32 s10, $0x1;
	s10 =	sld [smem:$0x3FB4];
	_ =	sdelay $0x3  }
0x37: {  	[smem:$0x3FB4] =	sst s10  }
0x38: {  	s10 =	sld [smem:$0x3FB5]  }
0x39: {  	_ = 	snop;
	(pc) =	sbr.ind lr, $3  }
0x3a: {  	_ = 	snop  }
0x3b: {  	_ = 	snop  }
0x3c: {  	p2 =	seq.s32 s10, $0x1;
	s10 =	sld [smem:$0x3FB4]  }
0x3d: {  	_ =	shalt  }
0x3e: {  	_ =	shalt  }
0x3f: {  	_ =	shalt  }
0x40: {  	_ =	shalt  }
0x41: {  	_ =	shalt  }
0x42: {  	_ =	shalt  }
0x43: {  	_ =	shalt  }
0x44: {  	_ =	shalt  }
0x45: {  	_ =	shalt  }
0x46: {  	_ =	shalt  }
0x47: {  	_ =	shalt  }
0x48: {  	_ =	shalt  }
0x49: {  	_ =	shalt  }
0x4a: {  	_ =	shalt  }
0x4b: {  	_ =	shalt  }
0x4c: {  	_ =	shalt  }
0x4d: {  	_ =	shalt  }
0x4e: {  	_ =	shalt  }
0x4f: {  	_ =	shalt  }
0x50: {  	_ =	shalt  }
0x51: {  	_ =	shalt  }
0x52: {  	_ =	shalt  }
0x53: {  	_ =	shalt  }
0x54: {  	_ =	shalt  }
0x55: {  	_ =	shalt  }
0x56: {  	_ =	shalt  }
0x57: {  	_ =	shalt  }
0x58: {  	_ =	shalt  }
0x59: {  	_ =	shalt  }
0x5a: {  	_ =	shalt  }
0x5b: {  	_ =	shalt  }
0x5c: {  	_ =	shalt  }
0x5d: {  	_ =	shalt  }
0x5e: {  	_ =	shalt  }
0x5f: {  	_ =	shalt  }
0x60: {  	_ =	shalt  }
0x61: {  	_ =	shalt  }
0x62: {  	_ =	shalt  }
0x63: {  	_ =	shalt  }
0x64: {  	_ =	shalt  }
0x65: {  	_ =	shalt  }
0x66: {  	_ =	shalt  }
0x67: {  	_ =	shalt  }
0x68: {  	_ =	shalt  }
0x69: {  	_ =	shalt  }
0x6a: {  	_ =	shalt  }
0x6b: {  	_ =	shalt  }
0x6c: {  	_ =	shalt  }
0x6d: {  	_ =	shalt  }
0x6e: {  	_ =	shalt  }
0x6f: {  	_ =	shalt  }
0x70: {  	_ =	shalt  }
0x71: {  	_ =	shalt  }
0x72: {  	_ =	shalt  }
0x73: {  	_ =	shalt  }
0x74: {  	_ =	shalt  }
0x75: {  	_ =	shalt  }
0x76: {  	_ =	shalt  }
0x77: {  	_ =	shalt  }
0x78: {  	_ =	shalt  }
0x79: {  	_ =	shalt  }
0x7a: {  	_ =	shalt  }
0x7b: {  	_ =	shalt  }
0x7c: {  	_ =	shalt  }
0x7d: {  	_ =	shalt  }
0x7e: {  	_ =	shalt  }
0x7f: {  	_ =	shalt  }
0x80: {  	_ =	shalt  }
0x81: {  	_ =	shalt  }
0x82: {  	_ =	shalt  }
0x83: {  	_ =	shalt  }
0x84: {  	_ =	shalt  }
0x85: {  	_ =	shalt  }
0x86: {  	_ =	shalt  }
0x87: {  	_ =	shalt  }
.Lfunc_end0:
.L_simem_size_0:
called_computation.1_lowered:
.L_overlay_start_0:
0x88: {  	s2 =	sld [smem:$0x3FD9]  }
0x89: {  	s3 =	sld [smem:$0x3FFE];
	_ =	sdelay $0x1  }
0x8a: {  	s1 =	srdreg.scid  }
0x8b: {  	s0 =	sand.u32 $0x1, s1  }
0x8c: {  	s17 =	sshll.u32 s0, $0xA;
	s2 =	sadd.s32 s3, s2  }
0x8d: {  	s2 =	sadd.s32 s2, s17  }
0x8e: {  	[smem:$0x3FC0] =	sst s2  }
0x8f: {  	_ = 	snop  }
0x90: {  	s2 =	sld [smem:$0x3FD0];
	(tm) =	ssettm $0x1  }
0x91: {  	s18 =	sld [smem:$0x3FFB];
	_ =	sdelay $0x3  }
0x92: {  	_ =	strace s18  }
0x93: {  	s3 =	sld [smem:$0x3FFC];
	_ =	sdelay $0x3  }
0x94: {  	_ =	strace s3  }
0x95: {  	s3 =	sld [smem:$0x3FFD];
	_ =	sdelay $0x3  }
0x96: {  	_ =	strace s3  }
0x97: {  	_ =	strace $0x8FFFFFFF  }
0x98: {  	s19 =	sld [smem:$0x3FDB];
	_ =	sdelay $0x1  }
0x99: {  	s4 =	simm.s32 $_scs_section_size  }
0x9a: {  	s5 =	simm.s32 $_size__tile_overlayer_lowered;
	s6 =	simm.s32 $_tile_overlayer_lowered  }
0x9b: {  	s22 =	simm.s32 $0x1BFF;
	s21 =	sshll.u32 s6, $0x1;
	s3 =	sadd.s32 s4, s19  }
0x9c: {  	s7 =	simm.s32 $0x0;
	s20 =	sshll.u32 s5, $0x1;
	s5 =	sadd.s32 s21, s3  }
0x9d: {  	[timem:s7], [sflag:s22] =	dma.local [hbm:s5], s20  }
0x9e: {  	_ =	swait.ge [sflag:s22], s20  }
0x9f: {  	s4 =	ssub.s32 $0x0, s20;
	[sflag:s22] =	ssyncset.done $0x0  }
0xa0: {  	[sflag:s22] =	ssyncadd.s32 s4;
	_ =	sdelay $0x1  }
0xa1: {  	s23 =	simm.s32 $0x1B8B  }
0xa2: {  	_ =	swait.ge [sflag:s23], $0x1  }
0xa3: {  	[sflag:s23] =	ssyncset.done $0x0  }
0xa4: {  	s25 =	simm.s32 $0x1B8E;
	s24 =	sld [smem:$0x3FFE];
	[sflag:s23] =	ssyncadd.s32 $0xFFFFFFFF  }
0xa5: {  	s26 =	simm.s32 $execute0_lowered;
	[smem:$0x3FD2] =	sst s25  }
0xa6: {  	s5 =	sshll.u32 s26, $0x1;
	_ =	strace $0x80000049;
	[dreg:$0x1] =	wrdreg $0xFFFFFFFF  }
0xa7: {  	s28 =	simm.s32 $_size_execute0_lowered;
	s3 =	sadd.s32 s3, s5;
	[dreg:$0x0] =	wrdreg $0x0  }
0xa8: {  	s5 =	sshll.u32 s28, $0x1;
	[dreg:$0x2] =	wrdreg s3  }
0xa9: {  	[dreg:$0x3] =	wrdreg s5  }
0xaa: {  	[dreg:$0x4] =	wrdreg $0xC0  }
0xab: {  	_ =	task [dreg:s7], $0x5FFFF  }
0xac: {  	[dreg:$0x1] =	wrdreg $0xFFFFFFFF  }
0xad: {  	[dreg:$0x0] =	wrdreg $0x60  }
0xae: {  	[dreg:$0x2] =	wrdreg s2  }
0xaf: {  	[dreg:$0x3] =	wrdreg s24  }
0xb0: {  	[dreg:$0x4] =	wrdreg $0xAD000  }
0xb1: {  	[dreg:$0x5] =	wrdreg $0x9  }
0xb2: {  	_ =	task.clear_ibuf [dreg:s7], $0x6FFFF;
	_ =	strace $0x90000049  }
0xb3: {  	s29 =	simm.s32 $0x9;
	_ =	strace $0x8000004B  }
0xb4: {  	_ =	swait.ge [sflag:s29], $0x1  }
0xb5: {  	[sflag:s29] =	ssyncadd.s32 $0xFFFFFFFF  }
0xb6: {  	_ =	strace $0x9000004B  }
0xb7: {  	_ =	sfence  }
0xb8: {  	s30 =	sld [smem:$0x0];
	_ =	sdelay $0x2  }
0xb9: {  	s31 =	sshll.u32 s1, $0xD;
	s1 =	sshrl.u32 s1, $0x2  }
0xba: {  	s3 =	sand.u32 $0x4000, s31;
	s1 =	sadd.s32 s1, s30  }
0xbb: {  	s0 =	sor.u32 s3, s0;
	s1 =	sshll.u32 s1, $0x11  }
0xbc: {  	s0 =	sor.u32 s1, s0  }
0xbd: {  	s0 =	sadd.s32 $0x8F2B, s0  }
0xbe: {  	[sflag:s0] =	ssyncadd.remote.s32 $0x1  }
0xbf: {  	_ =	sfence.sel $0xFFFF  }
0xc0: {  	[dreg:$0x0] =	wrdreg $0xFFFFFFFF;
	(pc) =	sbr.abs _section_cstart, $3  }
0xc1: {  	[dreg:$0x1] =	wrdreg $0xFFFFFFFF  }
0xc2: {  	_ =	task.clear_ibuf [dreg:s7], $0x2FFFF;
	_ =	strace $0x9FFFFFFF  }
0xc3: {  	(tm) =	ssettm $0x7FFFFFFF  }
tec
execute0_lowered:
.L_overlay_start_1:
0x0: {  	(tag) =	ssettag $0x1  }
0x1: {  	s0 =	rddreg [dreg:$0x0]  }
0x2: {  	s2 =	rddreg [dreg:$0x1]  }
0x3: {  	s1 =	srdreg.scid;
	s3 =	rddreg [dreg:$0x2]  }
0x4: {  	s9 =	stileid.u32;
	s4 =	simm.s32 $0x0;
	s11 =	simm.s32 $0x3900  }
0x5: {  	s30 =	simm.s32 $0x3D00;
	s31 =	simm.s32 $0x4;
	s1 =	sand.u32 $0x1, s1  }
0x6: {  	[smem:$0x7FF] =	sst s4;
	s6 =	sadd.s32 $0x10400, s2;
	s7 =	smul.u32 $0x4F000, s9  }
0x7: {  	s13 =	smul.u32 $0x13C00, s9;
	s16 =	sadd.s32 $0x1F400, s2;
	s5 =	sshll.u32 s1, $0x4  }
0x8: {  	_ =	strace $0x8000004A;
	s8 =	ssub.s32 $0x2, s1;
	p0 =	seq.s32 s1, $0x0  }
0x9: {  	s1 =	smul.u32 $0x13C000, s1;
	s5 =	sor.u32 s9, s5;
	s25 =	sshrl.u32 s8, $0x1  }
0xa: {  	s7 =	sshrl.u32 s7, $0x2;
	s18 =	sadd.s32 $0x3800, s13;
	s19 =	sadd.s32 $0x7000, s13  }
0xb: {  	s20 =	sadd.s32 $0xA800, s13;
	s21 =	sadd.s32 $0xE000, s13;
	s22 =	sadd.s32 $0x11800, s13  }
0xc: {  	s11 =	simm.s32 @!p0 $0x2100;
	s5 =	smul.u32 $0x3C00, s5;
	s17 =	ssub.s32 s8, s25  }
0xd: {  	s7 =	sadd.s32 s7, s3;
	s8 =	sadd.s32 s18, s3;
	s9 =	sadd.s32 s19, s3  }
0xe: {  	s10 =	sadd.s32 s20, s3;
	s12 =	sadd.s32 s21, s3;
	s24 =	sadd.s32 s13, s1  }
0xf: {  	s18 =	sadd.s32 s1, s18;
	s19 =	sadd.s32 s1, s19;
	s20 =	sadd.s32 s1, s20  }
0x10: {  	s21 =	sadd.s32 s1, s21;
	s1 =	sadd.s32 s1, s22;
	s13 =	sadd.s32 s22, s3  }
0x11: {  	s28 =	sor.u32 $0x80, s11;
	s29 =	sadd.s32 $0xFFFFFE00, s11;
	s24 =	sshrl.u32 s24, $0x3  }
0x12: {  	s25 =	sshrl.u32 s18, $0x3;
	s1 =	sshrl.u32 s1, $0x3;
	s14 =	sshrl.u32 s5, $0x3  }
0x13: {  	s23 =	sadd.s32 s5, s11;
	s1 =	sadd.s32 s16, s1;
	s15 =	sadd.s32 s14, s2  }
0x14: {  	s26 =	sadd.s32 $0xFFFFFF00, s23;
	s2 =	sadd.s32 $0x10410, s2;
	s23 =	sadd.s32 s6, s14  }
0x15: {  	[dreg:$0xc] =	wrdreg s1;
	s15 =	sadd.s32 $0x1400, s15;
	s22 =	sshrl.u32 s26, $0x3  }
0x16: {  	s1 =	simm.s32 $0x100;
	[dreg:$0x4] =	wrdreg s15;
	s15 =	sadd.s32 s22, s2  }
0x17: {  	s26 =	sshrl.u32 s19, $0x3;
	s2 =	sadd.s32 s14, s2;
	[dreg:$0x5] =	wrdreg s15  }
0x18: {  	s19 =	sshrl.u32 s20, $0x3;
	s14 =	sadd.s32 s16, s25;
	[dreg:$0x6] =	wrdreg s2  }
0x19: {  	s20 =	sshrl.u32 s21, $0x3;
	s18 =	sadd.s32 s16, s26;
	[dreg:$0x8] =	wrdreg s14  }
0x1a: {  	s21 =	sadd.s32 s16, s20;
	s26 =	smov.u32 s23;
	[dreg:$0x9] =	wrdreg s18  }
0x1b: {  	s23 =	sadd.s32 $0x20, s23;
	s25 =	sadd.s32 $0xFFFFFF80, s11;
	[dreg:$0xb] =	wrdreg s21  }
0x1c: {  	s20 =	simm.s32 $0x0;
	s2 =	sadd.s32 s16, s24;
	[dreg:$0xd] =	wrdreg s23  }
0x1d: {  	s24 =	smax.u32 s17, $0x1;
	[dreg:$0xf] =	wrdreg s25;
	s14 =	simm.s32 $0x70  }
0x1e: {  	s15 =	simm.s32 $0x1;
	s18 =	simm.s32 $0x7500;
	[dreg:$0x7] =	wrdreg s2  }
0x1f: {  	s2 =	sadd.s32 s16, s19;
	[dreg:$0xe] =	wrdreg s24;
	s16 =	simm.s32 $0x3  }
0x20: {  	v0 =	vimm.f32 $0.0e+00;
	s19 =	simm.s32 $0x2;
	[dreg:$0xa] =	wrdreg s2;
	s2 =	simm.s32 $0x80  }
.LBB2_1:
0x21: {  	s17 =	simm.s32 $0x0;
	s21 =	simm.s32 $0x200  }
.LBB2_2:
0x22: {  	p0 =	sne.s32 s21, $0xDE00;
	[tilespmem:s17+$0x3D70] =	vst v0  }
0x23: {  	[tilespmem:s17+$0x3D00] =	vst v0  }
0x24: {  	[tilespmem:s17+$0x3D10] =	vst v0  }
.Ltmp0:
0x25: {  	[tilespmem:s17+$0x3D20] =	vst v0;
	(pc) =	sbr.rel @p0 .LBB2_2-.Ltmp0, $4  }
0x26: {  	[tilespmem:s17+$0x3D30] =	vst v0  }
0x27: {  	[tilespmem:s17+$0x3D40] =	vst v0  }
0x28: {  	[tilespmem:s17+$0x3D50] =	vst v0  }
0x29: {  	[tilespmem:s17+$0x3D60] =	vst v0;
	s17 =	sshra.s32 s21, $0x2;
	s21 =	sadd.s32 $0x200, s21  }
0x2a: {  	[tilespmem:s17+$0x3D70] =	vst v0  }
0x2b: {  	[tilespmem:s17+$0x3D00] =	vst v0  }
0x2c: {  	[tilespmem:s17+$0x3D10] =	vst v0  }
0x2d: {  	[tilespmem:s17+$0x3D20] =	vst v0  }
0x2e: {  	[tilespmem:s17+$0x3D30] =	vst v0  }
0x2f: {  	[tilespmem:s17+$0x3D40] =	vst v0  }
0x30: {  	[tilespmem:s17+$0x3D50] =	vst v0  }
0x31: {  	[tilespmem:s17+$0x3D60] =	vst v0  }
0x32: {  	[spmem:s7] =	stream.linear.scatter [tilespmem:s30], [sflag:$0x4], $0x3800, $0x38;
	[tilespmem:$0x1E900] =	vst v63  }
0x33: {  	_ =	swait.ge [sflag:s31], $0x3800  }
0x34: {  	[sflag:s31] =	ssyncset.done $0x0  }
0x35: {  	[sflag:s31] =	ssyncadd.s32 $0xFFFFC800  }
0x36: {  	[spmem:s8] =	stream.linear.scatter [tilespmem:s30], [sflag:$0x4], $0x3800, $0x38;
	[tilespmem:$0x1E900] =	vst v63  }
0x37: {  	_ =	swait.ge [sflag:s31], $0x3800  }
0x38: {  	[sflag:s31] =	ssyncset.done $0x0  }
0x39: {  	[sflag:s31] =	ssyncadd.s32 $0xFFFFC800  }
0x3a: {  	[spmem:s9] =	stream.linear.scatter [tilespmem:s30], [sflag:$0x4], $0x3800, $0x38;
	[tilespmem:$0x1E900] =	vst v63  }
0x3b: {  	_ =	swait.ge [sflag:s31], $0x3800  }
0x3c: {  	[sflag:s31] =	ssyncset.done $0x0  }
0x3d: {  	[sflag:s31] =	ssyncadd.s32 $0xFFFFC800  }
0x3e: {  	[spmem:s10] =	stream.linear.scatter [tilespmem:s30], [sflag:$0x4], $0x3800, $0x38;
	[tilespmem:$0x1E900] =	vst v63  }
0x3f: {  	_ =	swait.ge [sflag:s31], $0x3800  }
0x40: {  	[sflag:s31] =	ssyncset.done $0x0  }
0x41: {  	[sflag:s31] =	ssyncadd.s32 $0xFFFFC800  }
0x42: {  	[spmem:s12] =	stream.linear.scatter [tilespmem:s30], [sflag:$0x4], $0x3800, $0x38;
	[tilespmem:$0x1E900] =	vst v63  }
0x43: {  	_ =	swait.ge [sflag:s31], $0x3800  }
0x44: {  	[sflag:s31] =	ssyncset.done $0x0  }
0x45: {  	[sflag:s31] =	ssyncadd.s32 $0xFFFFC800  }
0x46: {  	[spmem:s13] =	stream.linear.scatter [tilespmem:s30], [sflag:$0x4], $0x2400, $0x38;
	[tilespmem:$0x1E900] =	vst v63  }
0x47: {  	_ =	swait.ge [sflag:s31], $0x2400  }
0x48: {  	[sflag:s31] =	ssyncset.done $0x0  }
0x49: {  	s22 =	simm.s32 $0x0;
	s21 =	rddreg [dreg:$0x4];
	[sflag:s31] =	ssyncadd.s32 $0xFFFFDC00  }
0x4a: {  	[tilespmem:s1], [sflag:$0x4] =	stream.linear.gather [hbm4b:s21+s22], $0x3900, $0x38;
	[tilespmem:$0x1E900] =	vst v63  }
0x4b: {  	_ =	swait.ge [sflag:s31], $0x3900  }
0x4c: {  	[sflag:s31] =	ssyncset.done $0x0  }
0x4d: {  	[sflag:s31] =	ssyncadd.s32 $0xFFFFC700  }
0x4e: {  	[tilespmem:s22], [sflag:$0x4] =	stream.linear.gather [hbm4b:s26+s22], $0x80, $0x38;
	[tilespmem:$0x1E900] =	vst v63  }
0x4f: {  	_ =	swait.ge [sflag:s31], $0x80  }
0x50: {  	[sflag:s31] =	ssyncset.done $0x0  }
0x51: {  	s23 =	rddreg [dreg:$0x6];
	[sflag:s31] =	ssyncadd.s32 $0xFFFFFF80  }
0x52: {  	[tilespmem:s2], [sflag:$0x3] =	stream.linear.gather [hbm4b:s23+s22], $0x80, $0x38;
	[tilespmem:$0x1E900] =	vst v63  }
0x53: {  	_ = 	snop  }
0x54: {  	[tilespmem:s30], [sflag:$0x1] =	stream.indirect.gather [hbm4b:s0+s14], $0x80, s22, s14, $0xb8;
	[tilespmem:$0x1E900] =	vst v63  }
0x55: {  	[bflag:$0x0] =	sbarrier.arrive $0xFFFF  }
0x56: {  	_ =	swait.ge [sflag:s15], $0x3800  }
0x57: {  	[sflag:s15] =	ssyncset.done $0x0  }
0x58: {  	[sflag:s15] =	ssyncadd.s32 $0xFFFFC800  }
0x59: {  	_ =	swait.ge [sflag:s16], $0x80  }
0x5a: {  	[sflag:s16] =	ssyncset.done $0x0  }
0x5b: {  	s24 =	rddreg [dreg:$0xd];
	[sflag:s16] =	ssyncadd.s32 $0xFFFFFF80  }
0x5c: {  	[tilespmem:s22], [sflag:$0x3] =	stream.linear.gather [hbm4b:s24+s22], $0x80, $0x38;
	[tilespmem:$0x1E900] =	vst v63  }
0x5d: {  	_ = 	snop  }
0x5e: {  	[tilespmem:s18], [sflag:$0x1] =	stream.indirect.gather [hbm4b:s0+s14], $0x80, s2, s14, $0xb8;
	[tilespmem:$0x1E900] =	vst v63  }
0x5f: {  	_ = 	snop  }
0x60: {  	[spmem:s3] =	stream.indirect.scatter.add.f32 [tilespmem:s30], [sflag:$0x2], $0x80, s1, s14, $0xb8;
	[tilespmem:$0x1E900] =	vst v63  }
0x61: {  	_ =	swait.ge [sflag:s19], $0x3800  }
0x62: {  	[sflag:s19] =	ssyncset.done $0x0  }
0x63: {  	[sflag:s19] =	ssyncadd.s32 $0xFFFFC800  }
0x64: {  	s25 =	simm.s32 $0x180;
	_ =	swait.ge [sflag:s15], $0x3800  }
0x65: {  	s22 =	sand.u32 $0xFFFFFC00, s25;
	[sflag:s15] =	ssyncset.done $0x0  }
0x66: {  	s17 =	sand.u32 $0x380, s25;
	s21 =	sadd.s32 s5, s22;
	[sflag:s15] =	ssyncadd.s32 $0xFFFFC800  }
0x67: {  	s17 =	sor.u32 s17, s21;
	_ =	swait.ge [sflag:s16], $0x80  }
0x68: {  	s17 =	sshrl.u32 s17, $0x3;
	[sflag:s16] =	ssyncset.done $0x0  }
0x69: {  	s17 =	sadd.s32 s6, s17;
	[sflag:s16] =	ssyncadd.s32 $0xFFFFFF80  }
0x6a: {  	[tilespmem:s2], [sflag:$0x3] =	stream.linear.gather [hbm4b:s17+s4], $0x80, $0x38;
	[tilespmem:$0x1E900] =	vst v63  }
0x6b: {  	_ = 	snop  }
0x6c: {  	[tilespmem:s30], [sflag:$0x1] =	stream.indirect.gather [hbm4b:s0+s14], $0x80, s4, s14, $0xb8;
	[tilespmem:$0x1E900] =	vst v63  }
0x6d: {  	s23 =	simm.s32 $0x180  }
0x6e: {  	[spmem:s3] =	stream.indirect.scatter.add.f32 [tilespmem:s18], [sflag:$0x2], $0x80, s23, s14, $0xb8;
	[tilespmem:$0x1E900] =	vst v63  }
0x6f: {  	_ =	swait.ge [sflag:s19], $0x3800  }
0x70: {  	[sflag:s19] =	ssyncset.done $0x0  }
0x71: {  	[sflag:s19] =	ssyncadd.s32 $0xFFFFC800  }
0x72: {  	s24 =	simm.s32 $0x200;
	_ =	swait.ge [sflag:s15], $0x3800  }
0x73: {  	s25 =	sand.u32 $0xFFFFFC00, s24;
	[sflag:s15] =	ssyncset.done $0x0  }
0x74: {  	s21 =	sadd.s32 s5, s25;
	s17 =	sand.u32 $0x300, s24;
	[sflag:s15] =	ssyncadd.s32 $0xFFFFC800  }
0x75: {  	p0 =	sne.s32 s29, $0x100;
	s17 =	sor.u32 s17, s21;
	_ =	swait.ge [sflag:s16], $0x80  }
.Ltmp1:
0x76: {  	s17 =	sshrl.u32 s17, $0x3;
	[sflag:s16] =	ssyncset.done $0x0;
	(pc) =	sbr.rel @!p0 .LBB2_5-.Ltmp1, $4  }
0x77: {  	s17 =	sadd.s32 s6, s17;
	[sflag:s16] =	ssyncadd.s32 $0xFFFFFF80  }
0x78: {  	[tilespmem:s4], [sflag:$0x3] =	stream.linear.gather [hbm4b:s17+s4], $0x80, $0x38;
	[tilespmem:$0x1E900] =	vst v63  }
0x79: {  	s22 =	simm.s32 $0x200;
	s21 =	simm.s32 $0x300;
	s17 =	simm.s32 $0x100  }
0x7a: {  	[tilespmem:s18], [sflag:$0x1] =	stream.indirect.gather [hbm4b:s0+s14], $0x80, s2, s14, $0xb8;
	[tilespmem:$0x1E900] =	vst v63  }
.LBB2_4:
0x7b: {  	[spmem:s3] =	stream.indirect.scatter.add.f32 [tilespmem:s30], [sflag:$0x2], $0x80, s22, s14, $0xb8;
	[tilespmem:$0x1E900] =	vst v63  }
0x7c: {  	s23 =	smov.u32 s17;
	s17 =	sadd.s32 $0x100, s17;
	_ =	swait.ge [sflag:s19], $0x3800  }
0x7d: {  	s22 =	smov.u32 s21;
	p0 =	sne.s32 s29, s17;
	[sflag:s19] =	ssyncset.done $0x0  }
0x7e: {  	[sflag:s19] =	ssyncadd.s32 $0xFFFFC800  }
0x7f: {  	s24 =	sadd.s32 $0x180, s23;
	_ =	swait.ge [sflag:s15], $0x3800  }
0x80: {  	s25 =	sand.u32 $0xFFFFFC00, s24;
	[sflag:s15] =	ssyncset.done $0x0  }
0x81: {  	s24 =	sand.u32 $0x380, s24;
	s25 =	sadd.s32 s5, s25;
	[sflag:s15] =	ssyncadd.s32 $0xFFFFC800  }
0x82: {  	s24 =	sor.u32 s24, s25;
	_ =	swait.ge [sflag:s16], $0x80  }
0x83: {  	s24 =	sshrl.u32 s24, $0x3;
	[sflag:s16] =	ssyncset.done $0x0  }
0x84: {  	s24 =	sadd.s32 s6, s24;
	[sflag:s16] =	ssyncadd.s32 $0xFFFFFF80  }
0x85: {  	[tilespmem:s2], [sflag:$0x3] =	stream.linear.gather [hbm4b:s24+s4], $0x80, $0x38;
	[tilespmem:$0x1E900] =	vst v63  }
0x86: {  	_ = 	snop  }
0x87: {  	[tilespmem:s30], [sflag:$0x1] =	stream.indirect.gather [hbm4b:s0+s14], $0x80, s4, s14, $0xb8;
	[tilespmem:$0x1E900] =	vst v63  }
0x88: {  	s24 =	sadd.s32 $0xFFFFFF80, s21  }
0x89: {  	[spmem:s3] =	stream.indirect.scatter.add.f32 [tilespmem:s18], [sflag:$0x2], $0x80, s24, s14, $0xb8;
	[tilespmem:$0x1E900] =	vst v63  }
0x8a: {  	_ =	swait.ge [sflag:s19], $0x3800  }
0x8b: {  	[sflag:s19] =	ssyncset.done $0x0  }
0x8c: {  	[sflag:s19] =	ssyncadd.s32 $0xFFFFC800  }
0x8d: {  	s23 =	sadd.s32 $0x200, s23;
	_ =	swait.ge [sflag:s15], $0x3800  }
0x8e: {  	s24 =	sand.u32 $0xFFFFFC00, s23;
	[sflag:s15] =	ssyncset.done $0x0  }
0x8f: {  	s23 =	sand.u32 $0x300, s23;
	s24 =	sadd.s32 s5, s24;
	[sflag:s15] =	ssyncadd.s32 $0xFFFFC800  }
0x90: {  	s23 =	sor.u32 s23, s24;
	_ =	swait.ge [sflag:s16], $0x80  }
0x91: {  	s23 =	sshrl.u32 s23, $0x3;
	[sflag:s16] =	ssyncset.done $0x0  }
.Ltmp2:
0x92: {  	s23 =	sadd.s32 s6, s23;
	[sflag:s16] =	ssyncadd.s32 $0xFFFFFF80;
	(pc) =	sbr.rel @p0 .LBB2_4-.Ltmp2, $4  }
0x93: {  	[tilespmem:s4], [sflag:$0x3] =	stream.linear.gather [hbm4b:s23+s4], $0x80, $0x38;
	[tilespmem:$0x1E900] =	vst v63  }
0x94: {  	_ = 	snop  }
0x95: {  	[tilespmem:s18], [sflag:$0x1] =	stream.indirect.gather [hbm4b:s0+s14], $0x80, s2, s14, $0xb8;
	[tilespmem:$0x1E900] =	vst v63  }
0x96: {  	s21 =	sadd.s32 $0x100, s21  }
.LBB2_5:
0x97: {  	[spmem:s3] =	stream.indirect.scatter.add.f32 [tilespmem:s30], [sflag:$0x2], $0x80, s22, s14, $0xb8;
	[tilespmem:$0x1E900] =	vst v63  }
0x98: {  	_ =	swait.ge [sflag:s19], $0x3800  }
0x99: {  	[sflag:s19] =	ssyncset.done $0x0  }
0x9a: {  	[sflag:s19] =	ssyncadd.s32 $0xFFFFC800  }
0x9b: {  	_ =	swait.ge [sflag:s15], $0x3800  }
0x9c: {  	[sflag:s15] =	ssyncset.done $0x0  }
0x9d: {  	[sflag:s15] =	ssyncadd.s32 $0xFFFFC800  }
0x9e: {  	_ =	swait.ge [sflag:s16], $0x80  }
0x9f: {  	[sflag:s16] =	ssyncset.done $0x0  }
0xa0: {  	s17 =	rddreg [dreg:$0x5];
	[sflag:s16] =	ssyncadd.s32 $0xFFFFFF80  }
0xa1: {  	[tilespmem:s2], [sflag:$0x3] =	stream.linear.gather [hbm4b:s17+s4], $0x80, $0x38;
	[tilespmem:$0x1E900] =	vst v63  }
0xa2: {  	_ = 	snop  }
0xa3: {  	[tilespmem:s30], [sflag:$0x1] =	stream.indirect.gather [hbm4b:s0+s14], $0x80, s4, s14, $0xb8;
	[tilespmem:$0x1E900] =	vst v63  }
0xa4: {  	s23 =	rddreg [dreg:$0xf]  }
0xa5: {  	[spmem:s3] =	stream.indirect.scatter.add.f32 [tilespmem:s18], [sflag:$0x2], $0x80, s23, s14, $0xb8;
	[tilespmem:$0x1E900] =	vst v63  }
0xa6: {  	_ =	swait.ge [sflag:s19], $0x3800  }
0xa7: {  	[sflag:s19] =	ssyncset.done $0x0  }
0xa8: {  	[sflag:s19] =	ssyncadd.s32 $0xFFFFC800  }
0xa9: {  	_ =	swait.ge [sflag:s15], $0x3800  }
0xaa: {  	[sflag:s15] =	ssyncset.done $0x0  }
0xab: {  	[sflag:s15] =	ssyncadd.s32 $0xFFFFC800  }
0xac: {  	_ =	swait.ge [sflag:s16], $0x80  }
0xad: {  	[sflag:s16] =	ssyncset.done $0x0  }
0xae: {  	[sflag:s16] =	ssyncadd.s32 $0xFFFFFF80  }
0xaf: {  	[tilespmem:s18], [sflag:$0x1] =	stream.indirect.gather [hbm4b:s0+s14], $0x80, s2, s14, $0xb8;
	[tilespmem:$0x1E900] =	vst v63  }
0xb0: {  	_ = 	snop  }
0xb1: {  	[spmem:s3] =	stream.indirect.scatter.add.f32 [tilespmem:s30], [sflag:$0x2], $0x80, s11, s14, $0xb8;
	[tilespmem:$0x1E900] =	vst v63  }
0xb2: {  	_ =	swait.ge [sflag:s19], $0x3800  }
0xb3: {  	[sflag:s19] =	ssyncset.done $0x0  }
0xb4: {  	[sflag:s19] =	ssyncadd.s32 $0xFFFFC800  }
0xb5: {  	_ =	swait.ge [sflag:s15], $0x3800  }
0xb6: {  	[sflag:s15] =	ssyncset.done $0x0  }
0xb7: {  	[sflag:s15] =	ssyncadd.s32 $0xFFFFC800  }
0xb8: {  	[spmem:s3] =	stream.indirect.scatter.add.f32 [tilespmem:s18], [sflag:$0x2], $0x80, s28, s14, $0xb8;
	[tilespmem:$0x1E900] =	vst v63  }
0xb9: {  	_ =	swait.ge [sflag:s19], $0x3800  }
0xba: {  	[sflag:s19] =	ssyncset.done $0x0  }
0xbb: {  	s24 =	stileid.u32;
	[sflag:s19] =	ssyncadd.s32 $0xFFFFC800  }
0xbc: {  	s17 =	sshll.u32 s24, $0x6;
	[bflag:$0x0] =	sbarrier.arrive $0xFFFF  }
0xbd: {  	s21 =	sshrl.u32 s7, $0x3;
	s17 =	sor.u32 $0x1C04, s17;
	s25 =	rddreg [dreg:$0x7]  }
0xbe: {  	[hbm:s25], [sflag:s17] =	dma.local [spmem:s21], $0x700  }
0xbf: {  	_ =	swait.ge [sflag:s31], $0x700  }
0xc0: {  	[sflag:s31] =	ssyncset.done $0x0  }
0xc1: {  	s22 =	sshrl.u32 s8, $0x3;
	s23 =	rddreg [dreg:$0x8];
	[sflag:s31] =	ssyncadd.s32 $0xFFFFF900  }
0xc2: {  	[hbm:s23], [sflag:s17] =	dma.local [spmem:s22], $0x700  }
0xc3: {  	_ =	swait.ge [sflag:s31], $0x700  }
0xc4: {  	[sflag:s31] =	ssyncset.done $0x0  }
0xc5: {  	s24 =	sshrl.u32 s9, $0x3;
	s25 =	rddreg [dreg:$0x9];
	[sflag:s31] =	ssyncadd.s32 $0xFFFFF900  }
0xc6: {  	[hbm:s25], [sflag:s17] =	dma.local [spmem:s24], $0x700  }
0xc7: {  	_ =	swait.ge [sflag:s31], $0x700  }
0xc8: {  	[sflag:s31] =	ssyncset.done $0x0  }
0xc9: {  	s22 =	sshrl.u32 s10, $0x3;
	s23 =	rddreg [dreg:$0xa];
	[sflag:s31] =	ssyncadd.s32 $0xFFFFF900  }
0xca: {  	[hbm:s23], [sflag:s17] =	dma.local [spmem:s22], $0x700  }
0xcb: {  	_ =	swait.ge [sflag:s31], $0x700  }
0xcc: {  	[sflag:s31] =	ssyncset.done $0x0  }
0xcd: {  	s24 =	sshrl.u32 s12, $0x3;
	s25 =	rddreg [dreg:$0xb];
	[sflag:s31] =	ssyncadd.s32 $0xFFFFF900  }
0xce: {  	[hbm:s25], [sflag:s17] =	dma.local [spmem:s24], $0x700  }
0xcf: {  	_ =	swait.ge [sflag:s31], $0x700  }
0xd0: {  	[sflag:s31] =	ssyncset.done $0x0  }
0xd1: {  	s23 =	sshrl.u32 s13, $0x3;
	s24 =	rddreg [dreg:$0xc];
	[sflag:s31] =	ssyncadd.s32 $0xFFFFF900  }
0xd2: {  	[hbm:s24], [sflag:s17] =	dma.local [spmem:s23], $0x480  }
0xd3: {  	_ =	swait.ge [sflag:s31], $0x480  }
0xd4: {  	s20 =	sadd.s32 $0x1, s20;
	s25 =	rddreg [dreg:$0xe]  }
0xd5: {  	p0 =	sne.s32 s20, s25  }
.Ltmp3:
0xd6: {  	_ = 	snop;
	(pc) =	sbr.rel @p0 .LBB2_1-.Ltmp3, $3  }
0xd7: {  	_ =	sdelay $0x1  }
0xd8: {  	[sflag:s31] =	ssyncset.done $0x0  }
0xd9: {  	[sflag:s31] =	ssyncadd.s32 $0xFFFFFB80  }
0xda: {  	_ =	sfence.sel $0x180000  }
0xdb: {  	[bflag:$0x0] =	sbarrier.arrive $0xFFFF  }
0xdc: {  	_ =	strace $0x9000004A  }
0xdd: {  	s0 =	stileid.u32;
	[bflag:$0x2] =	sbarrier.arrive $0xFFFF  }
0xde: {  	p0 =	sne.s32 s0, $0x0;
	s0 =	rddreg [dreg:$0x3]  }
0xdf: {  	s0 =	sadd.s32 @!p0 $0x100000, s0  }
0xe0: {  	[sflag:s0] =	ssyncadd.tile.s32 @!p0 $0x1;
	_ =	shalt  }
.Lfunc_end2:
_tile_overlayer_lowered:
.L_overlay_start_2:
0xe1: {  	(tag) =	ssettag $0x2  }
0xe2: {  	s0 =	rddreg [dreg:$0x0];
	s2 =	stileid.u32  }
0xe3: {  	s1 =	rddreg [dreg:$0x1];
	p0 =	sne.s32 s2, $0x0  }
0xe4: {  	s3 =	rddreg [dreg:$0x2];
	[bflag:$0x3] =	sbarrier.arrive $0xFFFF;
	s2 =	simm.s32 @!p0 $0x1C04  }
0xe5: {  	[timem:s3], [sflag:s2] =	dma.local @!p0 [hbm:s0], s1  }
0xe6: {  	s0 =	simm.s32 @!p0 $0x4  }
0xe7: {  	_ =	swait.ge @!p0 [sflag:s0], s1  }
0xe8: {  	s1 =	ssub.s32 @!p0 $0x0, s1;
	[sflag:s0] =	ssyncset.done @!p0 $0x0  }
0xe9: {  	[sflag:s0] =	ssyncadd.s32 @!p0 s1  }
0xea: {  	[bflag:$0x3] =	sbarrier.arrive $0xFFFF  }
0xeb: {  	_ =	shalt  }

// kernel: kernel.8.cloned.1.call-start
scs
__scs_entry_jumppad:
0x0: {  	(pc) =	sbr.rel $0x88, $3  }
0x1: {  	(tag) =	ssettag $0x0;
	lr =	simm.s32 $0x1  }
0x2: {  	[smem:$0x3F99] =	sst lr;
	_ =	strace $0xD0000000  }
0x3: {  	_ = 	snop  }
0x4: {  	_ = 	snop  }
0x5: {  	_ = 	snop  }
0x6: {  	_ = 	snop  }
0x7: {  	_ = 	snop  }
__scs_overlays_trampoline_lowered:
0x8: {  	[smem:$0x3FA8] =	sst s0  }
0x9: {  	[smem:$0x3FA9] =	sst s1  }
0xa: {  	[smem:$0x3FAA] =	sst s2  }
0xb: {  	[smem:$0x3FAB] =	sst s3  }
0xc: {  	[smem:$0x3FAC] =	sst s4  }
0xd: {  	[smem:$0x3FAD] =	sst s5  }
0xe: {  	[smem:$0x3FAE] =	sst s6  }
0xf: {  	[smem:$0x3FAF] =	sst s7  }
0x10: {  	[smem:$0x3FB0] =	sst s8  }
0x11: {  	[smem:$0x3FB1] =	sst s9;
	s0 =	simm.s32 @!p0 $0x0  }
0x12: {  	s1 =	sld [smem:$0x3F97];
	s0 =	simm.s32 @p0 $0x1  }
0x13: {  	[smem:$0x3FB2] =	sst s0;
	s0 =	simm.s32 @!p1 $0x0  }
0x14: {  	s2 =	sld [smem:$0x3F96];
	s0 =	simm.s32 @p1 $0x1  }
0x15: {  	[smem:$0x3FB3] =	sst s0;
	s0 =	simm.s32 @!p2 $0x0  }
0x16: {  	s3 =	sld [smem:$0x3FDB];
	s0 =	simm.s32 @p2 $0x1  }
0x17: {  	s4 =	simm.s32 $0x1BF5;
	[smem:$0x3FB5] =	sst s0  }
0x18: {  	s0 =	sld [smem:$0x3F98];
	_ =	swait.ge [sflag:s4], $0x0  }
0x19: {  	s7 =	sld [smem:$0x3F99]  }
0x1a: {  	s8 =	sadd.s32 $0xFFFFE003, lr  }
0x1b: {  	s9 =	sadd.s32 $0xFFFFFEF7, lr;
	s5 =	simm.s32 $0xFFFFFFFF;
	p2 =	slt.u32 s8, $0xFFFFF086  }
0x1c: {  	p1 =	slt.u32 s9, $0xF7A;
	s5 =	simm.s32 @!p2 $0x0  }
0x1d: {  	s5 =	simm.s32 @p1 $0x1;
	p0 =	seq.s32 s7, s2  }
0x1e: {  	s7 =	smul.u32 @!p0 $0xF7A, s2;
	p2 =	seq.s32 @!p0 s5, $0x0  }
0x1f: {  	s9 =	smul.u32 $0xF7A, s1;
	s8 =	simm.s32 @!p0 $0x1BF5;
	p2 =	por !p2, p0  }
0x20: {  	[sflag:s8] =	ssyncset.s32 @!p0 $0xFFFFF086;
	s6 =	sadd.s32 @!p0 s3, s7;
	s7 =	simm.s32 @!p0 $0x108  }
0x21: {  	s3 =	sadd.s32 s3, s9;
	s6 =	sadd.s32 @!p0 $0x88, s6;
	s7 =	simm.s32 @p2 $0x1082  }
0x22: {  	[simem:s7], [sflag:s8] =	dma.local @!p0 [hbm:s6], $0xF7A  }
0x23: {  	s9 =	sor.u32 $0xD0000000, s2;
	s6 =	simm.s32 $0x108;
	_ =	swait.ge @!p0 [sflag:s8], $0x0  }
0x24: {  	s3 =	sadd.s32 $0x88, s3;
	s6 =	simm.s32 @!p1 $0x1082;
	[sflag:s4] =	ssyncset.s32 $0xFFFFF086  }
0x25: {  	[simem:s6], [sflag:s4] =	dma.local [hbm:s3], $0xF7A  }
0x26: {  	[smem:$0x3F99] =	sst s1;
	(tag) =	ssettag s2;
	_ =	strace s9  }
0x27: {  	s1 =	sld [smem:$0x3FA9]  }
0x28: {  	s2 =	sld [smem:$0x3FAA]  }
0x29: {  	s4 =	sld [smem:$0x3FAC]  }
0x2a: {  	p0 =	seq.s32 s5, $0x0;
	s5 =	sld [smem:$0x3FAD]  }
0x2b: {  	s6 =	sld [smem:$0x3FAE]  }
0x2c: {  	s7 =	sld [smem:$0x3FAF]  }
0x2d: {  	s3 =	simm.s32 $0x108;
	s8 =	sld [smem:$0x3FB0]  }
0x2e: {  	s3 =	simm.s32 @!p0 $0x1082;
	s9 =	sld [smem:$0x3FB1]  }
0x2f: {  	lr =	sadd.s32 s0, s3;
	s0 =	sld [smem:$0x3FA8]  }
0x30: {  	s3 =	sld [smem:$0x3FAB]  }
0x31: {  	[smem:$0x3FB4] =	sst s10  }
0x32: {  	s10 =	sld [smem:$0x3FB2];
	_ =	sdelay $0x3  }
0x33: {  	p0 =	seq.s32 s10, $0x1;
	s10 =	sld [smem:$0x3FB4];
	_ =	sdelay $0x3  }
0x34: {  	[smem:$0x3FB4] =	sst s10  }
0x35: {  	s10 =	sld [smem:$0x3FB3];
	_ =	sdelay $0x3  }
0x36: {  	p1 =	seq.s32 s10, $0x1;
	s10 =	sld [smem:$0x3FB4];
	_ =	sdelay $0x3  }
0x37: {  	[smem:$0x3FB4] =	sst s10  }
0x38: {  	s10 =	sld [smem:$0x3FB5]  }
0x39: {  	_ = 	snop;
	(pc) =	sbr.ind lr, $3  }
0x3a: {  	_ = 	snop  }
0x3b: {  	_ = 	snop  }
0x3c: {  	p2 =	seq.s32 s10, $0x1;
	s10 =	sld [smem:$0x3FB4]  }
0x3d: {  	_ =	shalt  }
0x3e: {  	_ =	shalt  }
0x3f: {  	_ =	shalt  }
0x40: {  	_ =	shalt  }
0x41: {  	_ =	shalt  }
0x42: {  	_ =	shalt  }
0x43: {  	_ =	shalt  }
0x44: {  	_ =	shalt  }
0x45: {  	_ =	shalt  }
0x46: {  	_ =	shalt  }
0x47: {  	_ =	shalt  }
0x48: {  	_ =	shalt  }
0x49: {  	_ =	shalt  }
0x4a: {  	_ =	shalt  }
0x4b: {  	_ =	shalt  }
0x4c: {  	_ =	shalt  }
0x4d: {  	_ =	shalt  }
0x4e: {  	_ =	shalt  }
0x4f: {  	_ =	shalt  }
0x50: {  	_ =	shalt  }
0x51: {  	_ =	shalt  }
0x52: {  	_ =	shalt  }
0x53: {  	_ =	shalt  }
0x54: {  	_ =	shalt  }
0x55: {  	_ =	shalt  }
0x56: {  	_ =	shalt  }
0x57: {  	_ =	shalt  }
0x58: {  	_ =	shalt  }
0x59: {  	_ =	shalt  }
0x5a: {  	_ =	shalt  }
0x5b: {  	_ =	shalt  }
0x5c: {  	_ =	shalt  }
0x5d: {  	_ =	shalt  }
0x5e: {  	_ =	shalt  }
0x5f: {  	_ =	shalt  }
0x60: {  	_ =	shalt  }
0x61: {  	_ =	shalt  }
0x62: {  	_ =	shalt  }
0x63: {  	_ =	shalt  }
0x64: {  	_ =	shalt  }
0x65: {  	_ =	shalt  }
0x66: {  	_ =	shalt  }
0x67: {  	_ =	shalt  }
0x68: {  	_ =	shalt  }
0x69: {  	_ =	shalt  }
0x6a: {  	_ =	shalt  }
0x6b: {  	_ =	shalt  }
0x6c: {  	_ =	shalt  }
0x6d: {  	_ =	shalt  }
0x6e: {  	_ =	shalt  }
0x6f: {  	_ =	shalt  }
0x70: {  	_ =	shalt  }
0x71: {  	_ =	shalt  }
0x72: {  	_ =	shalt  }
0x73: {  	_ =	shalt  }
0x74: {  	_ =	shalt  }
0x75: {  	_ =	shalt  }
0x76: {  	_ =	shalt  }
0x77: {  	_ =	shalt  }
0x78: {  	_ =	shalt  }
0x79: {  	_ =	shalt  }
0x7a: {  	_ =	shalt  }
0x7b: {  	_ =	shalt  }
0x7c: {  	_ =	shalt  }
0x7d: {  	_ =	shalt  }
0x7e: {  	_ =	shalt  }
0x7f: {  	_ =	shalt  }
0x80: {  	_ =	shalt  }
0x81: {  	_ =	shalt  }
0x82: {  	_ =	shalt  }
0x83: {  	_ =	shalt  }
0x84: {  	_ =	shalt  }
0x85: {  	_ =	shalt  }
0x86: {  	_ =	shalt  }
0x87: {  	_ =	shalt  }
.Lfunc_end0:
.L_simem_size_0:
called_computation_lowered:
.L_overlay_start_0:
0x88: {  	s2 =	sld [smem:$0x3FD9]  }
0x89: {  	s3 =	sld [smem:$0x3FFE];
	_ =	sdelay $0x1  }
0x8a: {  	s1 =	srdreg.scid  }
0x8b: {  	s0 =	sand.u32 $0x1, s1  }
0x8c: {  	s17 =	sshll.u32 s0, $0xA;
	s2 =	sadd.s32 s3, s2  }
0x8d: {  	s2 =	sadd.s32 s2, s17  }
0x8e: {  	[smem:$0x3FC0] =	sst s2  }
0x8f: {  	_ = 	snop  }
0x90: {  	s2 =	sld [smem:$0x3FC9];
	(tm) =	ssettm $0x1  }
0x91: {  	s18 =	sld [smem:$0x3FFB];
	_ =	sdelay $0x3  }
0x92: {  	_ =	strace s18  }
0x93: {  	s3 =	sld [smem:$0x3FFC];
	_ =	sdelay $0x3  }
0x94: {  	_ =	strace s3  }
0x95: {  	s3 =	sld [smem:$0x3FFD];
	_ =	sdelay $0x3  }
0x96: {  	_ =	strace s3  }
0x97: {  	_ =	strace $0x8FFFFFFF  }
0x98: {  	s19 =	sld [smem:$0x3FDB];
	_ =	sdelay $0x1  }
0x99: {  	s4 =	simm.s32 $_scs_section_size  }
0x9a: {  	s5 =	simm.s32 $_size__tile_overlayer_lowered;
	s6 =	simm.s32 $_tile_overlayer_lowered  }
0x9b: {  	s22 =	simm.s32 $0x1BFF;
	s21 =	sshll.u32 s6, $0x1;
	s3 =	sadd.s32 s4, s19  }
0x9c: {  	s7 =	simm.s32 $0x0;
	s20 =	sshll.u32 s5, $0x1;
	s5 =	sadd.s32 s21, s3  }
0x9d: {  	[timem:s7], [sflag:s22] =	dma.local [hbm:s5], s20  }
0x9e: {  	_ =	swait.ge [sflag:s22], s20  }
0x9f: {  	s4 =	ssub.s32 $0x0, s20;
	[sflag:s22] =	ssyncset.done $0x0  }
0xa0: {  	[sflag:s22] =	ssyncadd.s32 s4;
	_ =	sdelay $0x1  }
0xa1: {  	s23 =	simm.s32 $0x1B8B  }
0xa2: {  	_ =	swait.ge [sflag:s23], $0x1  }
0xa3: {  	[sflag:s23] =	ssyncset.done $0x0  }
0xa4: {  	s25 =	simm.s32 $0x1B8E;
	s24 =	sld [smem:$0x3FFE];
	[sflag:s23] =	ssyncadd.s32 $0xFFFFFFFF  }
0xa5: {  	s26 =	simm.s32 $execute0_lowered;
	[smem:$0x3FD2] =	sst s25  }
0xa6: {  	s5 =	sshll.u32 s26, $0x1;
	_ =	strace $0x80000046;
	[dreg:$0x1] =	wrdreg $0xFFFFFFFF  }
0xa7: {  	s28 =	simm.s32 $_size_execute0_lowered;
	s3 =	sadd.s32 s3, s5;
	[dreg:$0x0] =	wrdreg $0x0  }
0xa8: {  	s5 =	sshll.u32 s28, $0x1;
	[dreg:$0x2] =	wrdreg s3  }
0xa9: {  	[dreg:$0x3] =	wrdreg s5  }
0xaa: {  	[dreg:$0x4] =	wrdreg $0xC0  }
0xab: {  	_ =	task [dreg:s7], $0x5FFFF  }
0xac: {  	[dreg:$0x1] =	wrdreg $0xFFFFFFFF  }
0xad: {  	[dreg:$0x0] =	wrdreg $0x60  }
0xae: {  	[dreg:$0x2] =	wrdreg s2  }
0xaf: {  	[dreg:$0x3] =	wrdreg s24  }
0xb0: {  	[dreg:$0x4] =	wrdreg $0xAD000  }
0xb1: {  	[dreg:$0x5] =	wrdreg $0x9  }
0xb2: {  	_ =	task.clear_ibuf [dreg:s7], $0x6FFFF;
	_ =	strace $0x90000046  }
0xb3: {  	s29 =	simm.s32 $0x9;
	_ =	strace $0x80000048  }
0xb4: {  	_ =	swait.ge [sflag:s29], $0x1  }
0xb5: {  	[sflag:s29] =	ssyncadd.s32 $0xFFFFFFFF  }
0xb6: {  	_ =	strace $0x90000048  }
0xb7: {  	_ =	sfence  }
0xb8: {  	s30 =	sld [smem:$0x0];
	_ =	sdelay $0x2  }
0xb9: {  	s31 =	sshll.u32 s1, $0xD;
	s1 =	sshrl.u32 s1, $0x2  }
0xba: {  	s3 =	sand.u32 $0x4000, s31;
	s1 =	sadd.s32 s1, s30  }
0xbb: {  	s0 =	sor.u32 s3, s0;
	s1 =	sshll.u32 s1, $0x11  }
0xbc: {  	s0 =	sor.u32 s1, s0  }
0xbd: {  	s0 =	sadd.s32 $0x8F2B, s0  }
0xbe: {  	[sflag:s0] =	ssyncadd.remote.s32 $0x1  }
0xbf: {  	_ =	sfence.sel $0xFFFF  }
0xc0: {  	[dreg:$0x0] =	wrdreg $0xFFFFFFFF;
	(pc) =	sbr.abs _section_cstart, $3  }
0xc1: {  	[dreg:$0x1] =	wrdreg $0xFFFFFFFF  }
0xc2: {  	_ =	task.clear_ibuf [dreg:s7], $0x2FFFF;
	_ =	strace $0x9FFFFFFF  }
0xc3: {  	(tm) =	ssettm $0x7FFFFFFF  }
tec
execute0_lowered:
.L_overlay_start_1:
0x0: {  	(tag) =	ssettag $0x1  }
0x1: {  	s0 =	rddreg [dreg:$0x0]  }
0x2: {  	s2 =	rddreg [dreg:$0x1]  }
0x3: {  	s1 =	srdreg.scid;
	s3 =	rddreg [dreg:$0x2]  }
0x4: {  	s9 =	stileid.u32;
	s4 =	simm.s32 $0x0;
	s11 =	simm.s32 $0x3900  }
0x5: {  	s30 =	simm.s32 $0x3D00;
	s31 =	simm.s32 $0x4;
	s1 =	sand.u32 $0x1, s1  }
0x6: {  	[smem:$0x7FF] =	sst s4;
	s6 =	sadd.s32 $0x10400, s2;
	s7 =	smul.u32 $0x4F000, s9  }
0x7: {  	s13 =	smul.u32 $0x13C00, s9;
	s16 =	sadd.s32 $0x1F400, s2;
	s5 =	sshll.u32 s1, $0x4  }
0x8: {  	_ =	strace $0x80000047;
	s8 =	ssub.s32 $0x2, s1;
	p0 =	seq.s32 s1, $0x0  }
0x9: {  	s1 =	smul.u32 $0x13C000, s1;
	s5 =	sor.u32 s9, s5;
	s25 =	sshrl.u32 s8, $0x1  }
0xa: {  	s7 =	sshrl.u32 s7, $0x2;
	s18 =	sadd.s32 $0x3800, s13;
	s19 =	sadd.s32 $0x7000, s13  }
0xb: {  	s20 =	sadd.s32 $0xA800, s13;
	s21 =	sadd.s32 $0xE000, s13;
	s22 =	sadd.s32 $0x11800, s13  }
0xc: {  	s11 =	simm.s32 @!p0 $0x2100;
	s5 =	smul.u32 $0x3C00, s5;
	s17 =	ssub.s32 s8, s25  }
0xd: {  	s7 =	sadd.s32 s7, s3;
	s8 =	sadd.s32 s18, s3;
	s9 =	sadd.s32 s19, s3  }
0xe: {  	s10 =	sadd.s32 s20, s3;
	s12 =	sadd.s32 s21, s3;
	s24 =	sadd.s32 s13, s1  }
0xf: {  	s18 =	sadd.s32 s1, s18;
	s19 =	sadd.s32 s1, s19;
	s20 =	sadd.s32 s1, s20  }
0x10: {  	s21 =	sadd.s32 s1, s21;
	s1 =	sadd.s32 s1, s22;
	s13 =	sadd.s32 s22, s3  }
0x11: {  	s28 =	sor.u32 $0x80, s11;
	s29 =	sadd.s32 $0xFFFFFE00, s11;
	s24 =	sshrl.u32 s24, $0x3  }
0x12: {  	s25 =	sshrl.u32 s18, $0x3;
	s1 =	sshrl.u32 s1, $0x3;
	s14 =	sshrl.u32 s5, $0x3  }
0x13: {  	s23 =	sadd.s32 s5, s11;
	s1 =	sadd.s32 s16, s1;
	s15 =	sadd.s32 s14, s2  }
0x14: {  	s26 =	sadd.s32 $0xFFFFFF00, s23;
	s2 =	sadd.s32 $0x10410, s2;
	s23 =	sadd.s32 s6, s14  }
0x15: {  	[dreg:$0xc] =	wrdreg s1;
	s15 =	sadd.s32 $0x1400, s15;
	s22 =	sshrl.u32 s26, $0x3  }
0x16: {  	s1 =	simm.s32 $0x100;
	[dreg:$0x4] =	wrdreg s15;
	s15 =	sadd.s32 s22, s2  }
0x17: {  	s26 =	sshrl.u32 s19, $0x3;
	s2 =	sadd.s32 s14, s2;
	[dreg:$0x5] =	wrdreg s15  }
0x18: {  	s19 =	sshrl.u32 s20, $0x3;
	s14 =	sadd.s32 s16, s25;
	[dreg:$0x6] =	wrdreg s2  }
0x19: {  	s20 =	sshrl.u32 s21, $0x3;
	s18 =	sadd.s32 s16, s26;
	[dreg:$0x8] =	wrdreg s14  }
0x1a: {  	s21 =	sadd.s32 s16, s20;
	s26 =	smov.u32 s23;
	[dreg:$0x9] =	wrdreg s18  }
0x1b: {  	s23 =	sadd.s32 $0x20, s23;
	s25 =	sadd.s32 $0xFFFFFF80, s11;
	[dreg:$0xb] =	wrdreg s21  }
0x1c: {  	s20 =	simm.s32 $0x0;
	s2 =	sadd.s32 s16, s24;
	[dreg:$0xd] =	wrdreg s23  }
0x1d: {  	s24 =	smax.u32 s17, $0x1;
	[dreg:$0xf] =	wrdreg s25;
	s14 =	simm.s32 $0x70  }
0x1e: {  	s15 =	simm.s32 $0x1;
	s18 =	simm.s32 $0x7500;
	[dreg:$0x7] =	wrdreg s2  }
0x1f: {  	s2 =	sadd.s32 s16, s19;
	[dreg:$0xe] =	wrdreg s24;
	s16 =	simm.s32 $0x3  }
0x20: {  	v0 =	vimm.f32 $0.0e+00;
	s19 =	simm.s32 $0x2;
	[dreg:$0xa] =	wrdreg s2;
	s2 =	simm.s32 $0x80  }
.LBB2_1:
0x21: {  	s17 =	simm.s32 $0x0;
	s21 =	simm.s32 $0x200  }
.LBB2_2:
0x22: {  	p0 =	sne.s32 s21, $0xDE00;
	[tilespmem:s17+$0x3D70] =	vst v0  }
0x23: {  	[tilespmem:s17+$0x3D00] =	vst v0  }
0x24: {  	[tilespmem:s17+$0x3D10] =	vst v0  }
.Ltmp0:
0x25: {  	[tilespmem:s17+$0x3D20] =	vst v0;
	(pc) =	sbr.rel @p0 .LBB2_2-.Ltmp0, $4  }
0x26: {  	[tilespmem:s17+$0x3D30] =	vst v0  }
0x27: {  	[tilespmem:s17+$0x3D40] =	vst v0  }
0x28: {  	[tilespmem:s17+$0x3D50] =	vst v0  }
0x29: {  	[tilespmem:s17+$0x3D60] =	vst v0;
	s17 =	sshra.s32 s21, $0x2;
	s21 =	sadd.s32 $0x200, s21  }
0x2a: {  	[tilespmem:s17+$0x3D70] =	vst v0  }
0x2b: {  	[tilespmem:s17+$0x3D00] =	vst v0  }
0x2c: {  	[tilespmem:s17+$0x3D10] =	vst v0  }
0x2d: {  	[tilespmem:s17+$0x3D20] =	vst v0  }
0x2e: {  	[tilespmem:s17+$0x3D30] =	vst v0  }
0x2f: {  	[tilespmem:s17+$0x3D40] =	vst v0  }
0x30: {  	[tilespmem:s17+$0x3D50] =	vst v0  }
0x31: {  	[tilespmem:s17+$0x3D60] =	vst v0  }
0x32: {  	[spmem:s7] =	stream.linear.scatter [tilespmem:s30], [sflag:$0x4], $0x3800, $0x38;
	[tilespmem:$0x1E900] =	vst v63  }
0x33: {  	_ =	swait.ge [sflag:s31], $0x3800  }
0x34: {  	[sflag:s31] =	ssyncset.done $0x0  }
0x35: {  	[sflag:s31] =	ssyncadd.s32 $0xFFFFC800  }
0x36: {  	[spmem:s8] =	stream.linear.scatter [tilespmem:s30], [sflag:$0x4], $0x3800, $0x38;
	[tilespmem:$0x1E900] =	vst v63  }
0x37: {  	_ =	swait.ge [sflag:s31], $0x3800  }
0x38: {  	[sflag:s31] =	ssyncset.done $0x0  }
0x39: {  	[sflag:s31] =	ssyncadd.s32 $0xFFFFC800  }
0x3a: {  	[spmem:s9] =	stream.linear.scatter [tilespmem:s30], [sflag:$0x4], $0x3800, $0x38;
	[tilespmem:$0x1E900] =	vst v63  }
0x3b: {  	_ =	swait.ge [sflag:s31], $0x3800  }
0x3c: {  	[sflag:s31] =	ssyncset.done $0x0  }
0x3d: {  	[sflag:s31] =	ssyncadd.s32 $0xFFFFC800  }
0x3e: {  	[spmem:s10] =	stream.linear.scatter [tilespmem:s30], [sflag:$0x4], $0x3800, $0x38;
	[tilespmem:$0x1E900] =	vst v63  }
0x3f: {  	_ =	swait.ge [sflag:s31], $0x3800  }
0x40: {  	[sflag:s31] =	ssyncset.done $0x0  }
0x41: {  	[sflag:s31] =	ssyncadd.s32 $0xFFFFC800  }
0x42: {  	[spmem:s12] =	stream.linear.scatter [tilespmem:s30], [sflag:$0x4], $0x3800, $0x38;
	[tilespmem:$0x1E900] =	vst v63  }
0x43: {  	_ =	swait.ge [sflag:s31], $0x3800  }
0x44: {  	[sflag:s31] =	ssyncset.done $0x0  }
0x45: {  	[sflag:s31] =	ssyncadd.s32 $0xFFFFC800  }
0x46: {  	[spmem:s13] =	stream.linear.scatter [tilespmem:s30], [sflag:$0x4], $0x2400, $0x38;
	[tilespmem:$0x1E900] =	vst v63  }
0x47: {  	_ =	swait.ge [sflag:s31], $0x2400  }
0x48: {  	[sflag:s31] =	ssyncset.done $0x0  }
0x49: {  	s22 =	simm.s32 $0x0;
	s21 =	rddreg [dreg:$0x4];
	[sflag:s31] =	ssyncadd.s32 $0xFFFFDC00  }
0x4a: {  	[tilespmem:s1], [sflag:$0x4] =	stream.linear.gather [hbm4b:s21+s22], $0x3900, $0x38;
	[tilespmem:$0x1E900] =	vst v63  }
0x4b: {  	_ =	swait.ge [sflag:s31], $0x3900  }
0x4c: {  	[sflag:s31] =	ssyncset.done $0x0  }
0x4d: {  	[sflag:s31] =	ssyncadd.s32 $0xFFFFC700  }
0x4e: {  	[tilespmem:s22], [sflag:$0x4] =	stream.linear.gather [hbm4b:s26+s22], $0x80, $0x38;
	[tilespmem:$0x1E900] =	vst v63  }
0x4f: {  	_ =	swait.ge [sflag:s31], $0x80  }
0x50: {  	[sflag:s31] =	ssyncset.done $0x0  }
0x51: {  	s23 =	rddreg [dreg:$0x6];
	[sflag:s31] =	ssyncadd.s32 $0xFFFFFF80  }
0x52: {  	[tilespmem:s2], [sflag:$0x3] =	stream.linear.gather [hbm4b:s23+s22], $0x80, $0x38;
	[tilespmem:$0x1E900] =	vst v63  }
0x53: {  	_ = 	snop  }
0x54: {  	[tilespmem:s30], [sflag:$0x1] =	stream.indirect.gather [hbm4b:s0+s14], $0x80, s22, s14, $0xb8;
	[tilespmem:$0x1E900] =	vst v63  }
0x55: {  	[bflag:$0x0] =	sbarrier.arrive $0xFFFF  }
0x56: {  	_ =	swait.ge [sflag:s15], $0x3800  }
0x57: {  	[sflag:s15] =	ssyncset.done $0x0  }
0x58: {  	[sflag:s15] =	ssyncadd.s32 $0xFFFFC800  }
0x59: {  	_ =	swait.ge [sflag:s16], $0x80  }
0x5a: {  	[sflag:s16] =	ssyncset.done $0x0  }
0x5b: {  	s24 =	rddreg [dreg:$0xd];
	[sflag:s16] =	ssyncadd.s32 $0xFFFFFF80  }
0x5c: {  	[tilespmem:s22], [sflag:$0x3] =	stream.linear.gather [hbm4b:s24+s22], $0x80, $0x38;
	[tilespmem:$0x1E900] =	vst v63  }
0x5d: {  	_ = 	snop  }
0x5e: {  	[tilespmem:s18], [sflag:$0x1] =	stream.indirect.gather [hbm4b:s0+s14], $0x80, s2, s14, $0xb8;
	[tilespmem:$0x1E900] =	vst v63  }
0x5f: {  	_ = 	snop  }
0x60: {  	[spmem:s3] =	stream.indirect.scatter.add.f32 [tilespmem:s30], [sflag:$0x2], $0x80, s1, s14, $0xb8;
	[tilespmem:$0x1E900] =	vst v63  }
0x61: {  	_ =	swait.ge [sflag:s19], $0x3800  }
0x62: {  	[sflag:s19] =	ssyncset.done $0x0  }
0x63: {  	[sflag:s19] =	ssyncadd.s32 $0xFFFFC800  }
0x64: {  	s25 =	simm.s32 $0x180;
	_ =	swait.ge [sflag:s15], $0x3800  }
0x65: {  	s22 =	sand.u32 $0xFFFFFC00, s25;
	[sflag:s15] =	ssyncset.done $0x0  }
0x66: {  	s17 =	sand.u32 $0x380, s25;
	s21 =	sadd.s32 s5, s22;
	[sflag:s15] =	ssyncadd.s32 $0xFFFFC800  }
0x67: {  	s17 =	sor.u32 s17, s21;
	_ =	swait.ge [sflag:s16], $0x80  }
0x68: {  	s17 =	sshrl.u32 s17, $0x3;
	[sflag:s16] =	ssyncset.done $0x0  }
0x69: {  	s17 =	sadd.s32 s6, s17;
	[sflag:s16] =	ssyncadd.s32 $0xFFFFFF80  }
0x6a: {  	[tilespmem:s2], [sflag:$0x3] =	stream.linear.gather [hbm4b:s17+s4], $0x80, $0x38;
	[tilespmem:$0x1E900] =	vst v63  }
0x6b: {  	_ = 	snop  }
0x6c: {  	[tilespmem:s30], [sflag:$0x1] =	stream.indirect.gather [hbm4b:s0+s14], $0x80, s4, s14, $0xb8;
	[tilespmem:$0x1E900] =	vst v63  }
0x6d: {  	s23 =	simm.s32 $0x180  }
0x6e: {  	[spmem:s3] =	stream.indirect.scatter.add.f32 [tilespmem:s18], [sflag:$0x2], $0x80, s23, s14, $0xb8;
	[tilespmem:$0x1E900] =	vst v63  }
0x6f: {  	_ =	swait.ge [sflag:s19], $0x3800  }
0x70: {  	[sflag:s19] =	ssyncset.done $0x0  }
0x71: {  	[sflag:s19] =	ssyncadd.s32 $0xFFFFC800  }
0x72: {  	s24 =	simm.s32 $0x200;
	_ =	swait.ge [sflag:s15], $0x3800  }
0x73: {  	s25 =	sand.u32 $0xFFFFFC00, s24;
	[sflag:s15] =	ssyncset.done $0x0  }
0x74: {  	s21 =	sadd.s32 s5, s25;
	s17 =	sand.u32 $0x300, s24;
	[sflag:s15] =	ssyncadd.s32 $0xFFFFC800  }
0x75: {  	p0 =	sne.s32 s29, $0x100;
	s17 =	sor.u32 s17, s21;
	_ =	swait.ge [sflag:s16], $0x80  }
.Ltmp1:
0x76: {  	s17 =	sshrl.u32 s17, $0x3;
	[sflag:s16] =	ssyncset.done $0x0;
	(pc) =	sbr.rel @!p0 .LBB2_5-.Ltmp1, $4  }
0x77: {  	s17 =	sadd.s32 s6, s17;
	[sflag:s16] =	ssyncadd.s32 $0xFFFFFF80  }
0x78: {  	[tilespmem:s4], [sflag:$0x3] =	stream.linear.gather [hbm4b:s17+s4], $0x80, $0x38;
	[tilespmem:$0x1E900] =	vst v63  }
0x79: {  	s22 =	simm.s32 $0x200;
	s21 =	simm.s32 $0x300;
	s17 =	simm.s32 $0x100  }
0x7a: {  	[tilespmem:s18], [sflag:$0x1] =	stream.indirect.gather [hbm4b:s0+s14], $0x80, s2, s14, $0xb8;
	[tilespmem:$0x1E900] =	vst v63  }
.LBB2_4:
0x7b: {  	[spmem:s3] =	stream.indirect.scatter.add.f32 [tilespmem:s30], [sflag:$0x2], $0x80, s22, s14, $0xb8;
	[tilespmem:$0x1E900] =	vst v63  }
0x7c: {  	s23 =	smov.u32 s17;
	s17 =	sadd.s32 $0x100, s17;
	_ =	swait.ge [sflag:s19], $0x3800  }
0x7d: {  	s22 =	smov.u32 s21;
	p0 =	sne.s32 s29, s17;
	[sflag:s19] =	ssyncset.done $0x0  }
0x7e: {  	[sflag:s19] =	ssyncadd.s32 $0xFFFFC800  }
0x7f: {  	s24 =	sadd.s32 $0x180, s23;
	_ =	swait.ge [sflag:s15], $0x3800  }
0x80: {  	s25 =	sand.u32 $0xFFFFFC00, s24;
	[sflag:s15] =	ssyncset.done $0x0  }
0x81: {  	s24 =	sand.u32 $0x380, s24;
	s25 =	sadd.s32 s5, s25;
	[sflag:s15] =	ssyncadd.s32 $0xFFFFC800  }
0x82: {  	s24 =	sor.u32 s24, s25;
	_ =	swait.ge [sflag:s16], $0x80  }
0x83: {  	s24 =	sshrl.u32 s24, $0x3;
	[sflag:s16] =	ssyncset.done $0x0  }
0x84: {  	s24 =	sadd.s32 s6, s24;
	[sflag:s16] =	ssyncadd.s32 $0xFFFFFF80  }
0x85: {  	[tilespmem:s2], [sflag:$0x3] =	stream.linear.gather [hbm4b:s24+s4], $0x80, $0x38;
	[tilespmem:$0x1E900] =	vst v63  }
0x86: {  	_ = 	snop  }
0x87: {  	[tilespmem:s30], [sflag:$0x1] =	stream.indirect.gather [hbm4b:s0+s14], $0x80, s4, s14, $0xb8;
	[tilespmem:$0x1E900] =	vst v63  }
0x88: {  	s24 =	sadd.s32 $0xFFFFFF80, s21  }
0x89: {  	[spmem:s3] =	stream.indirect.scatter.add.f32 [tilespmem:s18], [sflag:$0x2], $0x80, s24, s14, $0xb8;
	[tilespmem:$0x1E900] =	vst v63  }
0x8a: {  	_ =	swait.ge [sflag:s19], $0x3800  }
0x8b: {  	[sflag:s19] =	ssyncset.done $0x0  }
0x8c: {  	[sflag:s19] =	ssyncadd.s32 $0xFFFFC800  }
0x8d: {  	s23 =	sadd.s32 $0x200, s23;
	_ =	swait.ge [sflag:s15], $0x3800  }
0x8e: {  	s24 =	sand.u32 $0xFFFFFC00, s23;
	[sflag:s15] =	ssyncset.done $0x0  }
0x8f: {  	s23 =	sand.u32 $0x300, s23;
	s24 =	sadd.s32 s5, s24;
	[sflag:s15] =	ssyncadd.s32 $0xFFFFC800  }
0x90: {  	s23 =	sor.u32 s23, s24;
	_ =	swait.ge [sflag:s16], $0x80  }
0x91: {  	s23 =	sshrl.u32 s23, $0x3;
	[sflag:s16] =	ssyncset.done $0x0  }
.Ltmp2:
0x92: {  	s23 =	sadd.s32 s6, s23;
	[sflag:s16] =	ssyncadd.s32 $0xFFFFFF80;
	(pc) =	sbr.rel @p0 .LBB2_4-.Ltmp2, $4  }
0x93: {  	[tilespmem:s4], [sflag:$0x3] =	stream.linear.gather [hbm4b:s23+s4], $0x80, $0x38;
	[tilespmem:$0x1E900] =	vst v63  }
0x94: {  	_ = 	snop  }
0x95: {  	[tilespmem:s18], [sflag:$0x1] =	stream.indirect.gather [hbm4b:s0+s14], $0x80, s2, s14, $0xb8;
	[tilespmem:$0x1E900] =	vst v63  }
0x96: {  	s21 =	sadd.s32 $0x100, s21  }
.LBB2_5:
0x97: {  	[spmem:s3] =	stream.indirect.scatter.add.f32 [tilespmem:s30], [sflag:$0x2], $0x80, s22, s14, $0xb8;
	[tilespmem:$0x1E900] =	vst v63  }
0x98: {  	_ =	swait.ge [sflag:s19], $0x3800  }
0x99: {  	[sflag:s19] =	ssyncset.done $0x0  }
0x9a: {  	[sflag:s19] =	ssyncadd.s32 $0xFFFFC800  }
0x9b: {  	_ =	swait.ge [sflag:s15], $0x3800  }
0x9c: {  	[sflag:s15] =	ssyncset.done $0x0  }
0x9d: {  	[sflag:s15] =	ssyncadd.s32 $0xFFFFC800  }
0x9e: {  	_ =	swait.ge [sflag:s16], $0x80  }
0x9f: {  	[sflag:s16] =	ssyncset.done $0x0  }
0xa0: {  	s17 =	rddreg [dreg:$0x5];
	[sflag:s16] =	ssyncadd.s32 $0xFFFFFF80  }
0xa1: {  	[tilespmem:s2], [sflag:$0x3] =	stream.linear.gather [hbm4b:s17+s4], $0x80, $0x38;
	[tilespmem:$0x1E900] =	vst v63  }
0xa2: {  	_ = 	snop  }
0xa3: {  	[tilespmem:s30], [sflag:$0x1] =	stream.indirect.gather [hbm4b:s0+s14], $0x80, s4, s14, $0xb8;
	[tilespmem:$0x1E900] =	vst v63  }
0xa4: {  	s23 =	rddreg [dreg:$0xf]  }
0xa5: {  	[spmem:s3] =	stream.indirect.scatter.add.f32 [tilespmem:s18], [sflag:$0x2], $0x80, s23, s14, $0xb8;
	[tilespmem:$0x1E900] =	vst v63  }
0xa6: {  	_ =	swait.ge [sflag:s19], $0x3800  }
0xa7: {  	[sflag:s19] =	ssyncset.done $0x0  }
0xa8: {  	[sflag:s19] =	ssyncadd.s32 $0xFFFFC800  }
0xa9: {  	_ =	swait.ge [sflag:s15], $0x3800  }
0xaa: {  	[sflag:s15] =	ssyncset.done $0x0  }
0xab: {  	[sflag:s15] =	ssyncadd.s32 $0xFFFFC800  }
0xac: {  	_ =	swait.ge [sflag:s16], $0x80  }
0xad: {  	[sflag:s16] =	ssyncset.done $0x0  }
0xae: {  	[sflag:s16] =	ssyncadd.s32 $0xFFFFFF80  }
0xaf: {  	[tilespmem:s18], [sflag:$0x1] =	stream.indirect.gather [hbm4b:s0+s14], $0x80, s2, s14, $0xb8;
	[tilespmem:$0x1E900] =	vst v63  }
0xb0: {  	_ = 	snop  }
0xb1: {  	[spmem:s3] =	stream.indirect.scatter.add.f32 [tilespmem:s30], [sflag:$0x2], $0x80, s11, s14, $0xb8;
	[tilespmem:$0x1E900] =	vst v63  }
0xb2: {  	_ =	swait.ge [sflag:s19], $0x3800  }
0xb3: {  	[sflag:s19] =	ssyncset.done $0x0  }
0xb4: {  	[sflag:s19] =	ssyncadd.s32 $0xFFFFC800  }
0xb5: {  	_ =	swait.ge [sflag:s15], $0x3800  }
0xb6: {  	[sflag:s15] =	ssyncset.done $0x0  }
0xb7: {  	[sflag:s15] =	ssyncadd.s32 $0xFFFFC800  }
0xb8: {  	[spmem:s3] =	stream.indirect.scatter.add.f32 [tilespmem:s18], [sflag:$0x2], $0x80, s28, s14, $0xb8;
	[tilespmem:$0x1E900] =	vst v63  }
0xb9: {  	_ =	swait.ge [sflag:s19], $0x3800  }
0xba: {  	[sflag:s19] =	ssyncset.done $0x0  }
0xbb: {  	s24 =	stileid.u32;
	[sflag:s19] =	ssyncadd.s32 $0xFFFFC800  }
0xbc: {  	s17 =	sshll.u32 s24, $0x6;
	[bflag:$0x0] =	sbarrier.arrive $0xFFFF  }
0xbd: {  	s21 =	sshrl.u32 s7, $0x3;
	s17 =	sor.u32 $0x1C04, s17;
	s25 =	rddreg [dreg:$0x7]  }
0xbe: {  	[hbm:s25], [sflag:s17] =	dma.local [spmem:s21], $0x700  }
0xbf: {  	_ =	swait.ge [sflag:s31], $0x700  }
0xc0: {  	[sflag:s31] =	ssyncset.done $0x0  }
0xc1: {  	s22 =	sshrl.u32 s8, $0x3;
	s23 =	rddreg [dreg:$0x8];
	[sflag:s31] =	ssyncadd.s32 $0xFFFFF900  }
0xc2: {  	[hbm:s23], [sflag:s17] =	dma.local [spmem:s22], $0x700  }
0xc3: {  	_ =	swait.ge [sflag:s31], $0x700  }
0xc4: {  	[sflag:s31] =	ssyncset.done $0x0  }
0xc5: {  	s24 =	sshrl.u32 s9, $0x3;
	s25 =	rddreg [dreg:$0x9];
	[sflag:s31] =	ssyncadd.s32 $0xFFFFF900  }
0xc6: {  	[hbm:s25], [sflag:s17] =	dma.local [spmem:s24], $0x700  }
0xc7: {  	_ =	swait.ge [sflag:s31], $0x700  }
0xc8: {  	[sflag:s31] =	ssyncset.done $0x0  }
0xc9: {  	s22 =	sshrl.u32 s10, $0x3;
	s23 =	rddreg [dreg:$0xa];
	[sflag:s31] =	ssyncadd.s32 $0xFFFFF900  }
0xca: {  	[hbm:s23], [sflag:s17] =	dma.local [spmem:s22], $0x700  }
0xcb: {  	_ =	swait.ge [sflag:s31], $0x700  }
0xcc: {  	[sflag:s31] =	ssyncset.done $0x0  }
0xcd: {  	s24 =	sshrl.u32 s12, $0x3;
	s25 =	rddreg [dreg:$0xb];
	[sflag:s31] =	ssyncadd.s32 $0xFFFFF900  }
0xce: {  	[hbm:s25], [sflag:s17] =	dma.local [spmem:s24], $0x700  }
0xcf: {  	_ =	swait.ge [sflag:s31], $0x700  }
0xd0: {  	[sflag:s31] =	ssyncset.done $0x0  }
0xd1: {  	s23 =	sshrl.u32 s13, $0x3;
	s24 =	rddreg [dreg:$0xc];
	[sflag:s31] =	ssyncadd.s32 $0xFFFFF900  }
0xd2: {  	[hbm:s24], [sflag:s17] =	dma.local [spmem:s23], $0x480  }
0xd3: {  	_ =	swait.ge [sflag:s31], $0x480  }
0xd4: {  	s20 =	sadd.s32 $0x1, s20;
	s25 =	rddreg [dreg:$0xe]  }
0xd5: {  	p0 =	sne.s32 s20, s25  }
.Ltmp3:
0xd6: {  	_ = 	snop;
	(pc) =	sbr.rel @p0 .LBB2_1-.Ltmp3, $3  }
0xd7: {  	_ =	sdelay $0x1  }
0xd8: {  	[sflag:s31] =	ssyncset.done $0x0  }
0xd9: {  	[sflag:s31] =	ssyncadd.s32 $0xFFFFFB80  }
0xda: {  	_ =	sfence.sel $0x180000  }
0xdb: {  	[bflag:$0x0] =	sbarrier.arrive $0xFFFF  }
0xdc: {  	_ =	strace $0x90000047  }
0xdd: {  	s0 =	stileid.u32;
	[bflag:$0x2] =	sbarrier.arrive $0xFFFF  }
0xde: {  	p0 =	sne.s32 s0, $0x0;
	s0 =	rddreg [dreg:$0x3]  }
0xdf: {  	s0 =	sadd.s32 @!p0 $0x100000, s0  }
0xe0: {  	[sflag:s0] =	ssyncadd.tile.s32 @!p0 $0x1;
	_ =	shalt  }
.Lfunc_end2:
_tile_overlayer_lowered:
.L_overlay_start_2:
0xe1: {  	(tag) =	ssettag $0x2  }
0xe2: {  	s0 =	rddreg [dreg:$0x0];
	s2 =	stileid.u32  }
0xe3: {  	s1 =	rddreg [dreg:$0x1];
	p0 =	sne.s32 s2, $0x0  }
0xe4: {  	s3 =	rddreg [dreg:$0x2];
	[bflag:$0x3] =	sbarrier.arrive $0xFFFF;
	s2 =	simm.s32 @!p0 $0x1C04  }
0xe5: {  	[timem:s3], [sflag:s2] =	dma.local @!p0 [hbm:s0], s1  }
0xe6: {  	s0 =	simm.s32 @!p0 $0x4  }
0xe7: {  	_ =	swait.ge @!p0 [sflag:s0], s1  }
0xe8: {  	s1 =	ssub.s32 @!p0 $0x0, s1;
	[sflag:s0] =	ssyncset.done @!p0 $0x0  }
0xe9: {  	[sflag:s0] =	ssyncadd.s32 @!p0 s1  }
0xea: {  	[bflag:$0x3] =	sbarrier.arrive $0xFFFF  }
0xeb: {  	_ =	shalt  }

</sc_bundles>
